<compile_context>
chip_gen: v7x
topology: tpu7x:2x2x1
jax: 0.10.2.dev20260603
libtpu: 0.0.44.dev20260713+nightly
codegen_flags: <defaults>
</compile_context>

<pallas_src>
import functools

import jax
import jax.numpy as jnp
from jax import lax
from jax.experimental import pallas as pl
from jax.experimental.pallas import tpu as pltpu
from jax.experimental.pallas import tpu_sc as plsc

_F = 64
_D = 1024
_NC = 2
_NS = 16
_NW = _NC * _NS
_GW = 80
_TP = 8192
_RB = 1024
_K = 8


def _tc_transpose_pad(mt):
    v = mt.shape[1]
    nb = pl.cdiv(v, _TP)

    def body(m_ref, o_ref):
        xt = jnp.transpose(m_ref[...], (1, 0))
        o_ref[...] = jnp.concatenate(
            [xt, jnp.zeros((_TP, _F), jnp.float32)], axis=1
        )

    return pl.pallas_call(
        body,
        grid=(nb,),
        in_specs=[
            pl.BlockSpec((_F, _TP), lambda i: (0, i)),
        ],
        out_specs=pl.BlockSpec((_TP, 2 * _F), lambda i: (i, 0)),
        out_shape=jax.ShapeDtypeStruct((v, 2 * _F), jnp.float32),
    )(mt)


def _sc_gather(tpad, idx):
    n = idx.shape[0]
    per_w = n // _NW
    kc = per_w // _GW
    assert per_w % _GW == 0 and n % _NW == 0
    mesh = plsc.VectorSubcoreMesh(core_axis_name="c", subcore_axis_name="s")

    @functools.partial(
        pl.kernel,
        mesh=mesh,
        out_type=jax.ShapeDtypeStruct((n, 2 * _F), jnp.float32),
        scratch_types=[
            pltpu.VMEM((per_w,), jnp.int32),
            pltpu.VMEM((_GW, 2 * _F), jnp.float32),
            pltpu.SemaphoreType.DMA,
        ],
    )
    def k(tab_hbm, idx_hbm, out_hbm, idx_v, rows_v, sem):
        wid = lax.axis_index("s") * _NC + lax.axis_index("c")
        base = wid * per_w
        pltpu.sync_copy(idx_hbm.at[pl.ds(base, per_w)], idx_v)

        @pl.loop(0, kc)
        def _(j):
            off = j * _GW
            pltpu.async_copy(
                tab_hbm.at[idx_v.at[pl.ds(off, _GW)]], rows_v, sem
            ).wait()
            pltpu.sync_copy(rows_v, out_hbm.at[pl.ds(base + off, _GW)])

    return k(tpad, idx)


def _tc_project_chunk(acc, emb2, w, b2d, n_total, blk_off):
    nc = emb2.shape[0]
    nb = nc // _RB

    def body(*refs):
        e_ref, w_ref, b_ref, o_ref = refs[-4:]
        o_ref[...] = lax.dot_general(
            e_ref[:, :_F], w_ref[...], (((1,), (1,)), ((), ())),
            preferred_element_type=jnp.float32,
        ) + b_ref[...]

    specs = [
        pl.BlockSpec((_RB, 2 * _F), lambda i: (i, 0)),
        pl.BlockSpec((_D, _F), lambda i: (0, 0)),
        pl.BlockSpec((1, _D), lambda i: (0, 0)),
    ]
    out_spec = pl.BlockSpec((_RB, _D), lambda i: (blk_off + i, 0))
    out_shape = jax.ShapeDtypeStruct((n_total, _D), jnp.float32)
    if acc is None:
        return pl.pallas_call(
            body,
            grid=(nb,),
            in_specs=specs,
            out_specs=out_spec,
            out_shape=out_shape,
        )(emb2, w, b2d)
    return pl.pallas_call(
        body,
        grid=(nb,),
        in_specs=[pl.BlockSpec(memory_space=pltpu.MemorySpace.HBM)] + specs,
        out_specs=out_spec,
        out_shape=out_shape,
        input_output_aliases={0: 0},
    )(acc, emb2, w, b2d)


def kernel(x, main_embed, W_proj, b_proj):
    bsz, seq = x.shape
    n = bsz * seq
    nc = n // _K
    xf = x.reshape(n).astype(jnp.int32)
    tpad = _tc_transpose_pad(main_embed.T)
    b2d = b_proj.reshape(1, _D)
    embs = [
        _sc_gather(tpad, lax.dynamic_slice_in_dim(xf, k * nc, nc))
        for k in range(_K)
    ]
    out = None
    for k in range(_K):
        out = _tc_project_chunk(
            out, embs[k], W_proj, b2d, n, k * (nc // _RB)
        )
    return out.reshape(bsz, seq, _D)

# --- scband reference (transcript-rebuilt; emitter-appended) ---
"""Pipeline reference for scband-token-embedding-3410204033409 (READ-ONLY COPY).

The authoritative reference and input builder live on the scoring server;
editing this copy changes nothing except your own understanding.
"""

import jax, jax.numpy as jnp
import numpy as np

VOCAB = 1000000
FACTOR = 64
DMODEL = 1024
B = 1024
L = 200

def setup_inputs(seed: int = 0) -> dict:
    key = jax.random.key(seed)
    k1, k2, k3, k4 = jax.random.split(key, 4)
    x = jax.random.randint(k1, (B, L), 0, VOCAB, dtype=jnp.int64) if jax.config.jax_enable_x64 else jax.random.randint(k1, (B, L), 0, VOCAB, dtype=jnp.int32)
    # embedding table (nn.Embedding default init: N(0,1))
    main_embed = jax.random.normal(k2, (VOCAB, FACTOR), dtype=jnp.float32)
    # linear layer (kaiming-uniform-ish: U(-1/sqrt(fan_in), 1/sqrt(fan_in)))
    bound = 1.0 / np.sqrt(FACTOR)
    W_proj = jax.random.uniform(k3, (DMODEL, FACTOR), dtype=jnp.float32, minval=-bound, maxval=bound)
    b_proj = jax.random.uniform(k4, (DMODEL,), dtype=jnp.float32, minval=-bound, maxval=bound)
    return {"x": x, "main_embed": main_embed, "W_proj": W_proj, "b_proj": b_proj}

def reference(x, main_embed, W_proj, b_proj):
    # factorized embedding: gather from [vocab, factor_dim] then project to d_model
    emb = jnp.take(main_embed, x, axis=0)            # [B, L, factor_dim]
    out = jnp.einsum('blf,df->bld', emb, W_proj) + b_proj  # [B, L, d_model]
    return out

if __name__ == "__main__":
    import jax
    _d = setup_inputs()
    print(jax.jit(kernel)(*tuple(_d.values())))

</pallas_src>

<mosaic_0001>
#map = affine_map<(d0, d1) -> (0, 0)>
#map1 = affine_map<(d0, d1) -> (0)>
module attributes {stable_mosaic.version = 14 : i64} {
  func.func @k(%arg0: i32, %arg1: i32, %arg2: memref<1000000x128xf32, #tpu.memory_space<hbm>>, %arg3: memref<25600xi32, #tpu.memory_space<hbm>>, %arg4: memref<25600x128xf32, #tpu.memory_space<hbm>>, %arg5: memref<800xi32, #tpu.memory_space<vmem>>, %arg6: memref<80x128xf32, #tpu.memory_space<vmem>>, %arg7: memref<!tpu.dma_semaphore, #tpu.memory_space<semaphore_mem>>) attributes {dimension_semantics = [#tpu.dimension_semantics<core_parallel>, #tpu.dimension_semantics<subcore_parallel>], iteration_bounds = array<i64: 2, 16>, scalar_prefetch = 0 : i64, scratch_operands = 3 : i64, tpu.core_type = #tpu.core_type<sc_vector_subcore>, window_params = [{transform_indices = #map}, {transform_indices = #map1}, {transform_indices = #map}]} {
    %mul3A = arith.constant 2 : i32
    %mul3A_0 = arith.muli %arg1, %mul3A : i32
    %add3A = arith.addi %mul3A_0, %arg0 : i32
    %mul3A_1 = arith.constant 800 : i32
    %mul3A_2 = arith.muli %add3A, %mul3A_1 : i32
    "tpu.region"() ({
      %run_scoped3A = tpu.sem_alloc : memref<!tpu.dma_semaphore, #tpu.memory_space<semaphore_mem>>
      %dma_start3A = tpu.memref_slice %arg3[%mul3A_2] : memref<25600xi32, #tpu.memory_space<hbm>> -> memref<800xi32, #tpu.memory_space<hbm>>
      %dma_start3A_7 = tpu.memref_slice %arg3[%mul3A_2] : memref<25600xi32, #tpu.memory_space<hbm>> -> memref<800xi32, #tpu.memory_space<hbm>>
      tpu.enqueue_dma source(%dma_start3A_7 : memref<800xi32, #tpu.memory_space<hbm>>) target(%arg5 : memref<800xi32, #tpu.memory_space<vmem>>) target_semaphore(%run_scoped3A : memref<!tpu.dma_semaphore, #tpu.memory_space<semaphore_mem>>)
      %dma_wait3A = tpu.memref_slice %arg3[%mul3A_2] : memref<25600xi32, #tpu.memory_space<hbm>> -> memref<800xi32, #tpu.memory_space<hbm>>
      %dma_wait3A_8 = tpu.memref_slice %arg3[%mul3A_2] : memref<25600xi32, #tpu.memory_space<hbm>> -> memref<800xi32, #tpu.memory_space<hbm>>
      tpu.wait_dma2 semaphore(%run_scoped3A : memref<!tpu.dma_semaphore, #tpu.memory_space<semaphore_mem>>) src(%dma_wait3A_8 : memref<800xi32, #tpu.memory_space<hbm>>) dst(%arg5 : memref<800xi32, #tpu.memory_space<vmem>>)
      tpu.yield
    }) : () -> ()
    %scan3A = arith.constant 0 : i32
    %scan3A_3 = arith.constant 10 : i32
    %scan3A_4 = arith.addi %scan3A, %scan3A_3 : i32
    %scan3A_5 = arith.constant 1 : i32
    scf.for %scan3A_7 = %scan3A to %scan3A_4 step %scan3A_5  : i32 {
      %mul3A_8 = arith.constant 1 : i32
      %mul3A_9 = arith.muli %scan3A_7, %mul3A_8 : i32
      %add3A_10 = arith.constant 0 : i32
      %add3A_11 = arith.addi %add3A_10, %mul3A_9 : i32
      %mul3A_12 = arith.constant 80 : i32
      %mul3A_13 = arith.muli %add3A_11, %mul3A_12 : i32
      %dma_start3A = tpu.memref_slice %arg5[%mul3A_13] : memref<800xi32, #tpu.memory_space<vmem>> -> memref<80xi32, #tpu.memory_space<vmem>>
      %dma_start3A_14 = arith.constant 0 : i32
      %dma_start3A_15 = arith.constant 0 : i32
      %dma_start3A_16 = tpu.memref_slice %arg2[%dma_start3A_14, %dma_start3A_15] : memref<1000000x128xf32, #tpu.memory_space<hbm>> -> memref<1000000x128xf32, #tpu.memory_space<hbm>>
      tpu.enqueue_indirect_dma source(%dma_start3A_16 : memref<1000000x128xf32, #tpu.memory_space<hbm>>) target(%arg6 : memref<80x128xf32, #tpu.memory_space<vmem>>) offsets(%dma_start3A : memref<80xi32, #tpu.memory_space<vmem>>) semaphore(%arg7 : memref<!tpu.dma_semaphore, #tpu.memory_space<semaphore_mem>>)
      %dma_wait3A = tpu.memref_slice %arg5[%mul3A_13] : memref<800xi32, #tpu.memory_space<vmem>> -> memref<80xi32, #tpu.memory_space<vmem>>
      %dma_wait3A_17 = arith.constant 0 : i32
      %dma_wait3A_18 = arith.constant 0 : i32
      %dma_wait3A_19 = tpu.memref_slice %arg2[%dma_wait3A_17, %dma_wait3A_18] : memref<1000000x128xf32, #tpu.memory_space<hbm>> -> memref<1000000x128xf32, #tpu.memory_space<hbm>>
      tpu.wait_indirect_dma semaphore(%arg7 : memref<!tpu.dma_semaphore, #tpu.memory_space<semaphore_mem>>) src(%dma_wait3A_19 : memref<1000000x128xf32, #tpu.memory_space<hbm>>) dst(%arg6 : memref<80x128xf32, #tpu.memory_space<vmem>>)
      %add3A_20 = arith.addi %mul3A_2, %mul3A_13 : i32
      "tpu.region"() ({
        %run_scoped3A = tpu.sem_alloc : memref<!tpu.dma_semaphore, #tpu.memory_space<semaphore_mem>>
        %dma_start3A_21 = arith.constant 0 : i32
        %dma_start3A_22 = tpu.memref_slice %arg4[%add3A_20, %dma_start3A_21] : memref<25600x128xf32, #tpu.memory_space<hbm>> -> memref<80x128xf32, #tpu.memory_space<hbm>>
        %dma_start3A_23 = arith.constant 0 : i32
        %dma_start3A_24 = tpu.memref_slice %arg4[%add3A_20, %dma_start3A_23] : memref<25600x128xf32, #tpu.memory_space<hbm>> -> memref<80x128xf32, #tpu.memory_space<hbm>>
        tpu.enqueue_dma source(%arg6 : memref<80x128xf32, #tpu.memory_space<vmem>>) target(%dma_start3A_24 : memref<80x128xf32, #tpu.memory_space<hbm>>) target_semaphore(%run_scoped3A : memref<!tpu.dma_semaphore, #tpu.memory_space<semaphore_mem>>)
        %dma_wait3A_25 = arith.constant 0 : i32
        %dma_wait3A_26 = tpu.memref_slice %arg4[%add3A_20, %dma_wait3A_25] : memref<25600x128xf32, #tpu.memory_space<hbm>> -> memref<80x128xf32, #tpu.memory_space<hbm>>
        %dma_wait3A_27 = arith.constant 0 : i32
        %dma_wait3A_28 = tpu.memref_slice %arg4[%add3A_20, %dma_wait3A_27] : memref<25600x128xf32, #tpu.memory_space<hbm>> -> memref<80x128xf32, #tpu.memory_space<hbm>>
        tpu.wait_dma2 semaphore(%run_scoped3A : memref<!tpu.dma_semaphore, #tpu.memory_space<semaphore_mem>>) src(%arg6 : memref<80x128xf32, #tpu.memory_space<vmem>>) dst(%dma_wait3A_28 : memref<80x128xf32, #tpu.memory_space<hbm>>)
        tpu.yield
      }) : () -> ()
    }
    %scan3A_6 = arith.constant 10 : i32
    return
  }
}

#map = affine_map<(d0, d1) -> (0, 0)>
#map1 = affine_map<(d0, d1) -> (0)>
module attributes {stable_mosaic.version = 14 : i64} {
  func.func @k(%arg0: i32, %arg1: i32, %arg2: memref<1000000x128xf32, #tpu.memory_space<hbm>>, %arg3: memref<25600xi32, #tpu.memory_space<hbm>>, %arg4: memref<25600x128xf32, #tpu.memory_space<hbm>>, %arg5: memref<800xi32, #tpu.memory_space<vmem>>, %arg6: memref<80x128xf32, #tpu.memory_space<vmem>>, %arg7: memref<!tpu.dma_semaphore, #tpu.memory_space<semaphore_mem>>) attributes {dimension_semantics = [#tpu.dimension_semantics<core_parallel>, #tpu.dimension_semantics<subcore_parallel>], iteration_bounds = array<i64: 2, 16>, scalar_prefetch = 0 : i64, scratch_operands = 3 : i64, tpu.core_type = #tpu.core_type<sc_vector_subcore>, window_params = [{transform_indices = #map}, {transform_indices = #map1}, {transform_indices = #map}]} {
    %mul3A = arith.constant 2 : i32
    %mul3A_0 = arith.muli %arg1, %mul3A : i32
    %add3A = arith.addi %mul3A_0, %arg0 : i32
    %mul3A_1 = arith.constant 800 : i32
    %mul3A_2 = arith.muli %add3A, %mul3A_1 : i32
    "tpu.region"() ({
      %run_scoped3A = tpu.sem_alloc : memref<!tpu.dma_semaphore, #tpu.memory_space<semaphore_mem>>
      %dma_start3A = tpu.memref_slice %arg3[%mul3A_2] : memref<25600xi32, #tpu.memory_space<hbm>> -> memref<800xi32, #tpu.memory_space<hbm>>
      %dma_start3A_7 = tpu.memref_slice %arg3[%mul3A_2] : memref<25600xi32, #tpu.memory_space<hbm>> -> memref<800xi32, #tpu.memory_space<hbm>>
      tpu.enqueue_dma source(%dma_start3A_7 : memref<800xi32, #tpu.memory_space<hbm>>) target(%arg5 : memref<800xi32, #tpu.memory_space<vmem>>) target_semaphore(%run_scoped3A : memref<!tpu.dma_semaphore, #tpu.memory_space<semaphore_mem>>)
      %dma_wait3A = tpu.memref_slice %arg3[%mul3A_2] : memref<25600xi32, #tpu.memory_space<hbm>> -> memref<800xi32, #tpu.memory_space<hbm>>
      %dma_wait3A_8 = tpu.memref_slice %arg3[%mul3A_2] : memref<25600xi32, #tpu.memory_space<hbm>> -> memref<800xi32, #tpu.memory_space<hbm>>
      tpu.wait_dma2 semaphore(%run_scoped3A : memref<!tpu.dma_semaphore, #tpu.memory_space<semaphore_mem>>) src(%dma_wait3A_8 : memref<800xi32, #tpu.memory_space<hbm>>) dst(%arg5 : memref<800xi32, #tpu.memory_space<vmem>>)
      tpu.yield
    }) : () -> ()
    %scan3A = arith.constant 0 : i32
    %scan3A_3 = arith.constant 10 : i32
    %scan3A_4 = arith.addi %scan3A, %scan3A_3 : i32
    %scan3A_5 = arith.constant 1 : i32
    scf.for %scan3A_7 = %scan3A to %scan3A_4 step %scan3A_5  : i32 {
      %mul3A_8 = arith.constant 1 : i32
      %mul3A_9 = arith.muli %scan3A_7, %mul3A_8 : i32
      %add3A_10 = arith.constant 0 : i32
      %add3A_11 = arith.addi %add3A_10, %mul3A_9 : i32
      %mul3A_12 = arith.constant 80 : i32
      %mul3A_13 = arith.muli %add3A_11, %mul3A_12 : i32
      %dma_start3A = tpu.memref_slice %arg5[%mul3A_13] : memref<800xi32, #tpu.memory_space<vmem>> -> memref<80xi32, #tpu.memory_space<vmem>>
      %dma_start3A_14 = arith.constant 0 : i32
      %dma_start3A_15 = arith.constant 0 : i32
      %dma_start3A_16 = tpu.memref_slice %arg2[%dma_start3A_14, %dma_start3A_15] : memref<1000000x128xf32, #tpu.memory_space<hbm>> -> memref<1000000x128xf32, #tpu.memory_space<hbm>>
      tpu.enqueue_indirect_dma source(%dma_start3A_16 : memref<1000000x128xf32, #tpu.memory_space<hbm>>) target(%arg6 : memref<80x128xf32, #tpu.memory_space<vmem>>) offsets(%dma_start3A : memref<80xi32, #tpu.memory_space<vmem>>) semaphore(%arg7 : memref<!tpu.dma_semaphore, #tpu.memory_space<semaphore_mem>>)
      %dma_wait3A = tpu.memref_slice %arg5[%mul3A_13] : memref<800xi32, #tpu.memory_space<vmem>> -> memref<80xi32, #tpu.memory_space<vmem>>
      %dma_wait3A_17 = arith.constant 0 : i32
      %dma_wait3A_18 = arith.constant 0 : i32
      %dma_wait3A_19 = tpu.memref_slice %arg2[%dma_wait3A_17, %dma_wait3A_18] : memref<1000000x128xf32, #tpu.memory_space<hbm>> -> memref<1000000x128xf32, #tpu.memory_space<hbm>>
      tpu.wait_indirect_dma semaphore(%arg7 : memref<!tpu.dma_semaphore, #tpu.memory_space<semaphore_mem>>) src(%dma_wait3A_19 : memref<1000000x128xf32, #tpu.memory_space<hbm>>) dst(%arg6 : memref<80x128xf32, #tpu.memory_space<vmem>>)
      %add3A_20 = arith.addi %mul3A_2, %mul3A_13 : i32
      "tpu.region"() ({
        %run_scoped3A = tpu.sem_alloc : memref<!tpu.dma_semaphore, #tpu.memory_space<semaphore_mem>>
        %dma_start3A_21 = arith.constant 0 : i32
        %dma_start3A_22 = tpu.memref_slice %arg4[%add3A_20, %dma_start3A_21] : memref<25600x128xf32, #tpu.memory_space<hbm>> -> memref<80x128xf32, #tpu.memory_space<hbm>>
        %dma_start3A_23 = arith.constant 0 : i32
        %dma_start3A_24 = tpu.memref_slice %arg4[%add3A_20, %dma_start3A_23] : memref<25600x128xf32, #tpu.memory_space<hbm>> -> memref<80x128xf32, #tpu.memory_space<hbm>>
        tpu.enqueue_dma source(%arg6 : memref<80x128xf32, #tpu.memory_space<vmem>>) target(%dma_start3A_24 : memref<80x128xf32, #tpu.memory_space<hbm>>) target_semaphore(%run_scoped3A : memref<!tpu.dma_semaphore, #tpu.memory_space<semaphore_mem>>)
        %dma_wait3A_25 = arith.constant 0 : i32
        %dma_wait3A_26 = tpu.memref_slice %arg4[%add3A_20, %dma_wait3A_25] : memref<25600x128xf32, #tpu.memory_space<hbm>> -> memref<80x128xf32, #tpu.memory_space<hbm>>
        %dma_wait3A_27 = arith.constant 0 : i32
        %dma_wait3A_28 = tpu.memref_slice %arg4[%add3A_20, %dma_wait3A_27] : memref<25600x128xf32, #tpu.memory_space<hbm>> -> memref<80x128xf32, #tpu.memory_space<hbm>>
        tpu.wait_dma2 semaphore(%run_scoped3A : memref<!tpu.dma_semaphore, #tpu.memory_space<semaphore_mem>>) src(%arg6 : memref<80x128xf32, #tpu.memory_space<vmem>>) dst(%dma_wait3A_28 : memref<80x128xf32, #tpu.memory_space<hbm>>)
        tpu.yield
      }) : () -> ()
    }
    %scan3A_6 = arith.constant 10 : i32
    return
  }
}

#map = affine_map<(d0, d1) -> (0, 0)>
#map1 = affine_map<(d0, d1) -> (0)>
module attributes {stable_mosaic.version = 14 : i64} {
  func.func @k(%arg0: i32, %arg1: i32, %arg2: memref<1000000x128xf32, #tpu.memory_space<hbm>>, %arg3: memref<25600xi32, #tpu.memory_space<hbm>>, %arg4: memref<25600x128xf32, #tpu.memory_space<hbm>>, %arg5: memref<800xi32, #tpu.memory_space<vmem>>, %arg6: memref<80x128xf32, #tpu.memory_space<vmem>>, %arg7: memref<!tpu.dma_semaphore, #tpu.memory_space<semaphore_mem>>) attributes {dimension_semantics = [#tpu.dimension_semantics<core_parallel>, #tpu.dimension_semantics<subcore_parallel>], iteration_bounds = array<i64: 2, 16>, scalar_prefetch = 0 : i64, scratch_operands = 3 : i64, tpu.core_type = #tpu.core_type<sc_vector_subcore>, window_params = [{transform_indices = #map}, {transform_indices = #map1}, {transform_indices = #map}]} {
    %mul3A = arith.constant 2 : i32
    %mul3A_0 = arith.muli %arg1, %mul3A : i32
    %add3A = arith.addi %mul3A_0, %arg0 : i32
    %mul3A_1 = arith.constant 800 : i32
    %mul3A_2 = arith.muli %add3A, %mul3A_1 : i32
    "tpu.region"() ({
      %run_scoped3A = tpu.sem_alloc : memref<!tpu.dma_semaphore, #tpu.memory_space<semaphore_mem>>
      %dma_start3A = tpu.memref_slice %arg3[%mul3A_2] : memref<25600xi32, #tpu.memory_space<hbm>> -> memref<800xi32, #tpu.memory_space<hbm>>
      %dma_start3A_7 = tpu.memref_slice %arg3[%mul3A_2] : memref<25600xi32, #tpu.memory_space<hbm>> -> memref<800xi32, #tpu.memory_space<hbm>>
      tpu.enqueue_dma source(%dma_start3A_7 : memref<800xi32, #tpu.memory_space<hbm>>) target(%arg5 : memref<800xi32, #tpu.memory_space<vmem>>) target_semaphore(%run_scoped3A : memref<!tpu.dma_semaphore, #tpu.memory_space<semaphore_mem>>)
      %dma_wait3A = tpu.memref_slice %arg3[%mul3A_2] : memref<25600xi32, #tpu.memory_space<hbm>> -> memref<800xi32, #tpu.memory_space<hbm>>
      %dma_wait3A_8 = tpu.memref_slice %arg3[%mul3A_2] : memref<25600xi32, #tpu.memory_space<hbm>> -> memref<800xi32, #tpu.memory_space<hbm>>
      tpu.wait_dma2 semaphore(%run_scoped3A : memref<!tpu.dma_semaphore, #tpu.memory_space<semaphore_mem>>) src(%dma_wait3A_8 : memref<800xi32, #tpu.memory_space<hbm>>) dst(%arg5 : memref<800xi32, #tpu.memory_space<vmem>>)
      tpu.yield
    }) : () -> ()
    %scan3A = arith.constant 0 : i32
    %scan3A_3 = arith.constant 10 : i32
    %scan3A_4 = arith.addi %scan3A, %scan3A_3 : i32
    %scan3A_5 = arith.constant 1 : i32
    scf.for %scan3A_7 = %scan3A to %scan3A_4 step %scan3A_5  : i32 {
      %mul3A_8 = arith.constant 1 : i32
      %mul3A_9 = arith.muli %scan3A_7, %mul3A_8 : i32
      %add3A_10 = arith.constant 0 : i32
      %add3A_11 = arith.addi %add3A_10, %mul3A_9 : i32
      %mul3A_12 = arith.constant 80 : i32
      %mul3A_13 = arith.muli %add3A_11, %mul3A_12 : i32
      %dma_start3A = tpu.memref_slice %arg5[%mul3A_13] : memref<800xi32, #tpu.memory_space<vmem>> -> memref<80xi32, #tpu.memory_space<vmem>>
      %dma_start3A_14 = arith.constant 0 : i32
      %dma_start3A_15 = arith.constant 0 : i32
      %dma_start3A_16 = tpu.memref_slice %arg2[%dma_start3A_14, %dma_start3A_15] : memref<1000000x128xf32, #tpu.memory_space<hbm>> -> memref<1000000x128xf32, #tpu.memory_space<hbm>>
      tpu.enqueue_indirect_dma source(%dma_start3A_16 : memref<1000000x128xf32, #tpu.memory_space<hbm>>) target(%arg6 : memref<80x128xf32, #tpu.memory_space<vmem>>) offsets(%dma_start3A : memref<80xi32, #tpu.memory_space<vmem>>) semaphore(%arg7 : memref<!tpu.dma_semaphore, #tpu.memory_space<semaphore_mem>>)
      %dma_wait3A = tpu.memref_slice %arg5[%mul3A_13] : memref<800xi32, #tpu.memory_space<vmem>> -> memref<80xi32, #tpu.memory_space<vmem>>
      %dma_wait3A_17 = arith.constant 0 : i32
      %dma_wait3A_18 = arith.constant 0 : i32
      %dma_wait3A_19 = tpu.memref_slice %arg2[%dma_wait3A_17, %dma_wait3A_18] : memref<1000000x128xf32, #tpu.memory_space<hbm>> -> memref<1000000x128xf32, #tpu.memory_space<hbm>>
      tpu.wait_indirect_dma semaphore(%arg7 : memref<!tpu.dma_semaphore, #tpu.memory_space<semaphore_mem>>) src(%dma_wait3A_19 : memref<1000000x128xf32, #tpu.memory_space<hbm>>) dst(%arg6 : memref<80x128xf32, #tpu.memory_space<vmem>>)
      %add3A_20 = arith.addi %mul3A_2, %mul3A_13 : i32
      "tpu.region"() ({
        %run_scoped3A = tpu.sem_alloc : memref<!tpu.dma_semaphore, #tpu.memory_space<semaphore_mem>>
        %dma_start3A_21 = arith.constant 0 : i32
        %dma_start3A_22 = tpu.memref_slice %arg4[%add3A_20, %dma_start3A_21] : memref<25600x128xf32, #tpu.memory_space<hbm>> -> memref<80x128xf32, #tpu.memory_space<hbm>>
        %dma_start3A_23 = arith.constant 0 : i32
        %dma_start3A_24 = tpu.memref_slice %arg4[%add3A_20, %dma_start3A_23] : memref<25600x128xf32, #tpu.memory_space<hbm>> -> memref<80x128xf32, #tpu.memory_space<hbm>>
        tpu.enqueue_dma source(%arg6 : memref<80x128xf32, #tpu.memory_space<vmem>>) target(%dma_start3A_24 : memref<80x128xf32, #tpu.memory_space<hbm>>) target_semaphore(%run_scoped3A : memref<!tpu.dma_semaphore, #tpu.memory_space<semaphore_mem>>)
        %dma_wait3A_25 = arith.constant 0 : i32
        %dma_wait3A_26 = tpu.memref_slice %arg4[%add3A_20, %dma_wait3A_25] : memref<25600x128xf32, #tpu.memory_space<hbm>> -> memref<80x128xf32, #tpu.memory_space<hbm>>
        %dma_wait3A_27 = arith.constant 0 : i32
        %dma_wait3A_28 = tpu.memref_slice %arg4[%add3A_20, %dma_wait3A_27] : memref<25600x128xf32, #tpu.memory_space<hbm>> -> memref<80x128xf32, #tpu.memory_space<hbm>>
        tpu.wait_dma2 semaphore(%run_scoped3A : memref<!tpu.dma_semaphore, #tpu.memory_space<semaphore_mem>>) src(%arg6 : memref<80x128xf32, #tpu.memory_space<vmem>>) dst(%dma_wait3A_28 : memref<80x128xf32, #tpu.memory_space<hbm>>)
        tpu.yield
      }) : () -> ()
    }
    %scan3A_6 = arith.constant 10 : i32
    return
  }
}

#map = affine_map<(d0, d1) -> (0, 0)>
#map1 = affine_map<(d0, d1) -> (0)>
module attributes {stable_mosaic.version = 14 : i64} {
  func.func @k(%arg0: i32, %arg1: i32, %arg2: memref<1000000x128xf32, #tpu.memory_space<hbm>>, %arg3: memref<25600xi32, #tpu.memory_space<hbm>>, %arg4: memref<25600x128xf32, #tpu.memory_space<hbm>>, %arg5: memref<800xi32, #tpu.memory_space<vmem>>, %arg6: memref<80x128xf32, #tpu.memory_space<vmem>>, %arg7: memref<!tpu.dma_semaphore, #tpu.memory_space<semaphore_mem>>) attributes {dimension_semantics = [#tpu.dimension_semantics<core_parallel>, #tpu.dimension_semantics<subcore_parallel>], iteration_bounds = array<i64: 2, 16>, scalar_prefetch = 0 : i64, scratch_operands = 3 : i64, tpu.core_type = #tpu.core_type<sc_vector_subcore>, window_params = [{transform_indices = #map}, {transform_indices = #map1}, {transform_indices = #map}]} {
    %mul3A = arith.constant 2 : i32
    %mul3A_0 = arith.muli %arg1, %mul3A : i32
    %add3A = arith.addi %mul3A_0, %arg0 : i32
    %mul3A_1 = arith.constant 800 : i32
    %mul3A_2 = arith.muli %add3A, %mul3A_1 : i32
    "tpu.region"() ({
      %run_scoped3A = tpu.sem_alloc : memref<!tpu.dma_semaphore, #tpu.memory_space<semaphore_mem>>
      %dma_start3A = tpu.memref_slice %arg3[%mul3A_2] : memref<25600xi32, #tpu.memory_space<hbm>> -> memref<800xi32, #tpu.memory_space<hbm>>
      %dma_start3A_7 = tpu.memref_slice %arg3[%mul3A_2] : memref<25600xi32, #tpu.memory_space<hbm>> -> memref<800xi32, #tpu.memory_space<hbm>>
      tpu.enqueue_dma source(%dma_start3A_7 : memref<800xi32, #tpu.memory_space<hbm>>) target(%arg5 : memref<800xi32, #tpu.memory_space<vmem>>) target_semaphore(%run_scoped3A : memref<!tpu.dma_semaphore, #tpu.memory_space<semaphore_mem>>)
      %dma_wait3A = tpu.memref_slice %arg3[%mul3A_2] : memref<25600xi32, #tpu.memory_space<hbm>> -> memref<800xi32, #tpu.memory_space<hbm>>
      %dma_wait3A_8 = tpu.memref_slice %arg3[%mul3A_2] : memref<25600xi32, #tpu.memory_space<hbm>> -> memref<800xi32, #tpu.memory_space<hbm>>
      tpu.wait_dma2 semaphore(%run_scoped3A : memref<!tpu.dma_semaphore, #tpu.memory_space<semaphore_mem>>) src(%dma_wait3A_8 : memref<800xi32, #tpu.memory_space<hbm>>) dst(%arg5 : memref<800xi32, #tpu.memory_space<vmem>>)
      tpu.yield
    }) : () -> ()
    %scan3A = arith.constant 0 : i32
    %scan3A_3 = arith.constant 10 : i32
    %scan3A_4 = arith.addi %scan3A, %scan3A_3 : i32
    %scan3A_5 = arith.constant 1 : i32
    scf.for %scan3A_7 = %scan3A to %scan3A_4 step %scan3A_5  : i32 {
      %mul3A_8 = arith.constant 1 : i32
      %mul3A_9 = arith.muli %scan3A_7, %mul3A_8 : i32
      %add3A_10 = arith.constant 0 : i32
      %add3A_11 = arith.addi %add3A_10, %mul3A_9 : i32
      %mul3A_12 = arith.constant 80 : i32
      %mul3A_13 = arith.muli %add3A_11, %mul3A_12 : i32
      %dma_start3A = tpu.memref_slice %arg5[%mul3A_13] : memref<800xi32, #tpu.memory_space<vmem>> -> memref<80xi32, #tpu.memory_space<vmem>>
      %dma_start3A_14 = arith.constant 0 : i32
      %dma_start3A_15 = arith.constant 0 : i32
      %dma_start3A_16 = tpu.memref_slice %arg2[%dma_start3A_14, %dma_start3A_15] : memref<1000000x128xf32, #tpu.memory_space<hbm>> -> memref<1000000x128xf32, #tpu.memory_space<hbm>>
      tpu.enqueue_indirect_dma source(%dma_start3A_16 : memref<1000000x128xf32, #tpu.memory_space<hbm>>) target(%arg6 : memref<80x128xf32, #tpu.memory_space<vmem>>) offsets(%dma_start3A : memref<80xi32, #tpu.memory_space<vmem>>) semaphore(%arg7 : memref<!tpu.dma_semaphore, #tpu.memory_space<semaphore_mem>>)
      %dma_wait3A = tpu.memref_slice %arg5[%mul3A_13] : memref<800xi32, #tpu.memory_space<vmem>> -> memref<80xi32, #tpu.memory_space<vmem>>
      %dma_wait3A_17 = arith.constant 0 : i32
      %dma_wait3A_18 = arith.constant 0 : i32
      %dma_wait3A_19 = tpu.memref_slice %arg2[%dma_wait3A_17, %dma_wait3A_18] : memref<1000000x128xf32, #tpu.memory_space<hbm>> -> memref<1000000x128xf32, #tpu.memory_space<hbm>>
      tpu.wait_indirect_dma semaphore(%arg7 : memref<!tpu.dma_semaphore, #tpu.memory_space<semaphore_mem>>) src(%dma_wait3A_19 : memref<1000000x128xf32, #tpu.memory_space<hbm>>) dst(%arg6 : memref<80x128xf32, #tpu.memory_space<vmem>>)
      %add3A_20 = arith.addi %mul3A_2, %mul3A_13 : i32
      "tpu.region"() ({
        %run_scoped3A = tpu.sem_alloc : memref<!tpu.dma_semaphore, #tpu.memory_space<semaphore_mem>>
        %dma_start3A_21 = arith.constant 0 : i32
        %dma_start3A_22 = tpu.memref_slice %arg4[%add3A_20, %dma_start3A_21] : memref<25600x128xf32, #tpu.memory_space<hbm>> -> memref<80x128xf32, #tpu.memory_space<hbm>>
        %dma_start3A_23 = arith.constant 0 : i32
        %dma_start3A_24 = tpu.memref_slice %arg4[%add3A_20, %dma_start3A_23] : memref<25600x128xf32, #tpu.memory_space<hbm>> -> memref<80x128xf32, #tpu.memory_space<hbm>>
        tpu.enqueue_dma source(%arg6 : memref<80x128xf32, #tpu.memory_space<vmem>>) target(%dma_start3A_24 : memref<80x128xf32, #tpu.memory_space<hbm>>) target_semaphore(%run_scoped3A : memref<!tpu.dma_semaphore, #tpu.memory_space<semaphore_mem>>)
        %dma_wait3A_25 = arith.constant 0 : i32
        %dma_wait3A_26 = tpu.memref_slice %arg4[%add3A_20, %dma_wait3A_25] : memref<25600x128xf32, #tpu.memory_space<hbm>> -> memref<80x128xf32, #tpu.memory_space<hbm>>
        %dma_wait3A_27 = arith.constant 0 : i32
        %dma_wait3A_28 = tpu.memref_slice %arg4[%add3A_20, %dma_wait3A_27] : memref<25600x128xf32, #tpu.memory_space<hbm>> -> memref<80x128xf32, #tpu.memory_space<hbm>>
        tpu.wait_dma2 semaphore(%run_scoped3A : memref<!tpu.dma_semaphore, #tpu.memory_space<semaphore_mem>>) src(%arg6 : memref<80x128xf32, #tpu.memory_space<vmem>>) dst(%dma_wait3A_28 : memref<80x128xf32, #tpu.memory_space<hbm>>)
        tpu.yield
      }) : () -> ()
    }
    %scan3A_6 = arith.constant 10 : i32
    return
  }
}

#map = affine_map<(d0, d1) -> (0, 0)>
#map1 = affine_map<(d0, d1) -> (0)>
module attributes {stable_mosaic.version = 14 : i64} {
  func.func @k(%arg0: i32, %arg1: i32, %arg2: memref<1000000x128xf32, #tpu.memory_space<hbm>>, %arg3: memref<25600xi32, #tpu.memory_space<hbm>>, %arg4: memref<25600x128xf32, #tpu.memory_space<hbm>>, %arg5: memref<800xi32, #tpu.memory_space<vmem>>, %arg6: memref<80x128xf32, #tpu.memory_space<vmem>>, %arg7: memref<!tpu.dma_semaphore, #tpu.memory_space<semaphore_mem>>) attributes {dimension_semantics = [#tpu.dimension_semantics<core_parallel>, #tpu.dimension_semantics<subcore_parallel>], iteration_bounds = array<i64: 2, 16>, scalar_prefetch = 0 : i64, scratch_operands = 3 : i64, tpu.core_type = #tpu.core_type<sc_vector_subcore>, window_params = [{transform_indices = #map}, {transform_indices = #map1}, {transform_indices = #map}]} {
    %mul3A = arith.constant 2 : i32
    %mul3A_0 = arith.muli %arg1, %mul3A : i32
    %add3A = arith.addi %mul3A_0, %arg0 : i32
    %mul3A_1 = arith.constant 800 : i32
    %mul3A_2 = arith.muli %add3A, %mul3A_1 : i32
    "tpu.region"() ({
      %run_scoped3A = tpu.sem_alloc : memref<!tpu.dma_semaphore, #tpu.memory_space<semaphore_mem>>
      %dma_start3A = tpu.memref_slice %arg3[%mul3A_2] : memref<25600xi32, #tpu.memory_space<hbm>> -> memref<800xi32, #tpu.memory_space<hbm>>
      %dma_start3A_7 = tpu.memref_slice %arg3[%mul3A_2] : memref<25600xi32, #tpu.memory_space<hbm>> -> memref<800xi32, #tpu.memory_space<hbm>>
      tpu.enqueue_dma source(%dma_start3A_7 : memref<800xi32, #tpu.memory_space<hbm>>) target(%arg5 : memref<800xi32, #tpu.memory_space<vmem>>) target_semaphore(%run_scoped3A : memref<!tpu.dma_semaphore, #tpu.memory_space<semaphore_mem>>)
      %dma_wait3A = tpu.memref_slice %arg3[%mul3A_2] : memref<25600xi32, #tpu.memory_space<hbm>> -> memref<800xi32, #tpu.memory_space<hbm>>
      %dma_wait3A_8 = tpu.memref_slice %arg3[%mul3A_2] : memref<25600xi32, #tpu.memory_space<hbm>> -> memref<800xi32, #tpu.memory_space<hbm>>
      tpu.wait_dma2 semaphore(%run_scoped3A : memref<!tpu.dma_semaphore, #tpu.memory_space<semaphore_mem>>) src(%dma_wait3A_8 : memref<800xi32, #tpu.memory_space<hbm>>) dst(%arg5 : memref<800xi32, #tpu.memory_space<vmem>>)
      tpu.yield
    }) : () -> ()
    %scan3A = arith.constant 0 : i32
    %scan3A_3 = arith.constant 10 : i32
    %scan3A_4 = arith.addi %scan3A, %scan3A_3 : i32
    %scan3A_5 = arith.constant 1 : i32
    scf.for %scan3A_7 = %scan3A to %scan3A_4 step %scan3A_5  : i32 {
      %mul3A_8 = arith.constant 1 : i32
      %mul3A_9 = arith.muli %scan3A_7, %mul3A_8 : i32
      %add3A_10 = arith.constant 0 : i32
      %add3A_11 = arith.addi %add3A_10, %mul3A_9 : i32
      %mul3A_12 = arith.constant 80 : i32
      %mul3A_13 = arith.muli %add3A_11, %mul3A_12 : i32
      %dma_start3A = tpu.memref_slice %arg5[%mul3A_13] : memref<800xi32, #tpu.memory_space<vmem>> -> memref<80xi32, #tpu.memory_space<vmem>>
      %dma_start3A_14 = arith.constant 0 : i32
      %dma_start3A_15 = arith.constant 0 : i32
      %dma_start3A_16 = tpu.memref_slice %arg2[%dma_start3A_14, %dma_start3A_15] : memref<1000000x128xf32, #tpu.memory_space<hbm>> -> memref<1000000x128xf32, #tpu.memory_space<hbm>>
      tpu.enqueue_indirect_dma source(%dma_start3A_16 : memref<1000000x128xf32, #tpu.memory_space<hbm>>) target(%arg6 : memref<80x128xf32, #tpu.memory_space<vmem>>) offsets(%dma_start3A : memref<80xi32, #tpu.memory_space<vmem>>) semaphore(%arg7 : memref<!tpu.dma_semaphore, #tpu.memory_space<semaphore_mem>>)
      %dma_wait3A = tpu.memref_slice %arg5[%mul3A_13] : memref<800xi32, #tpu.memory_space<vmem>> -> memref<80xi32, #tpu.memory_space<vmem>>
      %dma_wait3A_17 = arith.constant 0 : i32
      %dma_wait3A_18 = arith.constant 0 : i32
      %dma_wait3A_19 = tpu.memref_slice %arg2[%dma_wait3A_17, %dma_wait3A_18] : memref<1000000x128xf32, #tpu.memory_space<hbm>> -> memref<1000000x128xf32, #tpu.memory_space<hbm>>
      tpu.wait_indirect_dma semaphore(%arg7 : memref<!tpu.dma_semaphore, #tpu.memory_space<semaphore_mem>>) src(%dma_wait3A_19 : memref<1000000x128xf32, #tpu.memory_space<hbm>>) dst(%arg6 : memref<80x128xf32, #tpu.memory_space<vmem>>)
      %add3A_20 = arith.addi %mul3A_2, %mul3A_13 : i32
      "tpu.region"() ({
        %run_scoped3A = tpu.sem_alloc : memref<!tpu.dma_semaphore, #tpu.memory_space<semaphore_mem>>
        %dma_start3A_21 = arith.constant 0 : i32
        %dma_start3A_22 = tpu.memref_slice %arg4[%add3A_20, %dma_start3A_21] : memref<25600x128xf32, #tpu.memory_space<hbm>> -> memref<80x128xf32, #tpu.memory_space<hbm>>
        %dma_start3A_23 = arith.constant 0 : i32
        %dma_start3A_24 = tpu.memref_slice %arg4[%add3A_20, %dma_start3A_23] : memref<25600x128xf32, #tpu.memory_space<hbm>> -> memref<80x128xf32, #tpu.memory_space<hbm>>
        tpu.enqueue_dma source(%arg6 : memref<80x128xf32, #tpu.memory_space<vmem>>) target(%dma_start3A_24 : memref<80x128xf32, #tpu.memory_space<hbm>>) target_semaphore(%run_scoped3A : memref<!tpu.dma_semaphore, #tpu.memory_space<semaphore_mem>>)
        %dma_wait3A_25 = arith.constant 0 : i32
        %dma_wait3A_26 = tpu.memref_slice %arg4[%add3A_20, %dma_wait3A_25] : memref<25600x128xf32, #tpu.memory_space<hbm>> -> memref<80x128xf32, #tpu.memory_space<hbm>>
        %dma_wait3A_27 = arith.constant 0 : i32
        %dma_wait3A_28 = tpu.memref_slice %arg4[%add3A_20, %dma_wait3A_27] : memref<25600x128xf32, #tpu.memory_space<hbm>> -> memref<80x128xf32, #tpu.memory_space<hbm>>
        tpu.wait_dma2 semaphore(%run_scoped3A : memref<!tpu.dma_semaphore, #tpu.memory_space<semaphore_mem>>) src(%arg6 : memref<80x128xf32, #tpu.memory_space<vmem>>) dst(%dma_wait3A_28 : memref<80x128xf32, #tpu.memory_space<hbm>>)
        tpu.yield
      }) : () -> ()
    }
    %scan3A_6 = arith.constant 10 : i32
    return
  }
}

#map = affine_map<(d0, d1) -> (0, 0)>
#map1 = affine_map<(d0, d1) -> (0)>
module attributes {stable_mosaic.version = 14 : i64} {
  func.func @k(%arg0: i32, %arg1: i32, %arg2: memref<1000000x128xf32, #tpu.memory_space<hbm>>, %arg3: memref<25600xi32, #tpu.memory_space<hbm>>, %arg4: memref<25600x128xf32, #tpu.memory_space<hbm>>, %arg5: memref<800xi32, #tpu.memory_space<vmem>>, %arg6: memref<80x128xf32, #tpu.memory_space<vmem>>, %arg7: memref<!tpu.dma_semaphore, #tpu.memory_space<semaphore_mem>>) attributes {dimension_semantics = [#tpu.dimension_semantics<core_parallel>, #tpu.dimension_semantics<subcore_parallel>], iteration_bounds = array<i64: 2, 16>, scalar_prefetch = 0 : i64, scratch_operands = 3 : i64, tpu.core_type = #tpu.core_type<sc_vector_subcore>, window_params = [{transform_indices = #map}, {transform_indices = #map1}, {transform_indices = #map}]} {
    %mul3A = arith.constant 2 : i32
    %mul3A_0 = arith.muli %arg1, %mul3A : i32
    %add3A = arith.addi %mul3A_0, %arg0 : i32
    %mul3A_1 = arith.constant 800 : i32
    %mul3A_2 = arith.muli %add3A, %mul3A_1 : i32
    "tpu.region"() ({
      %run_scoped3A = tpu.sem_alloc : memref<!tpu.dma_semaphore, #tpu.memory_space<semaphore_mem>>
      %dma_start3A = tpu.memref_slice %arg3[%mul3A_2] : memref<25600xi32, #tpu.memory_space<hbm>> -> memref<800xi32, #tpu.memory_space<hbm>>
      %dma_start3A_7 = tpu.memref_slice %arg3[%mul3A_2] : memref<25600xi32, #tpu.memory_space<hbm>> -> memref<800xi32, #tpu.memory_space<hbm>>
      tpu.enqueue_dma source(%dma_start3A_7 : memref<800xi32, #tpu.memory_space<hbm>>) target(%arg5 : memref<800xi32, #tpu.memory_space<vmem>>) target_semaphore(%run_scoped3A : memref<!tpu.dma_semaphore, #tpu.memory_space<semaphore_mem>>)
      %dma_wait3A = tpu.memref_slice %arg3[%mul3A_2] : memref<25600xi32, #tpu.memory_space<hbm>> -> memref<800xi32, #tpu.memory_space<hbm>>
      %dma_wait3A_8 = tpu.memref_slice %arg3[%mul3A_2] : memref<25600xi32, #tpu.memory_space<hbm>> -> memref<800xi32, #tpu.memory_space<hbm>>
      tpu.wait_dma2 semaphore(%run_scoped3A : memref<!tpu.dma_semaphore, #tpu.memory_space<semaphore_mem>>) src(%dma_wait3A_8 : memref<800xi32, #tpu.memory_space<hbm>>) dst(%arg5 : memref<800xi32, #tpu.memory_space<vmem>>)
      tpu.yield
    }) : () -> ()
    %scan3A = arith.constant 0 : i32
    %scan3A_3 = arith.constant 10 : i32
    %scan3A_4 = arith.addi %scan3A, %scan3A_3 : i32
    %scan3A_5 = arith.constant 1 : i32
    scf.for %scan3A_7 = %scan3A to %scan3A_4 step %scan3A_5  : i32 {
      %mul3A_8 = arith.constant 1 : i32
      %mul3A_9 = arith.muli %scan3A_7, %mul3A_8 : i32
      %add3A_10 = arith.constant 0 : i32
      %add3A_11 = arith.addi %add3A_10, %mul3A_9 : i32
      %mul3A_12 = arith.constant 80 : i32
      %mul3A_13 = arith.muli %add3A_11, %mul3A_12 : i32
      %dma_start3A = tpu.memref_slice %arg5[%mul3A_13] : memref<800xi32, #tpu.memory_space<vmem>> -> memref<80xi32, #tpu.memory_space<vmem>>
      %dma_start3A_14 = arith.constant 0 : i32
      %dma_start3A_15 = arith.constant 0 : i32
      %dma_start3A_16 = tpu.memref_slice %arg2[%dma_start3A_14, %dma_start3A_15] : memref<1000000x128xf32, #tpu.memory_space<hbm>> -> memref<1000000x128xf32, #tpu.memory_space<hbm>>
      tpu.enqueue_indirect_dma source(%dma_start3A_16 : memref<1000000x128xf32, #tpu.memory_space<hbm>>) target(%arg6 : memref<80x128xf32, #tpu.memory_space<vmem>>) offsets(%dma_start3A : memref<80xi32, #tpu.memory_space<vmem>>) semaphore(%arg7 : memref<!tpu.dma_semaphore, #tpu.memory_space<semaphore_mem>>)
      %dma_wait3A = tpu.memref_slice %arg5[%mul3A_13] : memref<800xi32, #tpu.memory_space<vmem>> -> memref<80xi32, #tpu.memory_space<vmem>>
      %dma_wait3A_17 = arith.constant 0 : i32
      %dma_wait3A_18 = arith.constant 0 : i32
      %dma_wait3A_19 = tpu.memref_slice %arg2[%dma_wait3A_17, %dma_wait3A_18] : memref<1000000x128xf32, #tpu.memory_space<hbm>> -> memref<1000000x128xf32, #tpu.memory_space<hbm>>
      tpu.wait_indirect_dma semaphore(%arg7 : memref<!tpu.dma_semaphore, #tpu.memory_space<semaphore_mem>>) src(%dma_wait3A_19 : memref<1000000x128xf32, #tpu.memory_space<hbm>>) dst(%arg6 : memref<80x128xf32, #tpu.memory_space<vmem>>)
      %add3A_20 = arith.addi %mul3A_2, %mul3A_13 : i32
      "tpu.region"() ({
        %run_scoped3A = tpu.sem_alloc : memref<!tpu.dma_semaphore, #tpu.memory_space<semaphore_mem>>
        %dma_start3A_21 = arith.constant 0 : i32
        %dma_start3A_22 = tpu.memref_slice %arg4[%add3A_20, %dma_start3A_21] : memref<25600x128xf32, #tpu.memory_space<hbm>> -> memref<80x128xf32, #tpu.memory_space<hbm>>
        %dma_start3A_23 = arith.constant 0 : i32
        %dma_start3A_24 = tpu.memref_slice %arg4[%add3A_20, %dma_start3A_23] : memref<25600x128xf32, #tpu.memory_space<hbm>> -> memref<80x128xf32, #tpu.memory_space<hbm>>
        tpu.enqueue_dma source(%arg6 : memref<80x128xf32, #tpu.memory_space<vmem>>) target(%dma_start3A_24 : memref<80x128xf32, #tpu.memory_space<hbm>>) target_semaphore(%run_scoped3A : memref<!tpu.dma_semaphore, #tpu.memory_space<semaphore_mem>>)
        %dma_wait3A_25 = arith.constant 0 : i32
        %dma_wait3A_26 = tpu.memref_slice %arg4[%add3A_20, %dma_wait3A_25] : memref<25600x128xf32, #tpu.memory_space<hbm>> -> memref<80x128xf32, #tpu.memory_space<hbm>>
        %dma_wait3A_27 = arith.constant 0 : i32
        %dma_wait3A_28 = tpu.memref_slice %arg4[%add3A_20, %dma_wait3A_27] : memref<25600x128xf32, #tpu.memory_space<hbm>> -> memref<80x128xf32, #tpu.memory_space<hbm>>
        tpu.wait_dma2 semaphore(%run_scoped3A : memref<!tpu.dma_semaphore, #tpu.memory_space<semaphore_mem>>) src(%arg6 : memref<80x128xf32, #tpu.memory_space<vmem>>) dst(%dma_wait3A_28 : memref<80x128xf32, #tpu.memory_space<hbm>>)
        tpu.yield
      }) : () -> ()
    }
    %scan3A_6 = arith.constant 10 : i32
    return
  }
}

#map = affine_map<(d0, d1) -> (0, 0)>
#map1 = affine_map<(d0, d1) -> (0)>
module attributes {stable_mosaic.version = 14 : i64} {
  func.func @k(%arg0: i32, %arg1: i32, %arg2: memref<1000000x128xf32, #tpu.memory_space<hbm>>, %arg3: memref<25600xi32, #tpu.memory_space<hbm>>, %arg4: memref<25600x128xf32, #tpu.memory_space<hbm>>, %arg5: memref<800xi32, #tpu.memory_space<vmem>>, %arg6: memref<80x128xf32, #tpu.memory_space<vmem>>, %arg7: memref<!tpu.dma_semaphore, #tpu.memory_space<semaphore_mem>>) attributes {dimension_semantics = [#tpu.dimension_semantics<core_parallel>, #tpu.dimension_semantics<subcore_parallel>], iteration_bounds = array<i64: 2, 16>, scalar_prefetch = 0 : i64, scratch_operands = 3 : i64, tpu.core_type = #tpu.core_type<sc_vector_subcore>, window_params = [{transform_indices = #map}, {transform_indices = #map1}, {transform_indices = #map}]} {
    %mul3A = arith.constant 2 : i32
    %mul3A_0 = arith.muli %arg1, %mul3A : i32
    %add3A = arith.addi %mul3A_0, %arg0 : i32
    %mul3A_1 = arith.constant 800 : i32
    %mul3A_2 = arith.muli %add3A, %mul3A_1 : i32
    "tpu.region"() ({
      %run_scoped3A = tpu.sem_alloc : memref<!tpu.dma_semaphore, #tpu.memory_space<semaphore_mem>>
      %dma_start3A = tpu.memref_slice %arg3[%mul3A_2] : memref<25600xi32, #tpu.memory_space<hbm>> -> memref<800xi32, #tpu.memory_space<hbm>>
      %dma_start3A_7 = tpu.memref_slice %arg3[%mul3A_2] : memref<25600xi32, #tpu.memory_space<hbm>> -> memref<800xi32, #tpu.memory_space<hbm>>
      tpu.enqueue_dma source(%dma_start3A_7 : memref<800xi32, #tpu.memory_space<hbm>>) target(%arg5 : memref<800xi32, #tpu.memory_space<vmem>>) target_semaphore(%run_scoped3A : memref<!tpu.dma_semaphore, #tpu.memory_space<semaphore_mem>>)
      %dma_wait3A = tpu.memref_slice %arg3[%mul3A_2] : memref<25600xi32, #tpu.memory_space<hbm>> -> memref<800xi32, #tpu.memory_space<hbm>>
      %dma_wait3A_8 = tpu.memref_slice %arg3[%mul3A_2] : memref<25600xi32, #tpu.memory_space<hbm>> -> memref<800xi32, #tpu.memory_space<hbm>>
      tpu.wait_dma2 semaphore(%run_scoped3A : memref<!tpu.dma_semaphore, #tpu.memory_space<semaphore_mem>>) src(%dma_wait3A_8 : memref<800xi32, #tpu.memory_space<hbm>>) dst(%arg5 : memref<800xi32, #tpu.memory_space<vmem>>)
      tpu.yield
    }) : () -> ()
    %scan3A = arith.constant 0 : i32
    %scan3A_3 = arith.constant 10 : i32
    %scan3A_4 = arith.addi %scan3A, %scan3A_3 : i32
    %scan3A_5 = arith.constant 1 : i32
    scf.for %scan3A_7 = %scan3A to %scan3A_4 step %scan3A_5  : i32 {
      %mul3A_8 = arith.constant 1 : i32
      %mul3A_9 = arith.muli %scan3A_7, %mul3A_8 : i32
      %add3A_10 = arith.constant 0 : i32
      %add3A_11 = arith.addi %add3A_10, %mul3A_9 : i32
      %mul3A_12 = arith.constant 80 : i32
      %mul3A_13 = arith.muli %add3A_11, %mul3A_12 : i32
      %dma_start3A = tpu.memref_slice %arg5[%mul3A_13] : memref<800xi32, #tpu.memory_space<vmem>> -> memref<80xi32, #tpu.memory_space<vmem>>
      %dma_start3A_14 = arith.constant 0 : i32
      %dma_start3A_15 = arith.constant 0 : i32
      %dma_start3A_16 = tpu.memref_slice %arg2[%dma_start3A_14, %dma_start3A_15] : memref<1000000x128xf32, #tpu.memory_space<hbm>> -> memref<1000000x128xf32, #tpu.memory_space<hbm>>
      tpu.enqueue_indirect_dma source(%dma_start3A_16 : memref<1000000x128xf32, #tpu.memory_space<hbm>>) target(%arg6 : memref<80x128xf32, #tpu.memory_space<vmem>>) offsets(%dma_start3A : memref<80xi32, #tpu.memory_space<vmem>>) semaphore(%arg7 : memref<!tpu.dma_semaphore, #tpu.memory_space<semaphore_mem>>)
      %dma_wait3A = tpu.memref_slice %arg5[%mul3A_13] : memref<800xi32, #tpu.memory_space<vmem>> -> memref<80xi32, #tpu.memory_space<vmem>>
      %dma_wait3A_17 = arith.constant 0 : i32
      %dma_wait3A_18 = arith.constant 0 : i32
      %dma_wait3A_19 = tpu.memref_slice %arg2[%dma_wait3A_17, %dma_wait3A_18] : memref<1000000x128xf32, #tpu.memory_space<hbm>> -> memref<1000000x128xf32, #tpu.memory_space<hbm>>
      tpu.wait_indirect_dma semaphore(%arg7 : memref<!tpu.dma_semaphore, #tpu.memory_space<semaphore_mem>>) src(%dma_wait3A_19 : memref<1000000x128xf32, #tpu.memory_space<hbm>>) dst(%arg6 : memref<80x128xf32, #tpu.memory_space<vmem>>)
      %add3A_20 = arith.addi %mul3A_2, %mul3A_13 : i32
      "tpu.region"() ({
        %run_scoped3A = tpu.sem_alloc : memref<!tpu.dma_semaphore, #tpu.memory_space<semaphore_mem>>
        %dma_start3A_21 = arith.constant 0 : i32
        %dma_start3A_22 = tpu.memref_slice %arg4[%add3A_20, %dma_start3A_21] : memref<25600x128xf32, #tpu.memory_space<hbm>> -> memref<80x128xf32, #tpu.memory_space<hbm>>
        %dma_start3A_23 = arith.constant 0 : i32
        %dma_start3A_24 = tpu.memref_slice %arg4[%add3A_20, %dma_start3A_23] : memref<25600x128xf32, #tpu.memory_space<hbm>> -> memref<80x128xf32, #tpu.memory_space<hbm>>
        tpu.enqueue_dma source(%arg6 : memref<80x128xf32, #tpu.memory_space<vmem>>) target(%dma_start3A_24 : memref<80x128xf32, #tpu.memory_space<hbm>>) target_semaphore(%run_scoped3A : memref<!tpu.dma_semaphore, #tpu.memory_space<semaphore_mem>>)
        %dma_wait3A_25 = arith.constant 0 : i32
        %dma_wait3A_26 = tpu.memref_slice %arg4[%add3A_20, %dma_wait3A_25] : memref<25600x128xf32, #tpu.memory_space<hbm>> -> memref<80x128xf32, #tpu.memory_space<hbm>>
        %dma_wait3A_27 = arith.constant 0 : i32
        %dma_wait3A_28 = tpu.memref_slice %arg4[%add3A_20, %dma_wait3A_27] : memref<25600x128xf32, #tpu.memory_space<hbm>> -> memref<80x128xf32, #tpu.memory_space<hbm>>
        tpu.wait_dma2 semaphore(%run_scoped3A : memref<!tpu.dma_semaphore, #tpu.memory_space<semaphore_mem>>) src(%arg6 : memref<80x128xf32, #tpu.memory_space<vmem>>) dst(%dma_wait3A_28 : memref<80x128xf32, #tpu.memory_space<hbm>>)
        tpu.yield
      }) : () -> ()
    }
    %scan3A_6 = arith.constant 10 : i32
    return
  }
}

#map = affine_map<(d0, d1) -> (0, 0)>
#map1 = affine_map<(d0, d1) -> (0)>
module attributes {stable_mosaic.version = 14 : i64} {
  func.func @k(%arg0: i32, %arg1: i32, %arg2: memref<1000000x128xf32, #tpu.memory_space<hbm>>, %arg3: memref<25600xi32, #tpu.memory_space<hbm>>, %arg4: memref<25600x128xf32, #tpu.memory_space<hbm>>, %arg5: memref<800xi32, #tpu.memory_space<vmem>>, %arg6: memref<80x128xf32, #tpu.memory_space<vmem>>, %arg7: memref<!tpu.dma_semaphore, #tpu.memory_space<semaphore_mem>>) attributes {dimension_semantics = [#tpu.dimension_semantics<core_parallel>, #tpu.dimension_semantics<subcore_parallel>], iteration_bounds = array<i64: 2, 16>, scalar_prefetch = 0 : i64, scratch_operands = 3 : i64, tpu.core_type = #tpu.core_type<sc_vector_subcore>, window_params = [{transform_indices = #map}, {transform_indices = #map1}, {transform_indices = #map}]} {
    %mul3A = arith.constant 2 : i32
    %mul3A_0 = arith.muli %arg1, %mul3A : i32
    %add3A = arith.addi %mul3A_0, %arg0 : i32
    %mul3A_1 = arith.constant 800 : i32
    %mul3A_2 = arith.muli %add3A, %mul3A_1 : i32
    "tpu.region"() ({
      %run_scoped3A = tpu.sem_alloc : memref<!tpu.dma_semaphore, #tpu.memory_space<semaphore_mem>>
      %dma_start3A = tpu.memref_slice %arg3[%mul3A_2] : memref<25600xi32, #tpu.memory_space<hbm>> -> memref<800xi32, #tpu.memory_space<hbm>>
      %dma_start3A_7 = tpu.memref_slice %arg3[%mul3A_2] : memref<25600xi32, #tpu.memory_space<hbm>> -> memref<800xi32, #tpu.memory_space<hbm>>
      tpu.enqueue_dma source(%dma_start3A_7 : memref<800xi32, #tpu.memory_space<hbm>>) target(%arg5 : memref<800xi32, #tpu.memory_space<vmem>>) target_semaphore(%run_scoped3A : memref<!tpu.dma_semaphore, #tpu.memory_space<semaphore_mem>>)
      %dma_wait3A = tpu.memref_slice %arg3[%mul3A_2] : memref<25600xi32, #tpu.memory_space<hbm>> -> memref<800xi32, #tpu.memory_space<hbm>>
      %dma_wait3A_8 = tpu.memref_slice %arg3[%mul3A_2] : memref<25600xi32, #tpu.memory_space<hbm>> -> memref<800xi32, #tpu.memory_space<hbm>>
      tpu.wait_dma2 semaphore(%run_scoped3A : memref<!tpu.dma_semaphore, #tpu.memory_space<semaphore_mem>>) src(%dma_wait3A_8 : memref<800xi32, #tpu.memory_space<hbm>>) dst(%arg5 : memref<800xi32, #tpu.memory_space<vmem>>)
      tpu.yield
    }) : () -> ()
    %scan3A = arith.constant 0 : i32
    %scan3A_3 = arith.constant 10 : i32
    %scan3A_4 = arith.addi %scan3A, %scan3A_3 : i32
    %scan3A_5 = arith.constant 1 : i32
    scf.for %scan3A_7 = %scan3A to %scan3A_4 step %scan3A_5  : i32 {
      %mul3A_8 = arith.constant 1 : i32
      %mul3A_9 = arith.muli %scan3A_7, %mul3A_8 : i32
      %add3A_10 = arith.constant 0 : i32
      %add3A_11 = arith.addi %add3A_10, %mul3A_9 : i32
      %mul3A_12 = arith.constant 80 : i32
      %mul3A_13 = arith.muli %add3A_11, %mul3A_12 : i32
      %dma_start3A = tpu.memref_slice %arg5[%mul3A_13] : memref<800xi32, #tpu.memory_space<vmem>> -> memref<80xi32, #tpu.memory_space<vmem>>
      %dma_start3A_14 = arith.constant 0 : i32
      %dma_start3A_15 = arith.constant 0 : i32
      %dma_start3A_16 = tpu.memref_slice %arg2[%dma_start3A_14, %dma_start3A_15] : memref<1000000x128xf32, #tpu.memory_space<hbm>> -> memref<1000000x128xf32, #tpu.memory_space<hbm>>
      tpu.enqueue_indirect_dma source(%dma_start3A_16 : memref<1000000x128xf32, #tpu.memory_space<hbm>>) target(%arg6 : memref<80x128xf32, #tpu.memory_space<vmem>>) offsets(%dma_start3A : memref<80xi32, #tpu.memory_space<vmem>>) semaphore(%arg7 : memref<!tpu.dma_semaphore, #tpu.memory_space<semaphore_mem>>)
      %dma_wait3A = tpu.memref_slice %arg5[%mul3A_13] : memref<800xi32, #tpu.memory_space<vmem>> -> memref<80xi32, #tpu.memory_space<vmem>>
      %dma_wait3A_17 = arith.constant 0 : i32
      %dma_wait3A_18 = arith.constant 0 : i32
      %dma_wait3A_19 = tpu.memref_slice %arg2[%dma_wait3A_17, %dma_wait3A_18] : memref<1000000x128xf32, #tpu.memory_space<hbm>> -> memref<1000000x128xf32, #tpu.memory_space<hbm>>
      tpu.wait_indirect_dma semaphore(%arg7 : memref<!tpu.dma_semaphore, #tpu.memory_space<semaphore_mem>>) src(%dma_wait3A_19 : memref<1000000x128xf32, #tpu.memory_space<hbm>>) dst(%arg6 : memref<80x128xf32, #tpu.memory_space<vmem>>)
      %add3A_20 = arith.addi %mul3A_2, %mul3A_13 : i32
      "tpu.region"() ({
        %run_scoped3A = tpu.sem_alloc : memref<!tpu.dma_semaphore, #tpu.memory_space<semaphore_mem>>
        %dma_start3A_21 = arith.constant 0 : i32
        %dma_start3A_22 = tpu.memref_slice %arg4[%add3A_20, %dma_start3A_21] : memref<25600x128xf32, #tpu.memory_space<hbm>> -> memref<80x128xf32, #tpu.memory_space<hbm>>
        %dma_start3A_23 = arith.constant 0 : i32
        %dma_start3A_24 = tpu.memref_slice %arg4[%add3A_20, %dma_start3A_23] : memref<25600x128xf32, #tpu.memory_space<hbm>> -> memref<80x128xf32, #tpu.memory_space<hbm>>
        tpu.enqueue_dma source(%arg6 : memref<80x128xf32, #tpu.memory_space<vmem>>) target(%dma_start3A_24 : memref<80x128xf32, #tpu.memory_space<hbm>>) target_semaphore(%run_scoped3A : memref<!tpu.dma_semaphore, #tpu.memory_space<semaphore_mem>>)
        %dma_wait3A_25 = arith.constant 0 : i32
        %dma_wait3A_26 = tpu.memref_slice %arg4[%add3A_20, %dma_wait3A_25] : memref<25600x128xf32, #tpu.memory_space<hbm>> -> memref<80x128xf32, #tpu.memory_space<hbm>>
        %dma_wait3A_27 = arith.constant 0 : i32
        %dma_wait3A_28 = tpu.memref_slice %arg4[%add3A_20, %dma_wait3A_27] : memref<25600x128xf32, #tpu.memory_space<hbm>> -> memref<80x128xf32, #tpu.memory_space<hbm>>
        tpu.wait_dma2 semaphore(%run_scoped3A : memref<!tpu.dma_semaphore, #tpu.memory_space<semaphore_mem>>) src(%arg6 : memref<80x128xf32, #tpu.memory_space<vmem>>) dst(%dma_wait3A_28 : memref<80x128xf32, #tpu.memory_space<hbm>>)
        tpu.yield
      }) : () -> ()
    }
    %scan3A_6 = arith.constant 10 : i32
    return
  }
}

module attributes {stable_mosaic.version = 14 : i64} {
  func.func @body(%arg0: i32, %arg1: memref<64x8192xf32, #tpu.memory_space<vmem>>, %arg2: memref<8192x128xf32, #tpu.memory_space<vmem>>) attributes {dimension_semantics = [#tpu.dimension_semantics<arbitrary>], iteration_bounds = array<i64: 123>, scalar_prefetch = 0 : i64, scratch_operands = 0 : i64, tpu.core_type = #tpu.core_type<tc>, window_params = [{transform_indices = @transform_0, window_bounds = array<i64: 64, 8192>}, {transform_indices = @transform_1, window_bounds = array<i64: 8192, 128>}]} {
    %get3A = arith.constant 0 : index
    %get3A_0 = arith.constant 0 : index
    %get3A_1 = vector.load %arg1[%get3A, %get3A_0] : memref<64x8192xf32, #tpu.memory_space<vmem>>, vector<64x8192xf32>
    %transpose3A = tpu.transpose %get3A_1, [1, 0] : vector<64x8192xf32> -> vector<8192x64xf32>
    %broadcast_in_dim3A = arith.constant 0.000000e+00 : f32
    %broadcast_in_dim3A_2 = vector.broadcast %broadcast_in_dim3A : f32 to vector<8192x64xf32>
    %concatenate3A = tpu.concatenate %transpose3A, %broadcast_in_dim3A_2 in 1 : vector<8192x64xf32>, vector<8192x64xf32> -> vector<8192x128xf32>
    %swap3A = arith.constant 0 : index
    %swap3A_3 = arith.constant 0 : index
    %swap3A_4 = vector.load %arg2[%swap3A, %swap3A_3] : memref<8192x128xf32, #tpu.memory_space<vmem>>, vector<8192x128xf32>
    tpu.vector_store %arg2[%swap3A, %swap3A_3], %concatenate3A {strides = array<i32>} : memref<8192x128xf32, #tpu.memory_space<vmem>>, vector<8192x128xf32>,
    return
  }
  func.func @transform_0(%arg0: i32) -> (i32, i32) {
    %c0_i32 = arith.constant 0 : i32
    %c0_i32_0 = arith.constant 0 : i32
    return %c0_i32, %arg0 : i32, i32
  }
  func.func @transform_1(%arg0: i32) -> (i32, i32) {
    %c0_i32 = arith.constant 0 : i32
    %c0_i32_0 = arith.constant 0 : i32
    return %arg0, %c0_i32 : i32, i32
  }
}

module attributes {stable_mosaic.version = 14 : i64} {
  func.func @body(%arg0: i32, %arg1: memref<1024x128xf32, #tpu.memory_space<vmem>>, %arg2: memref<1024x64xf32, #tpu.memory_space<vmem>>, %arg3: memref<1x1024xf32, #tpu.memory_space<vmem>>, %arg4: memref<1024x1024xf32, #tpu.memory_space<vmem>>) attributes {dimension_semantics = [#tpu.dimension_semantics<arbitrary>], iteration_bounds = array<i64: 25>, scalar_prefetch = 0 : i64, scratch_operands = 0 : i64, tpu.core_type = #tpu.core_type<tc>, window_params = [{transform_indices = @transform_0, window_bounds = array<i64: 1024, 128>}, {pipeline_mode = #tpu.pipeline_mode<synchronous>, transform_indices = @transform_1, window_bounds = array<i64: 1024, 64>}, {pipeline_mode = #tpu.pipeline_mode<synchronous>, transform_indices = @transform_2, window_bounds = array<i64: 1, 1024>}, {transform_indices = @transform_3, window_bounds = array<i64: 1024, 1024>}]} {
    %get3A = arith.constant 0 : index
    %get3A_0 = arith.constant 0 : index
    %get3A_1 = vector.load %arg1[%get3A, %get3A_0] : memref<1024x128xf32, #tpu.memory_space<vmem>>, vector<1024x64xf32>
    %get3A_2 = arith.constant 0 : index
    %get3A_3 = arith.constant 0 : index
    %get3A_4 = vector.load %arg2[%get3A_2, %get3A_3] : memref<1024x64xf32, #tpu.memory_space<vmem>>, vector<1024x64xf32>
    %dot_general3A = arith.constant dense<0.000000e+00> : vector<1024x1024xf32>
    %dot_general3A_5 = tpu.matmul %get3A_1, %get3A_4, %dot_general3A {dimension_numbers = #tpu.dot_dimension_numbers<[1], [1], [0], [0], [0, 0, 1, 0], [], []>, transpose_lhs_hint = false} : vector<1024x64xf32>, vector<1024x64xf32>, vector<1024x1024xf32> -> vector<1024x1024xf32>
    %get3A_6 = arith.constant 0 : index
    %get3A_7 = arith.constant 0 : index
    %get3A_8 = vector.load %arg3[%get3A_6, %get3A_7] : memref<1x1024xf32, #tpu.memory_space<vmem>>, vector<1x1024xf32>
    %add3A = vector.broadcast %get3A_8 : vector<1x1024xf32> to vector<1024x1024xf32>
    %add3A_9 = arith.addf %dot_general3A_5, %add3A : vector<1024x1024xf32>
    %swap3A = arith.constant 0 : index
    %swap3A_10 = arith.constant 0 : index
    %swap3A_11 = vector.load %arg4[%swap3A, %swap3A_10] : memref<1024x1024xf32, #tpu.memory_space<vmem>>, vector<1024x1024xf32>
    tpu.vector_store %arg4[%swap3A, %swap3A_10], %add3A_9 {strides = array<i32>} : memref<1024x1024xf32, #tpu.memory_space<vmem>>, vector<1024x1024xf32>,
    return
  }
  func.func @transform_0(%arg0: i32) -> (i32, i32) {
    %c0_i32 = arith.constant 0 : i32
    %c0_i32_0 = arith.constant 0 : i32
    return %arg0, %c0_i32 : i32, i32
  }
  func.func @transform_1(%arg0: i32) -> (i32, i32) {
    %c0_i32 = arith.constant 0 : i32
    %c0_i32_0 = arith.constant 0 : i32
    %c0_i32_1 = arith.constant 0 : i32
    return %c0_i32, %c0_i32_0 : i32, i32
  }
  func.func @transform_2(%arg0: i32) -> (i32, i32) {
    %c0_i32 = arith.constant 0 : i32
    %c0_i32_0 = arith.constant 0 : i32
    %c0_i32_1 = arith.constant 0 : i32
    return %c0_i32, %c0_i32_0 : i32, i32
  }
  func.func @transform_3(%arg0: i32) -> (i32, i32) {
    %add3A = arith.constant 0 : i32
    %add3A_0 = arith.addi %add3A, %arg0 : i32
    %c0_i32 = arith.constant 0 : i32
    %c0_i32_1 = arith.constant 0 : i32
    return %add3A_0, %c0_i32 : i32, i32
  }
}

module attributes {stable_mosaic.version = 14 : i64} {
  func.func @body(%arg0: i32, %arg1: memref<204800x1024xf32, #tpu.memory_space<hbm>>, %arg2: memref<1024x128xf32, #tpu.memory_space<vmem>>, %arg3: memref<1024x64xf32, #tpu.memory_space<vmem>>, %arg4: memref<1x1024xf32, #tpu.memory_space<vmem>>, %arg5: memref<1024x1024xf32, #tpu.memory_space<vmem>>) attributes {dimension_semantics = [#tpu.dimension_semantics<arbitrary>], iteration_bounds = array<i64: 25>, scalar_prefetch = 0 : i64, scratch_operands = 0 : i64, tpu.core_type = #tpu.core_type<tc>, window_params = [{}, {transform_indices = @transform_1, window_bounds = array<i64: 1024, 128>}, {pipeline_mode = #tpu.pipeline_mode<synchronous>, transform_indices = @transform_2, window_bounds = array<i64: 1024, 64>}, {pipeline_mode = #tpu.pipeline_mode<synchronous>, transform_indices = @transform_3, window_bounds = array<i64: 1, 1024>}, {transform_indices = @transform_4, window_bounds = array<i64: 1024, 1024>}]} {
    %get3A = arith.constant 0 : index
    %get3A_0 = arith.constant 0 : index
    %get3A_1 = vector.load %arg2[%get3A, %get3A_0] : memref<1024x128xf32, #tpu.memory_space<vmem>>, vector<1024x64xf32>
    %get3A_2 = arith.constant 0 : index
    %get3A_3 = arith.constant 0 : index
    %get3A_4 = vector.load %arg3[%get3A_2, %get3A_3] : memref<1024x64xf32, #tpu.memory_space<vmem>>, vector<1024x64xf32>
    %dot_general3A = arith.constant dense<0.000000e+00> : vector<1024x1024xf32>
    %dot_general3A_5 = tpu.matmul %get3A_1, %get3A_4, %dot_general3A {dimension_numbers = #tpu.dot_dimension_numbers<[1], [1], [0], [0], [0, 0, 1, 0], [], []>, transpose_lhs_hint = false} : vector<1024x64xf32>, vector<1024x64xf32>, vector<1024x1024xf32> -> vector<1024x1024xf32>
    %get3A_6 = arith.constant 0 : index
    %get3A_7 = arith.constant 0 : index
    %get3A_8 = vector.load %arg4[%get3A_6, %get3A_7] : memref<1x1024xf32, #tpu.memory_space<vmem>>, vector<1x1024xf32>
    %add3A = vector.broadcast %get3A_8 : vector<1x1024xf32> to vector<1024x1024xf32>
    %add3A_9 = arith.addf %dot_general3A_5, %add3A : vector<1024x1024xf32>
    %swap3A = arith.constant 0 : index
    %swap3A_10 = arith.constant 0 : index
    %swap3A_11 = vector.load %arg5[%swap3A, %swap3A_10] : memref<1024x1024xf32, #tpu.memory_space<vmem>>, vector<1024x1024xf32>
    tpu.vector_store %arg5[%swap3A, %swap3A_10], %add3A_9 {strides = array<i32>} : memref<1024x1024xf32, #tpu.memory_space<vmem>>, vector<1024x1024xf32>,
    return
  }
  func.func @transform_1(%arg0: i32) -> (i32, i32) {
    %c0_i32 = arith.constant 0 : i32
    %c0_i32_0 = arith.constant 0 : i32
    return %arg0, %c0_i32 : i32, i32
  }
  func.func @transform_2(%arg0: i32) -> (i32, i32) {
    %c0_i32 = arith.constant 0 : i32
    %c0_i32_0 = arith.constant 0 : i32
    %c0_i32_1 = arith.constant 0 : i32
    return %c0_i32, %c0_i32_0 : i32, i32
  }
  func.func @transform_3(%arg0: i32) -> (i32, i32) {
    %c0_i32 = arith.constant 0 : i32
    %c0_i32_0 = arith.constant 0 : i32
    %c0_i32_1 = arith.constant 0 : i32
    return %c0_i32, %c0_i32_0 : i32, i32
  }
  func.func @transform_4(%arg0: i32) -> (i32, i32) {
    %add3A = arith.constant 25 : i32
    %add3A_0 = arith.addi %add3A, %arg0 : i32
    %c0_i32 = arith.constant 0 : i32
    %c0_i32_1 = arith.constant 0 : i32
    return %add3A_0, %c0_i32 : i32, i32
  }
}

module attributes {stable_mosaic.version = 14 : i64} {
  func.func @body(%arg0: i32, %arg1: memref<204800x1024xf32, #tpu.memory_space<hbm>>, %arg2: memref<1024x128xf32, #tpu.memory_space<vmem>>, %arg3: memref<1024x64xf32, #tpu.memory_space<vmem>>, %arg4: memref<1x1024xf32, #tpu.memory_space<vmem>>, %arg5: memref<1024x1024xf32, #tpu.memory_space<vmem>>) attributes {dimension_semantics = [#tpu.dimension_semantics<arbitrary>], iteration_bounds = array<i64: 25>, scalar_prefetch = 0 : i64, scratch_operands = 0 : i64, tpu.core_type = #tpu.core_type<tc>, window_params = [{}, {transform_indices = @transform_1, window_bounds = array<i64: 1024, 128>}, {pipeline_mode = #tpu.pipeline_mode<synchronous>, transform_indices = @transform_2, window_bounds = array<i64: 1024, 64>}, {pipeline_mode = #tpu.pipeline_mode<synchronous>, transform_indices = @transform_3, window_bounds = array<i64: 1, 1024>}, {transform_indices = @transform_4, window_bounds = array<i64: 1024, 1024>}]} {
    %get3A = arith.constant 0 : index
    %get3A_0 = arith.constant 0 : index
    %get3A_1 = vector.load %arg2[%get3A, %get3A_0] : memref<1024x128xf32, #tpu.memory_space<vmem>>, vector<1024x64xf32>
    %get3A_2 = arith.constant 0 : index
    %get3A_3 = arith.constant 0 : index
    %get3A_4 = vector.load %arg3[%get3A_2, %get3A_3] : memref<1024x64xf32, #tpu.memory_space<vmem>>, vector<1024x64xf32>
    %dot_general3A = arith.constant dense<0.000000e+00> : vector<1024x1024xf32>
    %dot_general3A_5 = tpu.matmul %get3A_1, %get3A_4, %dot_general3A {dimension_numbers = #tpu.dot_dimension_numbers<[1], [1], [0], [0], [0, 0, 1, 0], [], []>, transpose_lhs_hint = false} : vector<1024x64xf32>, vector<1024x64xf32>, vector<1024x1024xf32> -> vector<1024x1024xf32>
    %get3A_6 = arith.constant 0 : index
    %get3A_7 = arith.constant 0 : index
    %get3A_8 = vector.load %arg4[%get3A_6, %get3A_7] : memref<1x1024xf32, #tpu.memory_space<vmem>>, vector<1x1024xf32>
    %add3A = vector.broadcast %get3A_8 : vector<1x1024xf32> to vector<1024x1024xf32>
    %add3A_9 = arith.addf %dot_general3A_5, %add3A : vector<1024x1024xf32>
    %swap3A = arith.constant 0 : index
    %swap3A_10 = arith.constant 0 : index
    %swap3A_11 = vector.load %arg5[%swap3A, %swap3A_10] : memref<1024x1024xf32, #tpu.memory_space<vmem>>, vector<1024x1024xf32>
    tpu.vector_store %arg5[%swap3A, %swap3A_10], %add3A_9 {strides = array<i32>} : memref<1024x1024xf32, #tpu.memory_space<vmem>>, vector<1024x1024xf32>,
    return
  }
  func.func @transform_1(%arg0: i32) -> (i32, i32) {
    %c0_i32 = arith.constant 0 : i32
    %c0_i32_0 = arith.constant 0 : i32
    return %arg0, %c0_i32 : i32, i32
  }
  func.func @transform_2(%arg0: i32) -> (i32, i32) {
    %c0_i32 = arith.constant 0 : i32
    %c0_i32_0 = arith.constant 0 : i32
    %c0_i32_1 = arith.constant 0 : i32
    return %c0_i32, %c0_i32_0 : i32, i32
  }
  func.func @transform_3(%arg0: i32) -> (i32, i32) {
    %c0_i32 = arith.constant 0 : i32
    %c0_i32_0 = arith.constant 0 : i32
    %c0_i32_1 = arith.constant 0 : i32
    return %c0_i32, %c0_i32_0 : i32, i32
  }
  func.func @transform_4(%arg0: i32) -> (i32, i32) {
    %add3A = arith.constant 50 : i32
    %add3A_0 = arith.addi %add3A, %arg0 : i32
    %c0_i32 = arith.constant 0 : i32
    %c0_i32_1 = arith.constant 0 : i32
    return %add3A_0, %c0_i32 : i32, i32
  }
}

module attributes {stable_mosaic.version = 14 : i64} {
  func.func @body(%arg0: i32, %arg1: memref<204800x1024xf32, #tpu.memory_space<hbm>>, %arg2: memref<1024x128xf32, #tpu.memory_space<vmem>>, %arg3: memref<1024x64xf32, #tpu.memory_space<vmem>>, %arg4: memref<1x1024xf32, #tpu.memory_space<vmem>>, %arg5: memref<1024x1024xf32, #tpu.memory_space<vmem>>) attributes {dimension_semantics = [#tpu.dimension_semantics<arbitrary>], iteration_bounds = array<i64: 25>, scalar_prefetch = 0 : i64, scratch_operands = 0 : i64, tpu.core_type = #tpu.core_type<tc>, window_params = [{}, {transform_indices = @transform_1, window_bounds = array<i64: 1024, 128>}, {pipeline_mode = #tpu.pipeline_mode<synchronous>, transform_indices = @transform_2, window_bounds = array<i64: 1024, 64>}, {pipeline_mode = #tpu.pipeline_mode<synchronous>, transform_indices = @transform_3, window_bounds = array<i64: 1, 1024>}, {transform_indices = @transform_4, window_bounds = array<i64: 1024, 1024>}]} {
    %get3A = arith.constant 0 : index
    %get3A_0 = arith.constant 0 : index
    %get3A_1 = vector.load %arg2[%get3A, %get3A_0] : memref<1024x128xf32, #tpu.memory_space<vmem>>, vector<1024x64xf32>
    %get3A_2 = arith.constant 0 : index
    %get3A_3 = arith.constant 0 : index
    %get3A_4 = vector.load %arg3[%get3A_2, %get3A_3] : memref<1024x64xf32, #tpu.memory_space<vmem>>, vector<1024x64xf32>
    %dot_general3A = arith.constant dense<0.000000e+00> : vector<1024x1024xf32>
    %dot_general3A_5 = tpu.matmul %get3A_1, %get3A_4, %dot_general3A {dimension_numbers = #tpu.dot_dimension_numbers<[1], [1], [0], [0], [0, 0, 1, 0], [], []>, transpose_lhs_hint = false} : vector<1024x64xf32>, vector<1024x64xf32>, vector<1024x1024xf32> -> vector<1024x1024xf32>
    %get3A_6 = arith.constant 0 : index
    %get3A_7 = arith.constant 0 : index
    %get3A_8 = vector.load %arg4[%get3A_6, %get3A_7] : memref<1x1024xf32, #tpu.memory_space<vmem>>, vector<1x1024xf32>
    %add3A = vector.broadcast %get3A_8 : vector<1x1024xf32> to vector<1024x1024xf32>
    %add3A_9 = arith.addf %dot_general3A_5, %add3A : vector<1024x1024xf32>
    %swap3A = arith.constant 0 : index
    %swap3A_10 = arith.constant 0 : index
    %swap3A_11 = vector.load %arg5[%swap3A, %swap3A_10] : memref<1024x1024xf32, #tpu.memory_space<vmem>>, vector<1024x1024xf32>
    tpu.vector_store %arg5[%swap3A, %swap3A_10], %add3A_9 {strides = array<i32>} : memref<1024x1024xf32, #tpu.memory_space<vmem>>, vector<1024x1024xf32>,
    return
  }
  func.func @transform_1(%arg0: i32) -> (i32, i32) {
    %c0_i32 = arith.constant 0 : i32
    %c0_i32_0 = arith.constant 0 : i32
    return %arg0, %c0_i32 : i32, i32
  }
  func.func @transform_2(%arg0: i32) -> (i32, i32) {
    %c0_i32 = arith.constant 0 : i32
    %c0_i32_0 = arith.constant 0 : i32
    %c0_i32_1 = arith.constant 0 : i32
    return %c0_i32, %c0_i32_0 : i32, i32
  }
  func.func @transform_3(%arg0: i32) -> (i32, i32) {
    %c0_i32 = arith.constant 0 : i32
    %c0_i32_0 = arith.constant 0 : i32
    %c0_i32_1 = arith.constant 0 : i32
    return %c0_i32, %c0_i32_0 : i32, i32
  }
  func.func @transform_4(%arg0: i32) -> (i32, i32) {
    %add3A = arith.constant 75 : i32
    %add3A_0 = arith.addi %add3A, %arg0 : i32
    %c0_i32 = arith.constant 0 : i32
    %c0_i32_1 = arith.constant 0 : i32
    return %add3A_0, %c0_i32 : i32, i32
  }
}

module attributes {stable_mosaic.version = 14 : i64} {
  func.func @body(%arg0: i32, %arg1: memref<204800x1024xf32, #tpu.memory_space<hbm>>, %arg2: memref<1024x128xf32, #tpu.memory_space<vmem>>, %arg3: memref<1024x64xf32, #tpu.memory_space<vmem>>, %arg4: memref<1x1024xf32, #tpu.memory_space<vmem>>, %arg5: memref<1024x1024xf32, #tpu.memory_space<vmem>>) attributes {dimension_semantics = [#tpu.dimension_semantics<arbitrary>], iteration_bounds = array<i64: 25>, scalar_prefetch = 0 : i64, scratch_operands = 0 : i64, tpu.core_type = #tpu.core_type<tc>, window_params = [{}, {transform_indices = @transform_1, window_bounds = array<i64: 1024, 128>}, {pipeline_mode = #tpu.pipeline_mode<synchronous>, transform_indices = @transform_2, window_bounds = array<i64: 1024, 64>}, {pipeline_mode = #tpu.pipeline_mode<synchronous>, transform_indices = @transform_3, window_bounds = array<i64: 1, 1024>}, {transform_indices = @transform_4, window_bounds = array<i64: 1024, 1024>}]} {
    %get3A = arith.constant 0 : index
    %get3A_0 = arith.constant 0 : index
    %get3A_1 = vector.load %arg2[%get3A, %get3A_0] : memref<1024x128xf32, #tpu.memory_space<vmem>>, vector<1024x64xf32>
    %get3A_2 = arith.constant 0 : index
    %get3A_3 = arith.constant 0 : index
    %get3A_4 = vector.load %arg3[%get3A_2, %get3A_3] : memref<1024x64xf32, #tpu.memory_space<vmem>>, vector<1024x64xf32>
    %dot_general3A = arith.constant dense<0.000000e+00> : vector<1024x1024xf32>
    %dot_general3A_5 = tpu.matmul %get3A_1, %get3A_4, %dot_general3A {dimension_numbers = #tpu.dot_dimension_numbers<[1], [1], [0], [0], [0, 0, 1, 0], [], []>, transpose_lhs_hint = false} : vector<1024x64xf32>, vector<1024x64xf32>, vector<1024x1024xf32> -> vector<1024x1024xf32>
    %get3A_6 = arith.constant 0 : index
    %get3A_7 = arith.constant 0 : index
    %get3A_8 = vector.load %arg4[%get3A_6, %get3A_7] : memref<1x1024xf32, #tpu.memory_space<vmem>>, vector<1x1024xf32>
    %add3A = vector.broadcast %get3A_8 : vector<1x1024xf32> to vector<1024x1024xf32>
    %add3A_9 = arith.addf %dot_general3A_5, %add3A : vector<1024x1024xf32>
    %swap3A = arith.constant 0 : index
    %swap3A_10 = arith.constant 0 : index
    %swap3A_11 = vector.load %arg5[%swap3A, %swap3A_10] : memref<1024x1024xf32, #tpu.memory_space<vmem>>, vector<1024x1024xf32>
    tpu.vector_store %arg5[%swap3A, %swap3A_10], %add3A_9 {strides = array<i32>} : memref<1024x1024xf32, #tpu.memory_space<vmem>>, vector<1024x1024xf32>,
    return
  }
  func.func @transform_1(%arg0: i32) -> (i32, i32) {
    %c0_i32 = arith.constant 0 : i32
    %c0_i32_0 = arith.constant 0 : i32
    return %arg0, %c0_i32 : i32, i32
  }
  func.func @transform_2(%arg0: i32) -> (i32, i32) {
    %c0_i32 = arith.constant 0 : i32
    %c0_i32_0 = arith.constant 0 : i32
    %c0_i32_1 = arith.constant 0 : i32
    return %c0_i32, %c0_i32_0 : i32, i32
  }
  func.func @transform_3(%arg0: i32) -> (i32, i32) {
    %c0_i32 = arith.constant 0 : i32
    %c0_i32_0 = arith.constant 0 : i32
    %c0_i32_1 = arith.constant 0 : i32
    return %c0_i32, %c0_i32_0 : i32, i32
  }
  func.func @transform_4(%arg0: i32) -> (i32, i32) {
    %add3A = arith.constant 100 : i32
    %add3A_0 = arith.addi %add3A, %arg0 : i32
    %c0_i32 = arith.constant 0 : i32
    %c0_i32_1 = arith.constant 0 : i32
    return %add3A_0, %c0_i32 : i32, i32
  }
}

module attributes {stable_mosaic.version = 14 : i64} {
  func.func @body(%arg0: i32, %arg1: memref<204800x1024xf32, #tpu.memory_space<hbm>>, %arg2: memref<1024x128xf32, #tpu.memory_space<vmem>>, %arg3: memref<1024x64xf32, #tpu.memory_space<vmem>>, %arg4: memref<1x1024xf32, #tpu.memory_space<vmem>>, %arg5: memref<1024x1024xf32, #tpu.memory_space<vmem>>) attributes {dimension_semantics = [#tpu.dimension_semantics<arbitrary>], iteration_bounds = array<i64: 25>, scalar_prefetch = 0 : i64, scratch_operands = 0 : i64, tpu.core_type = #tpu.core_type<tc>, window_params = [{}, {transform_indices = @transform_1, window_bounds = array<i64: 1024, 128>}, {pipeline_mode = #tpu.pipeline_mode<synchronous>, transform_indices = @transform_2, window_bounds = array<i64: 1024, 64>}, {pipeline_mode = #tpu.pipeline_mode<synchronous>, transform_indices = @transform_3, window_bounds = array<i64: 1, 1024>}, {transform_indices = @transform_4, window_bounds = array<i64: 1024, 1024>}]} {
    %get3A = arith.constant 0 : index
    %get3A_0 = arith.constant 0 : index
    %get3A_1 = vector.load %arg2[%get3A, %get3A_0] : memref<1024x128xf32, #tpu.memory_space<vmem>>, vector<1024x64xf32>
    %get3A_2 = arith.constant 0 : index
    %get3A_3 = arith.constant 0 : index
    %get3A_4 = vector.load %arg3[%get3A_2, %get3A_3] : memref<1024x64xf32, #tpu.memory_space<vmem>>, vector<1024x64xf32>
    %dot_general3A = arith.constant dense<0.000000e+00> : vector<1024x1024xf32>
    %dot_general3A_5 = tpu.matmul %get3A_1, %get3A_4, %dot_general3A {dimension_numbers = #tpu.dot_dimension_numbers<[1], [1], [0], [0], [0, 0, 1, 0], [], []>, transpose_lhs_hint = false} : vector<1024x64xf32>, vector<1024x64xf32>, vector<1024x1024xf32> -> vector<1024x1024xf32>
    %get3A_6 = arith.constant 0 : index
    %get3A_7 = arith.constant 0 : index
    %get3A_8 = vector.load %arg4[%get3A_6, %get3A_7] : memref<1x1024xf32, #tpu.memory_space<vmem>>, vector<1x1024xf32>
    %add3A = vector.broadcast %get3A_8 : vector<1x1024xf32> to vector<1024x1024xf32>
    %add3A_9 = arith.addf %dot_general3A_5, %add3A : vector<1024x1024xf32>
    %swap3A = arith.constant 0 : index
    %swap3A_10 = arith.constant 0 : index
    %swap3A_11 = vector.load %arg5[%swap3A, %swap3A_10] : memref<1024x1024xf32, #tpu.memory_space<vmem>>, vector<1024x1024xf32>
    tpu.vector_store %arg5[%swap3A, %swap3A_10], %add3A_9 {strides = array<i32>} : memref<1024x1024xf32, #tpu.memory_space<vmem>>, vector<1024x1024xf32>,
    return
  }
  func.func @transform_1(%arg0: i32) -> (i32, i32) {
    %c0_i32 = arith.constant 0 : i32
    %c0_i32_0 = arith.constant 0 : i32
    return %arg0, %c0_i32 : i32, i32
  }
  func.func @transform_2(%arg0: i32) -> (i32, i32) {
    %c0_i32 = arith.constant 0 : i32
    %c0_i32_0 = arith.constant 0 : i32
    %c0_i32_1 = arith.constant 0 : i32
    return %c0_i32, %c0_i32_0 : i32, i32
  }
  func.func @transform_3(%arg0: i32) -> (i32, i32) {
    %c0_i32 = arith.constant 0 : i32
    %c0_i32_0 = arith.constant 0 : i32
    %c0_i32_1 = arith.constant 0 : i32
    return %c0_i32, %c0_i32_0 : i32, i32
  }
  func.func @transform_4(%arg0: i32) -> (i32, i32) {
    %add3A = arith.constant 125 : i32
    %add3A_0 = arith.addi %add3A, %arg0 : i32
    %c0_i32 = arith.constant 0 : i32
    %c0_i32_1 = arith.constant 0 : i32
    return %add3A_0, %c0_i32 : i32, i32
  }
}

module attributes {stable_mosaic.version = 14 : i64} {
  func.func @body(%arg0: i32, %arg1: memref<204800x1024xf32, #tpu.memory_space<hbm>>, %arg2: memref<1024x128xf32, #tpu.memory_space<vmem>>, %arg3: memref<1024x64xf32, #tpu.memory_space<vmem>>, %arg4: memref<1x1024xf32, #tpu.memory_space<vmem>>, %arg5: memref<1024x1024xf32, #tpu.memory_space<vmem>>) attributes {dimension_semantics = [#tpu.dimension_semantics<arbitrary>], iteration_bounds = array<i64: 25>, scalar_prefetch = 0 : i64, scratch_operands = 0 : i64, tpu.core_type = #tpu.core_type<tc>, window_params = [{}, {transform_indices = @transform_1, window_bounds = array<i64: 1024, 128>}, {pipeline_mode = #tpu.pipeline_mode<synchronous>, transform_indices = @transform_2, window_bounds = array<i64: 1024, 64>}, {pipeline_mode = #tpu.pipeline_mode<synchronous>, transform_indices = @transform_3, window_bounds = array<i64: 1, 1024>}, {transform_indices = @transform_4, window_bounds = array<i64: 1024, 1024>}]} {
    %get3A = arith.constant 0 : index
    %get3A_0 = arith.constant 0 : index
    %get3A_1 = vector.load %arg2[%get3A, %get3A_0] : memref<1024x128xf32, #tpu.memory_space<vmem>>, vector<1024x64xf32>
    %get3A_2 = arith.constant 0 : index
    %get3A_3 = arith.constant 0 : index
    %get3A_4 = vector.load %arg3[%get3A_2, %get3A_3] : memref<1024x64xf32, #tpu.memory_space<vmem>>, vector<1024x64xf32>
    %dot_general3A = arith.constant dense<0.000000e+00> : vector<1024x1024xf32>
    %dot_general3A_5 = tpu.matmul %get3A_1, %get3A_4, %dot_general3A {dimension_numbers = #tpu.dot_dimension_numbers<[1], [1], [0], [0], [0, 0, 1, 0], [], []>, transpose_lhs_hint = false} : vector<1024x64xf32>, vector<1024x64xf32>, vector<1024x1024xf32> -> vector<1024x1024xf32>
    %get3A_6 = arith.constant 0 : index
    %get3A_7 = arith.constant 0 : index
    %get3A_8 = vector.load %arg4[%get3A_6, %get3A_7] : memref<1x1024xf32, #tpu.memory_space<vmem>>, vector<1x1024xf32>
    %add3A = vector.broadcast %get3A_8 : vector<1x1024xf32> to vector<1024x1024xf32>
    %add3A_9 = arith.addf %dot_general3A_5, %add3A : vector<1024x1024xf32>
    %swap3A = arith.constant 0 : index
    %swap3A_10 = arith.constant 0 : index
    %swap3A_11 = vector.load %arg5[%swap3A, %swap3A_10] : memref<1024x1024xf32, #tpu.memory_space<vmem>>, vector<1024x1024xf32>
    tpu.vector_store %arg5[%swap3A, %swap3A_10], %add3A_9 {strides = array<i32>} : memref<1024x1024xf32, #tpu.memory_space<vmem>>, vector<1024x1024xf32>,
    return
  }
  func.func @transform_1(%arg0: i32) -> (i32, i32) {
    %c0_i32 = arith.constant 0 : i32
    %c0_i32_0 = arith.constant 0 : i32
    return %arg0, %c0_i32 : i32, i32
  }
  func.func @transform_2(%arg0: i32) -> (i32, i32) {
    %c0_i32 = arith.constant 0 : i32
    %c0_i32_0 = arith.constant 0 : i32
    %c0_i32_1 = arith.constant 0 : i32
    return %c0_i32, %c0_i32_0 : i32, i32
  }
  func.func @transform_3(%arg0: i32) -> (i32, i32) {
    %c0_i32 = arith.constant 0 : i32
    %c0_i32_0 = arith.constant 0 : i32
    %c0_i32_1 = arith.constant 0 : i32
    return %c0_i32, %c0_i32_0 : i32, i32
  }
  func.func @transform_4(%arg0: i32) -> (i32, i32) {
    %add3A = arith.constant 150 : i32
    %add3A_0 = arith.addi %add3A, %arg0 : i32
    %c0_i32 = arith.constant 0 : i32
    %c0_i32_1 = arith.constant 0 : i32
    return %add3A_0, %c0_i32 : i32, i32
  }
}

module attributes {stable_mosaic.version = 14 : i64} {
  func.func @body(%arg0: i32, %arg1: memref<204800x1024xf32, #tpu.memory_space<hbm>>, %arg2: memref<1024x128xf32, #tpu.memory_space<vmem>>, %arg3: memref<1024x64xf32, #tpu.memory_space<vmem>>, %arg4: memref<1x1024xf32, #tpu.memory_space<vmem>>, %arg5: memref<1024x1024xf32, #tpu.memory_space<vmem>>) attributes {dimension_semantics = [#tpu.dimension_semantics<arbitrary>], iteration_bounds = array<i64: 25>, scalar_prefetch = 0 : i64, scratch_operands = 0 : i64, tpu.core_type = #tpu.core_type<tc>, window_params = [{}, {transform_indices = @transform_1, window_bounds = array<i64: 1024, 128>}, {pipeline_mode = #tpu.pipeline_mode<synchronous>, transform_indices = @transform_2, window_bounds = array<i64: 1024, 64>}, {pipeline_mode = #tpu.pipeline_mode<synchronous>, transform_indices = @transform_3, window_bounds = array<i64: 1, 1024>}, {transform_indices = @transform_4, window_bounds = array<i64: 1024, 1024>}]} {
    %get3A = arith.constant 0 : index
    %get3A_0 = arith.constant 0 : index
    %get3A_1 = vector.load %arg2[%get3A, %get3A_0] : memref<1024x128xf32, #tpu.memory_space<vmem>>, vector<1024x64xf32>
    %get3A_2 = arith.constant 0 : index
    %get3A_3 = arith.constant 0 : index
    %get3A_4 = vector.load %arg3[%get3A_2, %get3A_3] : memref<1024x64xf32, #tpu.memory_space<vmem>>, vector<1024x64xf32>
    %dot_general3A = arith.constant dense<0.000000e+00> : vector<1024x1024xf32>
    %dot_general3A_5 = tpu.matmul %get3A_1, %get3A_4, %dot_general3A {dimension_numbers = #tpu.dot_dimension_numbers<[1], [1], [0], [0], [0, 0, 1, 0], [], []>, transpose_lhs_hint = false} : vector<1024x64xf32>, vector<1024x64xf32>, vector<1024x1024xf32> -> vector<1024x1024xf32>
    %get3A_6 = arith.constant 0 : index
    %get3A_7 = arith.constant 0 : index
    %get3A_8 = vector.load %arg4[%get3A_6, %get3A_7] : memref<1x1024xf32, #tpu.memory_space<vmem>>, vector<1x1024xf32>
    %add3A = vector.broadcast %get3A_8 : vector<1x1024xf32> to vector<1024x1024xf32>
    %add3A_9 = arith.addf %dot_general3A_5, %add3A : vector<1024x1024xf32>
    %swap3A = arith.constant 0 : index
    %swap3A_10 = arith.constant 0 : index
    %swap3A_11 = vector.load %arg5[%swap3A, %swap3A_10] : memref<1024x1024xf32, #tpu.memory_space<vmem>>, vector<1024x1024xf32>
    tpu.vector_store %arg5[%swap3A, %swap3A_10], %add3A_9 {strides = array<i32>} : memref<1024x1024xf32, #tpu.memory_space<vmem>>, vector<1024x1024xf32>,
    return
  }
  func.func @transform_1(%arg0: i32) -> (i32, i32) {
    %c0_i32 = arith.constant 0 : i32
    %c0_i32_0 = arith.constant 0 : i32
    return %arg0, %c0_i32 : i32, i32
  }
  func.func @transform_2(%arg0: i32) -> (i32, i32) {
    %c0_i32 = arith.constant 0 : i32
    %c0_i32_0 = arith.constant 0 : i32
    %c0_i32_1 = arith.constant 0 : i32
    return %c0_i32, %c0_i32_0 : i32, i32
  }
  func.func @transform_3(%arg0: i32) -> (i32, i32) {
    %c0_i32 = arith.constant 0 : i32
    %c0_i32_0 = arith.constant 0 : i32
    %c0_i32_1 = arith.constant 0 : i32
    return %c0_i32, %c0_i32_0 : i32, i32
  }
  func.func @transform_4(%arg0: i32) -> (i32, i32) {
    %add3A = arith.constant 175 : i32
    %add3A_0 = arith.addi %add3A, %arg0 : i32
    %c0_i32 = arith.constant 0 : i32
    %c0_i32_1 = arith.constant 0 : i32
    return %add3A_0, %c0_i32 : i32, i32
  }
}

</mosaic_0001>

<sc_bundles>
// kernel: kernel.19.cloned.1.call-start
scs
__scs_entry_jumppad:
0x0: {  	(pc) =	sbr.rel $0x88, $3  }
0x1: {  	(tag) =	ssettag $0x0;
	lr =	simm.s32 $0x1  }
0x2: {  	[smem:$0x3F9D] =	sst lr;
	_ =	strace $0xD0000000  }
0x3: {  	_ = 	snop  }
0x4: {  	_ = 	snop  }
0x5: {  	_ = 	snop  }
0x6: {  	_ = 	snop  }
0x7: {  	_ = 	snop  }
__scs_overlays_trampoline_lowered:
0x8: {  	[smem:$0x3FAC] =	sst s0  }
0x9: {  	[smem:$0x3FAD] =	sst s1  }
0xa: {  	[smem:$0x3FAE] =	sst s2  }
0xb: {  	[smem:$0x3FAF] =	sst s3  }
0xc: {  	[smem:$0x3FB0] =	sst s4  }
0xd: {  	[smem:$0x3FB1] =	sst s5  }
0xe: {  	[smem:$0x3FB2] =	sst s6  }
0xf: {  	[smem:$0x3FB3] =	sst s7  }
0x10: {  	[smem:$0x3FB4] =	sst s8  }
0x11: {  	[smem:$0x3FB5] =	sst s9;
	s0 =	simm.s32 @!p0 $0x0  }
0x12: {  	s1 =	sld [smem:$0x3F9B];
	s0 =	simm.s32 @p0 $0x1  }
0x13: {  	[smem:$0x3FB6] =	sst s0;
	s0 =	simm.s32 @!p1 $0x0  }
0x14: {  	s2 =	sld [smem:$0x3F9A];
	s0 =	simm.s32 @p1 $0x1  }
0x15: {  	[smem:$0x3FB7] =	sst s0;
	s0 =	simm.s32 @!p2 $0x0  }
0x16: {  	s3 =	sld [smem:$0x3FDB];
	s0 =	simm.s32 @p2 $0x1  }
0x17: {  	s4 =	simm.s32 $0x1BF5;
	[smem:$0x3FB9] =	sst s0  }
0x18: {  	s0 =	sld [smem:$0x3F9C];
	_ =	swait.ge [sflag:s4], $0x0  }
0x19: {  	s7 =	sld [smem:$0x3F9D]  }
0x1a: {  	s8 =	sadd.s32 $0xFFFFE003, lr  }
0x1b: {  	s9 =	sadd.s32 $0xFFFFFEF7, lr;
	s5 =	simm.s32 $0xFFFFFFFF;
	p2 =	slt.u32 s8, $0xFFFFF086  }
0x1c: {  	p1 =	slt.u32 s9, $0xF7A;
	s5 =	simm.s32 @!p2 $0x0  }
0x1d: {  	s5 =	simm.s32 @p1 $0x1;
	p0 =	seq.s32 s7, s2  }
0x1e: {  	s7 =	smul.u32 @!p0 $0xF7A, s2;
	p2 =	seq.s32 @!p0 s5, $0x0  }
0x1f: {  	s9 =	smul.u32 $0xF7A, s1;
	s8 =	simm.s32 @!p0 $0x1BF5;
	p2 =	por !p2, p0  }
0x20: {  	[sflag:s8] =	ssyncset.s32 @!p0 $0xFFFFF086;
	s6 =	sadd.s32 @!p0 s3, s7;
	s7 =	simm.s32 @!p0 $0x108  }
0x21: {  	s3 =	sadd.s32 s3, s9;
	s6 =	sadd.s32 @!p0 $0x88, s6;
	s7 =	simm.s32 @p2 $0x1082  }
0x22: {  	[simem:s7], [sflag:s8] =	dma.local @!p0 [hbm:s6], $0xF7A  }
0x23: {  	s9 =	sor.u32 $0xD0000000, s2;
	s6 =	simm.s32 $0x108;
	_ =	swait.ge @!p0 [sflag:s8], $0x0  }
0x24: {  	s3 =	sadd.s32 $0x88, s3;
	s6 =	simm.s32 @!p1 $0x1082;
	[sflag:s4] =	ssyncset.s32 $0xFFFFF086  }
0x25: {  	[simem:s6], [sflag:s4] =	dma.local [hbm:s3], $0xF7A  }
0x26: {  	[smem:$0x3F9D] =	sst s1;
	(tag) =	ssettag s2;
	_ =	strace s9  }
0x27: {  	s1 =	sld [smem:$0x3FAD]  }
0x28: {  	s2 =	sld [smem:$0x3FAE]  }
0x29: {  	s4 =	sld [smem:$0x3FB0]  }
0x2a: {  	p0 =	seq.s32 s5, $0x0;
	s5 =	sld [smem:$0x3FB1]  }
0x2b: {  	s6 =	sld [smem:$0x3FB2]  }
0x2c: {  	s7 =	sld [smem:$0x3FB3]  }
0x2d: {  	s3 =	simm.s32 $0x108;
	s8 =	sld [smem:$0x3FB4]  }
0x2e: {  	s3 =	simm.s32 @!p0 $0x1082;
	s9 =	sld [smem:$0x3FB5]  }
0x2f: {  	lr =	sadd.s32 s0, s3;
	s0 =	sld [smem:$0x3FAC]  }
0x30: {  	s3 =	sld [smem:$0x3FAF]  }
0x31: {  	[smem:$0x3FB8] =	sst s10  }
0x32: {  	s10 =	sld [smem:$0x3FB6];
	_ =	sdelay $0x3  }
0x33: {  	p0 =	seq.s32 s10, $0x1;
	s10 =	sld [smem:$0x3FB8];
	_ =	sdelay $0x3  }
0x34: {  	[smem:$0x3FB8] =	sst s10  }
0x35: {  	s10 =	sld [smem:$0x3FB7];
	_ =	sdelay $0x3  }
0x36: {  	p1 =	seq.s32 s10, $0x1;
	s10 =	sld [smem:$0x3FB8];
	_ =	sdelay $0x3  }
0x37: {  	[smem:$0x3FB8] =	sst s10  }
0x38: {  	s10 =	sld [smem:$0x3FB9]  }
0x39: {  	_ = 	snop;
	(pc) =	sbr.ind lr, $3  }
0x3a: {  	_ = 	snop  }
0x3b: {  	_ = 	snop  }
0x3c: {  	p2 =	seq.s32 s10, $0x1;
	s10 =	sld [smem:$0x3FB8]  }
0x3d: {  	_ =	shalt  }
0x3e: {  	_ =	shalt  }
0x3f: {  	_ =	shalt  }
0x40: {  	_ =	shalt  }
0x41: {  	_ =	shalt  }
0x42: {  	_ =	shalt  }
0x43: {  	_ =	shalt  }
0x44: {  	_ =	shalt  }
0x45: {  	_ =	shalt  }
0x46: {  	_ =	shalt  }
0x47: {  	_ =	shalt  }
0x48: {  	_ =	shalt  }
0x49: {  	_ =	shalt  }
0x4a: {  	_ =	shalt  }
0x4b: {  	_ =	shalt  }
0x4c: {  	_ =	shalt  }
0x4d: {  	_ =	shalt  }
0x4e: {  	_ =	shalt  }
0x4f: {  	_ =	shalt  }
0x50: {  	_ =	shalt  }
0x51: {  	_ =	shalt  }
0x52: {  	_ =	shalt  }
0x53: {  	_ =	shalt  }
0x54: {  	_ =	shalt  }
0x55: {  	_ =	shalt  }
0x56: {  	_ =	shalt  }
0x57: {  	_ =	shalt  }
0x58: {  	_ =	shalt  }
0x59: {  	_ =	shalt  }
0x5a: {  	_ =	shalt  }
0x5b: {  	_ =	shalt  }
0x5c: {  	_ =	shalt  }
0x5d: {  	_ =	shalt  }
0x5e: {  	_ =	shalt  }
0x5f: {  	_ =	shalt  }
0x60: {  	_ =	shalt  }
0x61: {  	_ =	shalt  }
0x62: {  	_ =	shalt  }
0x63: {  	_ =	shalt  }
0x64: {  	_ =	shalt  }
0x65: {  	_ =	shalt  }
0x66: {  	_ =	shalt  }
0x67: {  	_ =	shalt  }
0x68: {  	_ =	shalt  }
0x69: {  	_ =	shalt  }
0x6a: {  	_ =	shalt  }
0x6b: {  	_ =	shalt  }
0x6c: {  	_ =	shalt  }
0x6d: {  	_ =	shalt  }
0x6e: {  	_ =	shalt  }
0x6f: {  	_ =	shalt  }
0x70: {  	_ =	shalt  }
0x71: {  	_ =	shalt  }
0x72: {  	_ =	shalt  }
0x73: {  	_ =	shalt  }
0x74: {  	_ =	shalt  }
0x75: {  	_ =	shalt  }
0x76: {  	_ =	shalt  }
0x77: {  	_ =	shalt  }
0x78: {  	_ =	shalt  }
0x79: {  	_ =	shalt  }
0x7a: {  	_ =	shalt  }
0x7b: {  	_ =	shalt  }
0x7c: {  	_ =	shalt  }
0x7d: {  	_ =	shalt  }
0x7e: {  	_ =	shalt  }
0x7f: {  	_ =	shalt  }
0x80: {  	_ =	shalt  }
0x81: {  	_ =	shalt  }
0x82: {  	_ =	shalt  }
0x83: {  	_ =	shalt  }
0x84: {  	_ =	shalt  }
0x85: {  	_ =	shalt  }
0x86: {  	_ =	shalt  }
0x87: {  	_ =	shalt  }
.Lfunc_end0:
.L_simem_size_0:
called_computation_lowered:
.L_overlay_start_0:
0x88: {  	s2 =	sld [smem:$0x3FD9]  }
0x89: {  	s3 =	sld [smem:$0x3FFE];
	_ =	sdelay $0x1  }
0x8a: {  	s1 =	srdreg.scid  }
0x8b: {  	s0 =	sand.u32 $0x1, s1  }
0x8c: {  	s17 =	sshll.u32 s0, $0xA;
	s2 =	sadd.s32 s3, s2  }
0x8d: {  	s2 =	sadd.s32 s2, s17  }
0x8e: {  	[smem:$0x3FC4] =	sst s2  }
0x8f: {  	_ = 	snop  }
0x90: {  	s2 =	sld [smem:$0x3FD0];
	(tm) =	ssettm $0x1  }
0x91: {  	s18 =	sld [smem:$0x3FFB];
	_ =	sdelay $0x3  }
0x92: {  	_ =	strace s18  }
0x93: {  	s3 =	sld [smem:$0x3FFC];
	_ =	sdelay $0x3  }
0x94: {  	_ =	strace s3  }
0x95: {  	s3 =	sld [smem:$0x3FFD];
	_ =	sdelay $0x3  }
0x96: {  	_ =	strace s3  }
0x97: {  	_ =	strace $0x8FFFFFFF  }
0x98: {  	s19 =	sld [smem:$0x3FDB];
	_ =	sdelay $0x1  }
0x99: {  	s4 =	simm.s32 $_scs_section_size  }
0x9a: {  	s5 =	simm.s32 $_size__tile_overlayer_lowered;
	s6 =	simm.s32 $_tile_overlayer_lowered  }
0x9b: {  	s22 =	simm.s32 $0x1BFF;
	s21 =	sshll.u32 s6, $0x1;
	s3 =	sadd.s32 s4, s19  }
0x9c: {  	s7 =	simm.s32 $0x0;
	s20 =	sshll.u32 s5, $0x1;
	s5 =	sadd.s32 s21, s3  }
0x9d: {  	[timem:s7], [sflag:s22] =	dma.local [hbm:s5], s20  }
0x9e: {  	_ =	swait.ge [sflag:s22], s20  }
0x9f: {  	s4 =	ssub.s32 $0x0, s20;
	[sflag:s22] =	ssyncset.done $0x0  }
0xa0: {  	[sflag:s22] =	ssyncadd.s32 s4;
	_ =	sdelay $0x1  }
0xa1: {  	s23 =	simm.s32 $0x1B8B  }
0xa2: {  	_ =	swait.ge [sflag:s23], $0x1  }
0xa3: {  	[sflag:s23] =	ssyncset.done $0x0  }
0xa4: {  	s25 =	simm.s32 $0x1B8E;
	s24 =	sld [smem:$0x3FFE];
	[sflag:s23] =	ssyncadd.s32 $0xFFFFFFFF  }
0xa5: {  	s26 =	simm.s32 $execute0_lowered;
	[smem:$0x3FD2] =	sst s25  }
0xa6: {  	s5 =	sshll.u32 s26, $0x1;
	_ =	strace $0x80000046;
	[dreg:$0x1] =	wrdreg $0xFFFFFFFF  }
0xa7: {  	s28 =	simm.s32 $_size_execute0_lowered;
	s3 =	sadd.s32 s3, s5;
	[dreg:$0x0] =	wrdreg $0x0  }
0xa8: {  	s5 =	sshll.u32 s28, $0x1;
	[dreg:$0x2] =	wrdreg s3  }
0xa9: {  	[dreg:$0x3] =	wrdreg s5  }
0xaa: {  	[dreg:$0x4] =	wrdreg $0xC0  }
0xab: {  	_ =	task [dreg:s7], $0x5FFFF  }
0xac: {  	[dreg:$0x1] =	wrdreg $0xFFFFFFFF  }
0xad: {  	[dreg:$0x0] =	wrdreg $0x60  }
0xae: {  	[dreg:$0x2] =	wrdreg s24  }
0xaf: {  	[dreg:$0x3] =	wrdreg s2  }
0xb0: {  	[dreg:$0x4] =	wrdreg $0x9  }
0xb1: {  	_ =	task.clear_ibuf [dreg:s7], $0x5FFFF;
	_ =	strace $0x90000046  }
0xb2: {  	s29 =	simm.s32 $0x9;
	_ =	strace $0x80000048  }
0xb3: {  	_ =	swait.ge [sflag:s29], $0x1  }
0xb4: {  	[sflag:s29] =	ssyncadd.s32 $0xFFFFFFFF  }
0xb5: {  	_ =	strace $0x90000048  }
0xb6: {  	_ =	sfence  }
0xb7: {  	s30 =	sld [smem:$0x0];
	_ =	sdelay $0x2  }
0xb8: {  	s31 =	sshll.u32 s1, $0xD;
	s1 =	sshrl.u32 s1, $0x2  }
0xb9: {  	s3 =	sand.u32 $0x4000, s31;
	s1 =	sadd.s32 s1, s30  }
0xba: {  	s0 =	sor.u32 s3, s0;
	s1 =	sshll.u32 s1, $0x11  }
0xbb: {  	s0 =	sor.u32 s1, s0  }
0xbc: {  	s0 =	sadd.s32 $0x8F2B, s0  }
0xbd: {  	[sflag:s0] =	ssyncadd.remote.s32 $0x1  }
0xbe: {  	_ =	sfence.sel $0xFFFF  }
0xbf: {  	[dreg:$0x0] =	wrdreg $0xFFFFFFFF;
	(pc) =	sbr.abs _section_cstart, $3  }
0xc0: {  	[dreg:$0x1] =	wrdreg $0xFFFFFFFF  }
0xc1: {  	_ =	task.clear_ibuf [dreg:s7], $0x2FFFF;
	_ =	strace $0x9FFFFFFF  }
0xc2: {  	(tm) =	ssettm $0x7FFFFFFF  }
0xc3: {  	_ =	shalt  }
tec
execute0_lowered:
.L_overlay_start_1:
0x0: {  	(tag) =	ssettag $0x1  }
0x1: {  	s1 =	srdreg.scid;
	s0 =	stileid.u32  }
0x2: {  	s25 =	sand.u32 $0x1, s1;
	s31 =	sshll.u32 s0, $0x1  }
0x3: {  	s5 =	rddreg [dreg:$0x0];
	s9 =	sor.u32 s25, s31  }
0x4: {  	s10 =	rddreg [dreg:$0x1];
	s3 =	smul.u32 $0x64, s9  }
0x5: {  	s2 =	simm.s32 $0x0;
	s1 =	rddreg [dreg:$0x2]  }
0x6: {  	[smem:$0x7FF] =	sst s2;
	s3 =	sadd.s32 s3, s5  }
0x7: {  	_ =	strace $0x80000047;
	s4 =	sadd.s32 $0x3800, s3;
	s3 =	simm.s32 $0x2  }
0x8: {  	[tilespmem:s2], [sflag:$0x2] =	stream.linear.gather [hbm4b:s4+s2], $0x320, $0x38;
	[tilespmem:$0x2B80] =	vst v63  }
0x9: {  	_ =	swait.ge [sflag:s3], $0x320  }
0xa: {  	s6 =	simm.s32 $0x50;
	s7 =	simm.s32 $0x380;
	[sflag:s3] =	ssyncset.done $0x0  }
0xb: {  	s8 =	simm.s32 $0x1;
	s5 =	sadd.s32 $0x4600, s5;
	[sflag:s3] =	ssyncadd.s32 $0xFFFFFCE0  }
0xc: {  	[tilespmem:s7], [sflag:$0x1] =	stream.indirect.gather [hbm4b:s5+s6], $0x80, s2, s6, $0xb8;
	[tilespmem:$0x2B80] =	vst v63  }
0xd: {  	s9 =	smul.u32 $0x3200, s9;
	_ =	swait.ge [sflag:s8], $0x2800  }
0xe: {  	[sflag:s8] =	ssyncset.done $0x0  }
0xf: {  	s9 =	sadd.s32 s10, s9;
	[sflag:s8] =	ssyncadd.s32 $0xFFFFD800  }
0x10: {  	[hbm4b:s9+s2] =	stream.linear.scatter [tilespmem:s7], [sflag:$0x2], $0x2800, $0x38;
	[tilespmem:$0x2B80] =	vst v63  }
0x11: {  	_ =	swait.ge [sflag:s3], $0x2800  }
0x12: {  	[sflag:s3] =	ssyncset.done $0x0  }
0x13: {  	[sflag:s3] =	ssyncadd.s32 $0xFFFFD800  }
0x14: {  	[tilespmem:s7], [sflag:$0x1] =	stream.indirect.gather [hbm4b:s5+s6], $0x80, s6, s6, $0xb8;
	[tilespmem:$0x2B80] =	vst v63  }
0x15: {  	_ =	swait.ge [sflag:s8], $0x2800  }
0x16: {  	[sflag:s8] =	ssyncset.done $0x0  }
0x17: {  	s10 =	sadd.s32 $0x500, s9;
	[sflag:s8] =	ssyncadd.s32 $0xFFFFD800  }
0x18: {  	[hbm4b:s10+s2] =	stream.linear.scatter [tilespmem:s7], [sflag:$0x2], $0x2800, $0x38;
	[tilespmem:$0x2B80] =	vst v63  }
0x19: {  	_ =	swait.ge [sflag:s3], $0x2800  }
0x1a: {  	[sflag:s3] =	ssyncset.done $0x0  }
0x1b: {  	s11 =	simm.s32 $0xA0;
	[sflag:s3] =	ssyncadd.s32 $0xFFFFD800  }
0x1c: {  	[tilespmem:s7], [sflag:$0x1] =	stream.indirect.gather [hbm4b:s5+s6], $0x80, s11, s6, $0xb8;
	[tilespmem:$0x2B80] =	vst v63  }
0x1d: {  	_ =	swait.ge [sflag:s8], $0x2800  }
0x1e: {  	[sflag:s8] =	ssyncset.done $0x0  }
0x1f: {  	s12 =	sadd.s32 $0xA00, s9;
	[sflag:s8] =	ssyncadd.s32 $0xFFFFD800  }
0x20: {  	[hbm4b:s12+s2] =	stream.linear.scatter [tilespmem:s7], [sflag:$0x2], $0x2800, $0x38;
	[tilespmem:$0x2B80] =	vst v63  }
0x21: {  	_ =	swait.ge [sflag:s3], $0x2800  }
0x22: {  	[sflag:s3] =	ssyncset.done $0x0  }
0x23: {  	s13 =	simm.s32 $0xF0;
	[sflag:s3] =	ssyncadd.s32 $0xFFFFD800  }
0x24: {  	[tilespmem:s7], [sflag:$0x1] =	stream.indirect.gather [hbm4b:s5+s6], $0x80, s13, s6, $0xb8;
	[tilespmem:$0x2B80] =	vst v63  }
0x25: {  	_ =	swait.ge [sflag:s8], $0x2800  }
0x26: {  	[sflag:s8] =	ssyncset.done $0x0  }
0x27: {  	s14 =	sadd.s32 $0xF00, s9;
	[sflag:s8] =	ssyncadd.s32 $0xFFFFD800  }
0x28: {  	[hbm4b:s14+s2] =	stream.linear.scatter [tilespmem:s7], [sflag:$0x2], $0x2800, $0x38;
	[tilespmem:$0x2B80] =	vst v63  }
0x29: {  	_ =	swait.ge [sflag:s3], $0x2800  }
0x2a: {  	[sflag:s3] =	ssyncset.done $0x0  }
0x2b: {  	s15 =	simm.s32 $0x140;
	[sflag:s3] =	ssyncadd.s32 $0xFFFFD800  }
0x2c: {  	[tilespmem:s7], [sflag:$0x1] =	stream.indirect.gather [hbm4b:s5+s6], $0x80, s15, s6, $0xb8;
	[tilespmem:$0x2B80] =	vst v63  }
0x2d: {  	_ =	swait.ge [sflag:s8], $0x2800  }
0x2e: {  	[sflag:s8] =	ssyncset.done $0x0  }
0x2f: {  	s16 =	sadd.s32 $0x1400, s9;
	[sflag:s8] =	ssyncadd.s32 $0xFFFFD800  }
0x30: {  	[hbm4b:s16+s2] =	stream.linear.scatter [tilespmem:s7], [sflag:$0x2], $0x2800, $0x38;
	[tilespmem:$0x2B80] =	vst v63  }
0x31: {  	_ =	swait.ge [sflag:s3], $0x2800  }
0x32: {  	[sflag:s3] =	ssyncset.done $0x0  }
0x33: {  	s17 =	simm.s32 $0x190;
	[sflag:s3] =	ssyncadd.s32 $0xFFFFD800  }
0x34: {  	[tilespmem:s7], [sflag:$0x1] =	stream.indirect.gather [hbm4b:s5+s6], $0x80, s17, s6, $0xb8;
	[tilespmem:$0x2B80] =	vst v63  }
0x35: {  	_ =	swait.ge [sflag:s8], $0x2800  }
0x36: {  	[sflag:s8] =	ssyncset.done $0x0  }
0x37: {  	s18 =	sadd.s32 $0x1900, s9;
	[sflag:s8] =	ssyncadd.s32 $0xFFFFD800  }
0x38: {  	[hbm4b:s18+s2] =	stream.linear.scatter [tilespmem:s7], [sflag:$0x2], $0x2800, $0x38;
	[tilespmem:$0x2B80] =	vst v63  }
0x39: {  	_ =	swait.ge [sflag:s3], $0x2800  }
0x3a: {  	[sflag:s3] =	ssyncset.done $0x0  }
0x3b: {  	s19 =	simm.s32 $0x1E0;
	[sflag:s3] =	ssyncadd.s32 $0xFFFFD800  }
0x3c: {  	[tilespmem:s7], [sflag:$0x1] =	stream.indirect.gather [hbm4b:s5+s6], $0x80, s19, s6, $0xb8;
	[tilespmem:$0x2B80] =	vst v63  }
0x3d: {  	_ =	swait.ge [sflag:s8], $0x2800  }
0x3e: {  	[sflag:s8] =	ssyncset.done $0x0  }
0x3f: {  	s20 =	sadd.s32 $0x1E00, s9;
	[sflag:s8] =	ssyncadd.s32 $0xFFFFD800  }
0x40: {  	[hbm4b:s20+s2] =	stream.linear.scatter [tilespmem:s7], [sflag:$0x2], $0x2800, $0x38;
	[tilespmem:$0x2B80] =	vst v63  }
0x41: {  	_ =	swait.ge [sflag:s3], $0x2800  }
0x42: {  	[sflag:s3] =	ssyncset.done $0x0  }
0x43: {  	s21 =	simm.s32 $0x230;
	[sflag:s3] =	ssyncadd.s32 $0xFFFFD800  }
0x44: {  	[tilespmem:s7], [sflag:$0x1] =	stream.indirect.gather [hbm4b:s5+s6], $0x80, s21, s6, $0xb8;
	[tilespmem:$0x2B80] =	vst v63  }
0x45: {  	_ =	swait.ge [sflag:s8], $0x2800  }
0x46: {  	[sflag:s8] =	ssyncset.done $0x0  }
0x47: {  	s22 =	sadd.s32 $0x2300, s9;
	[sflag:s8] =	ssyncadd.s32 $0xFFFFD800  }
0x48: {  	[hbm4b:s22+s2] =	stream.linear.scatter [tilespmem:s7], [sflag:$0x2], $0x2800, $0x38;
	[tilespmem:$0x2B80] =	vst v63  }
0x49: {  	_ =	swait.ge [sflag:s3], $0x2800  }
0x4a: {  	[sflag:s3] =	ssyncset.done $0x0  }
0x4b: {  	s23 =	simm.s32 $0x280;
	[sflag:s3] =	ssyncadd.s32 $0xFFFFD800  }
0x4c: {  	[tilespmem:s7], [sflag:$0x1] =	stream.indirect.gather [hbm4b:s5+s6], $0x80, s23, s6, $0xb8;
	[tilespmem:$0x2B80] =	vst v63  }
0x4d: {  	_ =	swait.ge [sflag:s8], $0x2800  }
0x4e: {  	[sflag:s8] =	ssyncset.done $0x0  }
0x4f: {  	s26 =	ssub.s32 $0x2, s25;
	s24 =	sadd.s32 $0x2800, s9;
	[sflag:s8] =	ssyncadd.s32 $0xFFFFD800  }
0x50: {  	[hbm4b:s24+s2] =	stream.linear.scatter [tilespmem:s7], [sflag:$0x2], $0x2800, $0x38;
	[tilespmem:$0x2B80] =	vst v63  }
0x51: {  	s28 =	sshrl.u32 s26, $0x1;
	_ =	swait.ge [sflag:s3], $0x2800  }
0x52: {  	s26 =	ssub.s32 s26, s28;
	[sflag:s3] =	ssyncset.done $0x0  }
0x53: {  	s25 =	simm.s32 $0x2D0;
	s28 =	smax.u32 s26, $0x1;
	[sflag:s3] =	ssyncadd.s32 $0xFFFFD800  }
0x54: {  	[tilespmem:s7], [sflag:$0x1] =	stream.indirect.gather [hbm4b:s5+s6], $0x80, s25, s6, $0xb8;
	[tilespmem:$0x2B80] =	vst v63  }
0x55: {  	p0 =	sne.s32 s28, $0x1;
	_ =	swait.ge [sflag:s8], $0x2800  }
.Ltmp0:
0x56: {  	[sflag:s8] =	ssyncset.done $0x0;
	(pc) =	sbr.rel @!p0 .LBB2_2-.Ltmp0, $4  }
0x57: {  	s26 =	sadd.s32 $0x2D00, s9;
	[sflag:s8] =	ssyncadd.s32 $0xFFFFD800  }
0x58: {  	[hbm4b:s26+s2] =	stream.linear.scatter [tilespmem:s7], [sflag:$0x2], $0x2800, $0x38;
	[tilespmem:$0x2B80] =	vst v63  }
0x59: {  	_ =	swait.ge [sflag:s3], $0x2800  }
0x5a: {  	s28 =	sadd.s32 $0xFFFFFFFF, s28;
	[sflag:s3] =	ssyncset.done $0x0  }
.LBB2_1:
0x5b: {  	p0 =	sne.s32 s28, $0x1;
	s28 =	sadd.s32 $0xFFFFFFFF, s28;
	[sflag:s3] =	ssyncadd.s32 $0xFFFFD800  }
0x5c: {  	[tilespmem:s2], [sflag:$0x2] =	stream.linear.gather [hbm4b:s4+s2], $0x320, $0x38;
	[tilespmem:$0x2B80] =	vst v63  }
0x5d: {  	_ =	swait.ge [sflag:s3], $0x320  }
0x5e: {  	[sflag:s3] =	ssyncset.done $0x0  }
0x5f: {  	[sflag:s3] =	ssyncadd.s32 $0xFFFFFCE0  }
0x60: {  	[tilespmem:s7], [sflag:$0x1] =	stream.indirect.gather [hbm4b:s5+s6], $0x80, s2, s6, $0xb8;
	[tilespmem:$0x2B80] =	vst v63  }
0x61: {  	_ =	swait.ge [sflag:s8], $0x2800  }
0x62: {  	[sflag:s8] =	ssyncset.done $0x0  }
0x63: {  	[sflag:s8] =	ssyncadd.s32 $0xFFFFD800  }
0x64: {  	[hbm4b:s9+s2] =	stream.linear.scatter [tilespmem:s7], [sflag:$0x2], $0x2800, $0x38;
	[tilespmem:$0x2B80] =	vst v63  }
0x65: {  	_ =	swait.ge [sflag:s3], $0x2800  }
0x66: {  	[sflag:s3] =	ssyncset.done $0x0  }
0x67: {  	[sflag:s3] =	ssyncadd.s32 $0xFFFFD800  }
0x68: {  	[tilespmem:s7], [sflag:$0x1] =	stream.indirect.gather [hbm4b:s5+s6], $0x80, s6, s6, $0xb8;
	[tilespmem:$0x2B80] =	vst v63  }
0x69: {  	_ =	swait.ge [sflag:s8], $0x2800  }
0x6a: {  	[sflag:s8] =	ssyncset.done $0x0  }
0x6b: {  	[sflag:s8] =	ssyncadd.s32 $0xFFFFD800  }
0x6c: {  	[hbm4b:s10+s2] =	stream.linear.scatter [tilespmem:s7], [sflag:$0x2], $0x2800, $0x38;
	[tilespmem:$0x2B80] =	vst v63  }
0x6d: {  	_ =	swait.ge [sflag:s3], $0x2800  }
0x6e: {  	[sflag:s3] =	ssyncset.done $0x0  }
0x6f: {  	[sflag:s3] =	ssyncadd.s32 $0xFFFFD800  }
0x70: {  	[tilespmem:s7], [sflag:$0x1] =	stream.indirect.gather [hbm4b:s5+s6], $0x80, s11, s6, $0xb8;
	[tilespmem:$0x2B80] =	vst v63  }
0x71: {  	_ =	swait.ge [sflag:s8], $0x2800  }
0x72: {  	[sflag:s8] =	ssyncset.done $0x0  }
0x73: {  	[sflag:s8] =	ssyncadd.s32 $0xFFFFD800  }
0x74: {  	[hbm4b:s12+s2] =	stream.linear.scatter [tilespmem:s7], [sflag:$0x2], $0x2800, $0x38;
	[tilespmem:$0x2B80] =	vst v63  }
0x75: {  	_ =	swait.ge [sflag:s3], $0x2800  }
0x76: {  	[sflag:s3] =	ssyncset.done $0x0  }
0x77: {  	[sflag:s3] =	ssyncadd.s32 $0xFFFFD800  }
0x78: {  	[tilespmem:s7], [sflag:$0x1] =	stream.indirect.gather [hbm4b:s5+s6], $0x80, s13, s6, $0xb8;
	[tilespmem:$0x2B80] =	vst v63  }
0x79: {  	_ =	swait.ge [sflag:s8], $0x2800  }
0x7a: {  	[sflag:s8] =	ssyncset.done $0x0  }
0x7b: {  	[sflag:s8] =	ssyncadd.s32 $0xFFFFD800  }
0x7c: {  	[hbm4b:s14+s2] =	stream.linear.scatter [tilespmem:s7], [sflag:$0x2], $0x2800, $0x38;
	[tilespmem:$0x2B80] =	vst v63  }
0x7d: {  	_ =	swait.ge [sflag:s3], $0x2800  }
0x7e: {  	[sflag:s3] =	ssyncset.done $0x0  }
0x7f: {  	[sflag:s3] =	ssyncadd.s32 $0xFFFFD800  }
0x80: {  	[tilespmem:s7], [sflag:$0x1] =	stream.indirect.gather [hbm4b:s5+s6], $0x80, s15, s6, $0xb8;
	[tilespmem:$0x2B80] =	vst v63  }
0x81: {  	_ =	swait.ge [sflag:s8], $0x2800  }
0x82: {  	[sflag:s8] =	ssyncset.done $0x0  }
0x83: {  	[sflag:s8] =	ssyncadd.s32 $0xFFFFD800  }
0x84: {  	[hbm4b:s16+s2] =	stream.linear.scatter [tilespmem:s7], [sflag:$0x2], $0x2800, $0x38;
	[tilespmem:$0x2B80] =	vst v63  }
0x85: {  	_ =	swait.ge [sflag:s3], $0x2800  }
0x86: {  	[sflag:s3] =	ssyncset.done $0x0  }
0x87: {  	[sflag:s3] =	ssyncadd.s32 $0xFFFFD800  }
0x88: {  	[tilespmem:s7], [sflag:$0x1] =	stream.indirect.gather [hbm4b:s5+s6], $0x80, s17, s6, $0xb8;
	[tilespmem:$0x2B80] =	vst v63  }
0x89: {  	_ =	swait.ge [sflag:s8], $0x2800  }
0x8a: {  	[sflag:s8] =	ssyncset.done $0x0  }
0x8b: {  	[sflag:s8] =	ssyncadd.s32 $0xFFFFD800  }
0x8c: {  	[hbm4b:s18+s2] =	stream.linear.scatter [tilespmem:s7], [sflag:$0x2], $0x2800, $0x38;
	[tilespmem:$0x2B80] =	vst v63  }
0x8d: {  	_ =	swait.ge [sflag:s3], $0x2800  }
0x8e: {  	[sflag:s3] =	ssyncset.done $0x0  }
0x8f: {  	[sflag:s3] =	ssyncadd.s32 $0xFFFFD800  }
0x90: {  	[tilespmem:s7], [sflag:$0x1] =	stream.indirect.gather [hbm4b:s5+s6], $0x80, s19, s6, $0xb8;
	[tilespmem:$0x2B80] =	vst v63  }
0x91: {  	_ =	swait.ge [sflag:s8], $0x2800  }
0x92: {  	[sflag:s8] =	ssyncset.done $0x0  }
0x93: {  	[sflag:s8] =	ssyncadd.s32 $0xFFFFD800  }
0x94: {  	[hbm4b:s20+s2] =	stream.linear.scatter [tilespmem:s7], [sflag:$0x2], $0x2800, $0x38;
	[tilespmem:$0x2B80] =	vst v63  }
0x95: {  	_ =	swait.ge [sflag:s3], $0x2800  }
0x96: {  	[sflag:s3] =	ssyncset.done $0x0  }
0x97: {  	[sflag:s3] =	ssyncadd.s32 $0xFFFFD800  }
0x98: {  	[tilespmem:s7], [sflag:$0x1] =	stream.indirect.gather [hbm4b:s5+s6], $0x80, s21, s6, $0xb8;
	[tilespmem:$0x2B80] =	vst v63  }
0x99: {  	_ =	swait.ge [sflag:s8], $0x2800  }
0x9a: {  	[sflag:s8] =	ssyncset.done $0x0  }
0x9b: {  	[sflag:s8] =	ssyncadd.s32 $0xFFFFD800  }
0x9c: {  	[hbm4b:s22+s2] =	stream.linear.scatter [tilespmem:s7], [sflag:$0x2], $0x2800, $0x38;
	[tilespmem:$0x2B80] =	vst v63  }
0x9d: {  	_ =	swait.ge [sflag:s3], $0x2800  }
0x9e: {  	[sflag:s3] =	ssyncset.done $0x0  }
0x9f: {  	[sflag:s3] =	ssyncadd.s32 $0xFFFFD800  }
0xa0: {  	[tilespmem:s7], [sflag:$0x1] =	stream.indirect.gather [hbm4b:s5+s6], $0x80, s23, s6, $0xb8;
	[tilespmem:$0x2B80] =	vst v63  }
0xa1: {  	_ =	swait.ge [sflag:s8], $0x2800  }
0xa2: {  	[sflag:s8] =	ssyncset.done $0x0  }
0xa3: {  	[sflag:s8] =	ssyncadd.s32 $0xFFFFD800  }
0xa4: {  	[hbm4b:s24+s2] =	stream.linear.scatter [tilespmem:s7], [sflag:$0x2], $0x2800, $0x38;
	[tilespmem:$0x2B80] =	vst v63  }
0xa5: {  	_ =	swait.ge [sflag:s3], $0x2800  }
0xa6: {  	[sflag:s3] =	ssyncset.done $0x0  }
0xa7: {  	[sflag:s3] =	ssyncadd.s32 $0xFFFFD800  }
0xa8: {  	[tilespmem:s7], [sflag:$0x1] =	stream.indirect.gather [hbm4b:s5+s6], $0x80, s25, s6, $0xb8;
	[tilespmem:$0x2B80] =	vst v63  }
0xa9: {  	_ =	swait.ge [sflag:s8], $0x2800  }
.Ltmp1:
0xaa: {  	[sflag:s8] =	ssyncset.done $0x0;
	(pc) =	sbr.rel @p0 .LBB2_1-.Ltmp1, $4  }
0xab: {  	[sflag:s8] =	ssyncadd.s32 $0xFFFFD800  }
0xac: {  	[hbm4b:s26+s2] =	stream.linear.scatter [tilespmem:s7], [sflag:$0x2], $0x2800, $0x38;
	[tilespmem:$0x2B80] =	vst v63  }
0xad: {  	_ =	swait.ge [sflag:s3], $0x2800  }
0xae: {  	[sflag:s3] =	ssyncset.done $0x0  }
.LBB2_2:
0xaf: {  	[sflag:s3] =	ssyncadd.s32 $0xFFFFD800  }
0xb0: {  	_ =	sfence.sel $0x180000  }
0xb1: {  	[bflag:$0x0] =	sbarrier.arrive $0xFFFF  }
0xb2: {  	p0 =	sne.s32 s0, $0x0;
	_ =	strace $0x90000047  }
0xb3: {  	s0 =	sadd.s32 @!p0 $0x100000, s1;
	[bflag:$0x2] =	sbarrier.arrive $0xFFFF  }
0xb4: {  	[sflag:s0] =	ssyncadd.tile.s32 @!p0 $0x1;
	_ =	shalt  }
.Lfunc_end2:
_tile_overlayer_lowered:
.L_overlay_start_2:
0xb5: {  	(tag) =	ssettag $0x2  }
0xb6: {  	s0 =	rddreg [dreg:$0x0];
	s2 =	stileid.u32  }
0xb7: {  	s1 =	rddreg [dreg:$0x1];
	p0 =	sne.s32 s2, $0x0  }
0xb8: {  	s3 =	rddreg [dreg:$0x2];
	[bflag:$0x3] =	sbarrier.arrive $0xFFFF;
	s2 =	simm.s32 @!p0 $0x1C02  }
0xb9: {  	[timem:s3], [sflag:s2] =	dma.local @!p0 [hbm:s0], s1  }
0xba: {  	s0 =	simm.s32 @!p0 $0x2  }
0xbb: {  	_ =	swait.ge @!p0 [sflag:s0], s1  }
0xbc: {  	s1 =	ssub.s32 @!p0 $0x0, s1;
	[sflag:s0] =	ssyncset.done @!p0 $0x0  }
0xbd: {  	[sflag:s0] =	ssyncadd.s32 @!p0 s1  }
0xbe: {  	[bflag:$0x3] =	sbarrier.arrive $0xFFFF  }
0xbf: {  	_ =	shalt  }

// kernel: kernel.22.cloned.1.call-start
scs
__scs_entry_jumppad:
0x0: {  	(pc) =	sbr.rel $0x88, $3  }
0x1: {  	(tag) =	ssettag $0x0;
	lr =	simm.s32 $0x1  }
0x2: {  	[smem:$0x3F9D] =	sst lr;
	_ =	strace $0xD0000000  }
0x3: {  	_ = 	snop  }
0x4: {  	_ = 	snop  }
0x5: {  	_ = 	snop  }
0x6: {  	_ = 	snop  }
0x7: {  	_ = 	snop  }
__scs_overlays_trampoline_lowered:
0x8: {  	[smem:$0x3FAC] =	sst s0  }
0x9: {  	[smem:$0x3FAD] =	sst s1  }
0xa: {  	[smem:$0x3FAE] =	sst s2  }
0xb: {  	[smem:$0x3FAF] =	sst s3  }
0xc: {  	[smem:$0x3FB0] =	sst s4  }
0xd: {  	[smem:$0x3FB1] =	sst s5  }
0xe: {  	[smem:$0x3FB2] =	sst s6  }
0xf: {  	[smem:$0x3FB3] =	sst s7  }
0x10: {  	[smem:$0x3FB4] =	sst s8  }
0x11: {  	[smem:$0x3FB5] =	sst s9;
	s0 =	simm.s32 @!p0 $0x0  }
0x12: {  	s1 =	sld [smem:$0x3F9B];
	s0 =	simm.s32 @p0 $0x1  }
0x13: {  	[smem:$0x3FB6] =	sst s0;
	s0 =	simm.s32 @!p1 $0x0  }
0x14: {  	s2 =	sld [smem:$0x3F9A];
	s0 =	simm.s32 @p1 $0x1  }
0x15: {  	[smem:$0x3FB7] =	sst s0;
	s0 =	simm.s32 @!p2 $0x0  }
0x16: {  	s3 =	sld [smem:$0x3FDB];
	s0 =	simm.s32 @p2 $0x1  }
0x17: {  	s4 =	simm.s32 $0x1BF5;
	[smem:$0x3FB9] =	sst s0  }
0x18: {  	s0 =	sld [smem:$0x3F9C];
	_ =	swait.ge [sflag:s4], $0x0  }
0x19: {  	s7 =	sld [smem:$0x3F9D]  }
0x1a: {  	s8 =	sadd.s32 $0xFFFFE003, lr  }
0x1b: {  	s9 =	sadd.s32 $0xFFFFFEF7, lr;
	s5 =	simm.s32 $0xFFFFFFFF;
	p2 =	slt.u32 s8, $0xFFFFF086  }
0x1c: {  	p1 =	slt.u32 s9, $0xF7A;
	s5 =	simm.s32 @!p2 $0x0  }
0x1d: {  	s5 =	simm.s32 @p1 $0x1;
	p0 =	seq.s32 s7, s2  }
0x1e: {  	s7 =	smul.u32 @!p0 $0xF7A, s2;
	p2 =	seq.s32 @!p0 s5, $0x0  }
0x1f: {  	s9 =	smul.u32 $0xF7A, s1;
	s8 =	simm.s32 @!p0 $0x1BF5;
	p2 =	por !p2, p0  }
0x20: {  	[sflag:s8] =	ssyncset.s32 @!p0 $0xFFFFF086;
	s6 =	sadd.s32 @!p0 s3, s7;
	s7 =	simm.s32 @!p0 $0x108  }
0x21: {  	s3 =	sadd.s32 s3, s9;
	s6 =	sadd.s32 @!p0 $0x88, s6;
	s7 =	simm.s32 @p2 $0x1082  }
0x22: {  	[simem:s7], [sflag:s8] =	dma.local @!p0 [hbm:s6], $0xF7A  }
0x23: {  	s9 =	sor.u32 $0xD0000000, s2;
	s6 =	simm.s32 $0x108;
	_ =	swait.ge @!p0 [sflag:s8], $0x0  }
0x24: {  	s3 =	sadd.s32 $0x88, s3;
	s6 =	simm.s32 @!p1 $0x1082;
	[sflag:s4] =	ssyncset.s32 $0xFFFFF086  }
0x25: {  	[simem:s6], [sflag:s4] =	dma.local [hbm:s3], $0xF7A  }
0x26: {  	[smem:$0x3F9D] =	sst s1;
	(tag) =	ssettag s2;
	_ =	strace s9  }
0x27: {  	s1 =	sld [smem:$0x3FAD]  }
0x28: {  	s2 =	sld [smem:$0x3FAE]  }
0x29: {  	s4 =	sld [smem:$0x3FB0]  }
0x2a: {  	p0 =	seq.s32 s5, $0x0;
	s5 =	sld [smem:$0x3FB1]  }
0x2b: {  	s6 =	sld [smem:$0x3FB2]  }
0x2c: {  	s7 =	sld [smem:$0x3FB3]  }
0x2d: {  	s3 =	simm.s32 $0x108;
	s8 =	sld [smem:$0x3FB4]  }
0x2e: {  	s3 =	simm.s32 @!p0 $0x1082;
	s9 =	sld [smem:$0x3FB5]  }
0x2f: {  	lr =	sadd.s32 s0, s3;
	s0 =	sld [smem:$0x3FAC]  }
0x30: {  	s3 =	sld [smem:$0x3FAF]  }
0x31: {  	[smem:$0x3FB8] =	sst s10  }
0x32: {  	s10 =	sld [smem:$0x3FB6];
	_ =	sdelay $0x3  }
0x33: {  	p0 =	seq.s32 s10, $0x1;
	s10 =	sld [smem:$0x3FB8];
	_ =	sdelay $0x3  }
0x34: {  	[smem:$0x3FB8] =	sst s10  }
0x35: {  	s10 =	sld [smem:$0x3FB7];
	_ =	sdelay $0x3  }
0x36: {  	p1 =	seq.s32 s10, $0x1;
	s10 =	sld [smem:$0x3FB8];
	_ =	sdelay $0x3  }
0x37: {  	[smem:$0x3FB8] =	sst s10  }
0x38: {  	s10 =	sld [smem:$0x3FB9]  }
0x39: {  	_ = 	snop;
	(pc) =	sbr.ind lr, $3  }
0x3a: {  	_ = 	snop  }
0x3b: {  	_ = 	snop  }
0x3c: {  	p2 =	seq.s32 s10, $0x1;
	s10 =	sld [smem:$0x3FB8]  }
0x3d: {  	_ =	shalt  }
0x3e: {  	_ =	shalt  }
0x3f: {  	_ =	shalt  }
0x40: {  	_ =	shalt  }
0x41: {  	_ =	shalt  }
0x42: {  	_ =	shalt  }
0x43: {  	_ =	shalt  }
0x44: {  	_ =	shalt  }
0x45: {  	_ =	shalt  }
0x46: {  	_ =	shalt  }
0x47: {  	_ =	shalt  }
0x48: {  	_ =	shalt  }
0x49: {  	_ =	shalt  }
0x4a: {  	_ =	shalt  }
0x4b: {  	_ =	shalt  }
0x4c: {  	_ =	shalt  }
0x4d: {  	_ =	shalt  }
0x4e: {  	_ =	shalt  }
0x4f: {  	_ =	shalt  }
0x50: {  	_ =	shalt  }
0x51: {  	_ =	shalt  }
0x52: {  	_ =	shalt  }
0x53: {  	_ =	shalt  }
0x54: {  	_ =	shalt  }
0x55: {  	_ =	shalt  }
0x56: {  	_ =	shalt  }
0x57: {  	_ =	shalt  }
0x58: {  	_ =	shalt  }
0x59: {  	_ =	shalt  }
0x5a: {  	_ =	shalt  }
0x5b: {  	_ =	shalt  }
0x5c: {  	_ =	shalt  }
0x5d: {  	_ =	shalt  }
0x5e: {  	_ =	shalt  }
0x5f: {  	_ =	shalt  }
0x60: {  	_ =	shalt  }
0x61: {  	_ =	shalt  }
0x62: {  	_ =	shalt  }
0x63: {  	_ =	shalt  }
0x64: {  	_ =	shalt  }
0x65: {  	_ =	shalt  }
0x66: {  	_ =	shalt  }
0x67: {  	_ =	shalt  }
0x68: {  	_ =	shalt  }
0x69: {  	_ =	shalt  }
0x6a: {  	_ =	shalt  }
0x6b: {  	_ =	shalt  }
0x6c: {  	_ =	shalt  }
0x6d: {  	_ =	shalt  }
0x6e: {  	_ =	shalt  }
0x6f: {  	_ =	shalt  }
0x70: {  	_ =	shalt  }
0x71: {  	_ =	shalt  }
0x72: {  	_ =	shalt  }
0x73: {  	_ =	shalt  }
0x74: {  	_ =	shalt  }
0x75: {  	_ =	shalt  }
0x76: {  	_ =	shalt  }
0x77: {  	_ =	shalt  }
0x78: {  	_ =	shalt  }
0x79: {  	_ =	shalt  }
0x7a: {  	_ =	shalt  }
0x7b: {  	_ =	shalt  }
0x7c: {  	_ =	shalt  }
0x7d: {  	_ =	shalt  }
0x7e: {  	_ =	shalt  }
0x7f: {  	_ =	shalt  }
0x80: {  	_ =	shalt  }
0x81: {  	_ =	shalt  }
0x82: {  	_ =	shalt  }
0x83: {  	_ =	shalt  }
0x84: {  	_ =	shalt  }
0x85: {  	_ =	shalt  }
0x86: {  	_ =	shalt  }
0x87: {  	_ =	shalt  }
.Lfunc_end0:
.L_simem_size_0:
called_computation.1_lowered:
.L_overlay_start_0:
0x88: {  	s2 =	sld [smem:$0x3FD9]  }
0x89: {  	s3 =	sld [smem:$0x3FFE];
	_ =	sdelay $0x1  }
0x8a: {  	s1 =	srdreg.scid  }
0x8b: {  	s0 =	sand.u32 $0x1, s1  }
0x8c: {  	s17 =	sshll.u32 s0, $0xA;
	s2 =	sadd.s32 s3, s2  }
0x8d: {  	s2 =	sadd.s32 s2, s17  }
0x8e: {  	[smem:$0x3FC4] =	sst s2  }
0x8f: {  	_ = 	snop  }
0x90: {  	(tm) =	ssettm $0x1  }
0x91: {  	s18 =	sld [smem:$0x3FFB];
	_ =	sdelay $0x3  }
0x92: {  	_ =	strace s18  }
0x93: {  	s2 =	sld [smem:$0x3FFC];
	_ =	sdelay $0x3  }
0x94: {  	_ =	strace s2  }
0x95: {  	s2 =	sld [smem:$0x3FFD];
	_ =	sdelay $0x3  }
0x96: {  	_ =	strace s2  }
0x97: {  	_ =	strace $0x8FFFFFFF  }
0x98: {  	s19 =	sld [smem:$0x3FDB];
	_ =	sdelay $0x1  }
0x99: {  	s20 =	simm.s32 $_scs_section_size  }
0x9a: {  	s4 =	simm.s32 $_size__tile_overlayer_lowered;
	s5 =	simm.s32 $_tile_overlayer_lowered  }
0x9b: {  	s6 =	simm.s32 $0x1BFF;
	s21 =	sshll.u32 s5, $0x1;
	s3 =	sadd.s32 s20, s19  }
0x9c: {  	s22 =	simm.s32 $0x0;
	s4 =	sshll.u32 s4, $0x1;
	s5 =	sadd.s32 s21, s3  }
0x9d: {  	[timem:s22], [sflag:s6] =	dma.local [hbm:s5], s4  }
0x9e: {  	_ =	swait.ge [sflag:s6], s4  }
0x9f: {  	s4 =	ssub.s32 $0x0, s4;
	[sflag:s6] =	ssyncset.done $0x0  }
0xa0: {  	[sflag:s6] =	ssyncadd.s32 s4;
	_ =	sdelay $0x1  }
0xa1: {  	s23 =	simm.s32 $0x1B8B  }
0xa2: {  	_ =	swait.ge [sflag:s23], $0x1  }
0xa3: {  	[sflag:s23] =	ssyncset.done $0x0  }
0xa4: {  	[sflag:s23] =	ssyncadd.s32 $0xFFFFFFFF  }
0xa5: {  	s4 =	sld [smem:$0x0]  }
0xa6: {  	s5 =	sand.u32 $0xFFFFFFFE, s1  }
0xa7: {  	p0 =	sne.s32 s1, s5  }
0xa8: {  	s5 =	sshll.u32 @p0 s5, $0xE  }
0xa9: {  	s5 =	sadd.s32 @p0 $0x11B8D, s5;
	s6 =	sshll.u32 @p0 s4, $0x11  }
0xaa: {  	s5 =	sor.u32 @p0 s6, s5  }
0xab: {  	[sflag:s5] =	ssyncadd.remote.s32 @p0 $0x1;
	_ =	sdelay $0x1  }
0xac: {  	s5 =	simm.s32 @p0 $0x1B8D  }
0xad: {  	_ =	swait.eq @p0 [sflag:s5], $0x1  }
0xae: {  	[sflag:s5] =	ssyncadd.s32 @p0 $0xFFFFFFFF  }
0xaf: {  	s6 =	sshll.u32 @!p0 s1, $0xE  }
0xb0: {  	s6 =	sor.u32 @!p0 $0x4000, s6;
	s5 =	simm.s32 @!p0 $0x1B8D  }
0xb1: {  	s4 =	sshll.u32 @!p0 s4, $0x11;
	s6 =	sadd.s32 @!p0 $0x11B8D, s6;
	_ =	swait.eq @!p0 [sflag:s5], $0x1  }
0xb2: {  	s4 =	sor.u32 @!p0 s4, s6;
	[sflag:s5] =	ssyncadd.s32 @!p0 $0xFFFFFFFF  }
0xb3: {  	s25 =	simm.s32 $0x1B8E;
	s24 =	sld [smem:$0x3FFE];
	[sflag:s4] =	ssyncadd.remote.s32 @!p0 $0x1  }
0xb4: {  	s26 =	simm.s32 $execute0_lowered;
	[smem:$0x3FD2] =	sst s25  }
0xb5: {  	s5 =	sshll.u32 s26, $0x1;
	_ =	strace $0x80000049;
	[dreg:$0x1] =	wrdreg $0xFFFFFFFF  }
0xb6: {  	s28 =	simm.s32 $_size_execute0_lowered;
	s3 =	sadd.s32 s3, s5;
	[dreg:$0x0] =	wrdreg $0x0  }
0xb7: {  	s5 =	sshll.u32 s28, $0x1;
	[dreg:$0x2] =	wrdreg s3  }
0xb8: {  	[dreg:$0x3] =	wrdreg s5  }
0xb9: {  	[dreg:$0x4] =	wrdreg $0xC0  }
0xba: {  	_ =	task [dreg:s22], $0x5FFFF  }
0xbb: {  	[dreg:$0x1] =	wrdreg $0xFFFFFFFF  }
0xbc: {  	[dreg:$0x0] =	wrdreg $0x60  }
0xbd: {  	[dreg:$0x2] =	wrdreg s24  }
0xbe: {  	[dreg:$0x3] =	wrdreg $0xA  }
0xbf: {  	_ =	task.clear_ibuf [dreg:s22], $0x4FFFF;
	_ =	strace $0x90000049  }
0xc0: {  	s29 =	simm.s32 $0xA;
	_ =	strace $0x8000004B  }
0xc1: {  	_ =	swait.ge [sflag:s29], $0x1  }
0xc2: {  	[sflag:s29] =	ssyncadd.s32 $0xFFFFFFFF  }
0xc3: {  	_ =	strace $0x9000004B  }
0xc4: {  	_ =	sfence  }
0xc5: {  	s30 =	sld [smem:$0x0];
	_ =	sdelay $0x2  }
0xc6: {  	s31 =	sshll.u32 s1, $0xD;
	s1 =	sshrl.u32 s1, $0x2  }
0xc7: {  	s4 =	sand.u32 $0x4000, s31;
	s1 =	sadd.s32 s1, s30  }
0xc8: {  	s0 =	sor.u32 s4, s0;
	s1 =	sshll.u32 s1, $0x11  }
0xc9: {  	s0 =	sor.u32 s1, s0  }
0xca: {  	s0 =	sadd.s32 $0x8F2B, s0  }
0xcb: {  	[sflag:s0] =	ssyncadd.remote.s32 $0x1  }
0xcc: {  	_ =	sfence.sel $0xFFFF  }
0xcd: {  	[dreg:$0x0] =	wrdreg $0xFFFFFFFF;
	(pc) =	sbr.abs _section_cstart, $3  }
0xce: {  	[dreg:$0x1] =	wrdreg $0xFFFFFFFF  }
0xcf: {  	_ =	task.clear_ibuf [dreg:s22], $0x2FFFF;
	_ =	strace $0x9FFFFFFF  }
0xd0: {  	(tm) =	ssettm $0x7FFFFFFF  }
0xd1: {  	_ =	shalt  }
tec
execute0_lowered:
.L_overlay_start_1:
0x0: {  	(tag) =	ssettag $0x1  }
0x1: {  	s1 =	srdreg.scid;
	s0 =	stileid.u32  }
0x2: {  	s25 =	sand.u32 $0x1, s1;
	s31 =	sshll.u32 s0, $0x1  }
0x3: {  	s6 =	sor.u32 s25, s31  }
0x4: {  	s9 =	rddreg [dreg:$0x0];
	s3 =	smul.u32 $0x64, s6  }
0x5: {  	s2 =	simm.s32 $0x0;
	s1 =	rddreg [dreg:$0x1]  }
0x6: {  	[smem:$0x7FF] =	sst s2;
	s3 =	sadd.s32 s3, s9  }
0x7: {  	_ =	strace $0x8000004A;
	s4 =	sadd.s32 $0xF46A00, s3;
	s3 =	simm.s32 $0x2  }
0x8: {  	[tilespmem:s2], [sflag:$0x2] =	stream.linear.gather [hbm4b:s4+s2], $0x320, $0x38;
	[tilespmem:$0x2B80] =	vst v63  }
0x9: {  	s7 =	simm.s32 $0x380;
	_ =	swait.ge [sflag:s3], $0x320  }
0xa: {  	s8 =	simm.s32 $0x1;
	s5 =	sadd.s32 $0x4600, s9;
	[sflag:s3] =	ssyncset.done $0x0  }
0xb: {  	s10 =	smul.u32 $0x3200, s6;
	s6 =	simm.s32 $0x50;
	[sflag:s3] =	ssyncadd.s32 $0xFFFFFCE0  }
0xc: {  	[tilespmem:s7], [sflag:$0x1] =	stream.indirect.gather [hbm4b:s5+s6], $0x80, s2, s6, $0xb8;
	[tilespmem:$0x2B80] =	vst v63  }
0xd: {  	_ =	swait.ge [sflag:s8], $0x2800  }
0xe: {  	s26 =	sadd.s32 s10, s9;
	[sflag:s8] =	ssyncset.done $0x0  }
0xf: {  	s9 =	sadd.s32 $0xF4CC00, s26;
	[sflag:s8] =	ssyncadd.s32 $0xFFFFD800  }
0x10: {  	[hbm4b:s9+s2] =	stream.linear.scatter [tilespmem:s7], [sflag:$0x2], $0x2800, $0x38;
	[tilespmem:$0x2B80] =	vst v63  }
0x11: {  	_ =	swait.ge [sflag:s3], $0x2800  }
0x12: {  	[sflag:s3] =	ssyncset.done $0x0  }
0x13: {  	[sflag:s3] =	ssyncadd.s32 $0xFFFFD800  }
0x14: {  	[tilespmem:s7], [sflag:$0x1] =	stream.indirect.gather [hbm4b:s5+s6], $0x80, s6, s6, $0xb8;
	[tilespmem:$0x2B80] =	vst v63  }
0x15: {  	_ =	swait.ge [sflag:s8], $0x2800  }
0x16: {  	[sflag:s8] =	ssyncset.done $0x0  }
0x17: {  	s10 =	sadd.s32 $0xF4D100, s26;
	[sflag:s8] =	ssyncadd.s32 $0xFFFFD800  }
0x18: {  	[hbm4b:s10+s2] =	stream.linear.scatter [tilespmem:s7], [sflag:$0x2], $0x2800, $0x38;
	[tilespmem:$0x2B80] =	vst v63  }
0x19: {  	_ =	swait.ge [sflag:s3], $0x2800  }
0x1a: {  	[sflag:s3] =	ssyncset.done $0x0  }
0x1b: {  	s11 =	simm.s32 $0xA0;
	[sflag:s3] =	ssyncadd.s32 $0xFFFFD800  }
0x1c: {  	[tilespmem:s7], [sflag:$0x1] =	stream.indirect.gather [hbm4b:s5+s6], $0x80, s11, s6, $0xb8;
	[tilespmem:$0x2B80] =	vst v63  }
0x1d: {  	_ =	swait.ge [sflag:s8], $0x2800  }
0x1e: {  	[sflag:s8] =	ssyncset.done $0x0  }
0x1f: {  	s12 =	sadd.s32 $0xF4D600, s26;
	[sflag:s8] =	ssyncadd.s32 $0xFFFFD800  }
0x20: {  	[hbm4b:s12+s2] =	stream.linear.scatter [tilespmem:s7], [sflag:$0x2], $0x2800, $0x38;
	[tilespmem:$0x2B80] =	vst v63  }
0x21: {  	_ =	swait.ge [sflag:s3], $0x2800  }
0x22: {  	[sflag:s3] =	ssyncset.done $0x0  }
0x23: {  	s13 =	simm.s32 $0xF0;
	[sflag:s3] =	ssyncadd.s32 $0xFFFFD800  }
0x24: {  	[tilespmem:s7], [sflag:$0x1] =	stream.indirect.gather [hbm4b:s5+s6], $0x80, s13, s6, $0xb8;
	[tilespmem:$0x2B80] =	vst v63  }
0x25: {  	_ =	swait.ge [sflag:s8], $0x2800  }
0x26: {  	[sflag:s8] =	ssyncset.done $0x0  }
0x27: {  	s14 =	sadd.s32 $0xF4DB00, s26;
	[sflag:s8] =	ssyncadd.s32 $0xFFFFD800  }
0x28: {  	[hbm4b:s14+s2] =	stream.linear.scatter [tilespmem:s7], [sflag:$0x2], $0x2800, $0x38;
	[tilespmem:$0x2B80] =	vst v63  }
0x29: {  	_ =	swait.ge [sflag:s3], $0x2800  }
0x2a: {  	[sflag:s3] =	ssyncset.done $0x0  }
0x2b: {  	s15 =	simm.s32 $0x140;
	[sflag:s3] =	ssyncadd.s32 $0xFFFFD800  }
0x2c: {  	[tilespmem:s7], [sflag:$0x1] =	stream.indirect.gather [hbm4b:s5+s6], $0x80, s15, s6, $0xb8;
	[tilespmem:$0x2B80] =	vst v63  }
0x2d: {  	_ =	swait.ge [sflag:s8], $0x2800  }
0x2e: {  	[sflag:s8] =	ssyncset.done $0x0  }
0x2f: {  	s16 =	sadd.s32 $0xF4E000, s26;
	[sflag:s8] =	ssyncadd.s32 $0xFFFFD800  }
0x30: {  	[hbm4b:s16+s2] =	stream.linear.scatter [tilespmem:s7], [sflag:$0x2], $0x2800, $0x38;
	[tilespmem:$0x2B80] =	vst v63  }
0x31: {  	_ =	swait.ge [sflag:s3], $0x2800  }
0x32: {  	[sflag:s3] =	ssyncset.done $0x0  }
0x33: {  	s17 =	simm.s32 $0x190;
	[sflag:s3] =	ssyncadd.s32 $0xFFFFD800  }
0x34: {  	[tilespmem:s7], [sflag:$0x1] =	stream.indirect.gather [hbm4b:s5+s6], $0x80, s17, s6, $0xb8;
	[tilespmem:$0x2B80] =	vst v63  }
0x35: {  	_ =	swait.ge [sflag:s8], $0x2800  }
0x36: {  	[sflag:s8] =	ssyncset.done $0x0  }
0x37: {  	s18 =	sadd.s32 $0xF4E500, s26;
	[sflag:s8] =	ssyncadd.s32 $0xFFFFD800  }
0x38: {  	[hbm4b:s18+s2] =	stream.linear.scatter [tilespmem:s7], [sflag:$0x2], $0x2800, $0x38;
	[tilespmem:$0x2B80] =	vst v63  }
0x39: {  	_ =	swait.ge [sflag:s3], $0x2800  }
0x3a: {  	[sflag:s3] =	ssyncset.done $0x0  }
0x3b: {  	s19 =	simm.s32 $0x1E0;
	[sflag:s3] =	ssyncadd.s32 $0xFFFFD800  }
0x3c: {  	[tilespmem:s7], [sflag:$0x1] =	stream.indirect.gather [hbm4b:s5+s6], $0x80, s19, s6, $0xb8;
	[tilespmem:$0x2B80] =	vst v63  }
0x3d: {  	_ =	swait.ge [sflag:s8], $0x2800  }
0x3e: {  	[sflag:s8] =	ssyncset.done $0x0  }
0x3f: {  	s20 =	sadd.s32 $0xF4EA00, s26;
	[sflag:s8] =	ssyncadd.s32 $0xFFFFD800  }
0x40: {  	[hbm4b:s20+s2] =	stream.linear.scatter [tilespmem:s7], [sflag:$0x2], $0x2800, $0x38;
	[tilespmem:$0x2B80] =	vst v63  }
0x41: {  	_ =	swait.ge [sflag:s3], $0x2800  }
0x42: {  	[sflag:s3] =	ssyncset.done $0x0  }
0x43: {  	s21 =	simm.s32 $0x230;
	[sflag:s3] =	ssyncadd.s32 $0xFFFFD800  }
0x44: {  	[tilespmem:s7], [sflag:$0x1] =	stream.indirect.gather [hbm4b:s5+s6], $0x80, s21, s6, $0xb8;
	[tilespmem:$0x2B80] =	vst v63  }
0x45: {  	_ =	swait.ge [sflag:s8], $0x2800  }
0x46: {  	[sflag:s8] =	ssyncset.done $0x0  }
0x47: {  	s22 =	sadd.s32 $0xF4EF00, s26;
	[sflag:s8] =	ssyncadd.s32 $0xFFFFD800  }
0x48: {  	[hbm4b:s22+s2] =	stream.linear.scatter [tilespmem:s7], [sflag:$0x2], $0x2800, $0x38;
	[tilespmem:$0x2B80] =	vst v63  }
0x49: {  	_ =	swait.ge [sflag:s3], $0x2800  }
0x4a: {  	[sflag:s3] =	ssyncset.done $0x0  }
0x4b: {  	s23 =	simm.s32 $0x280;
	[sflag:s3] =	ssyncadd.s32 $0xFFFFD800  }
0x4c: {  	[tilespmem:s7], [sflag:$0x1] =	stream.indirect.gather [hbm4b:s5+s6], $0x80, s23, s6, $0xb8;
	[tilespmem:$0x2B80] =	vst v63  }
0x4d: {  	_ =	swait.ge [sflag:s8], $0x2800  }
0x4e: {  	[sflag:s8] =	ssyncset.done $0x0  }
0x4f: {  	s28 =	ssub.s32 $0x2, s25;
	s24 =	sadd.s32 $0xF4F400, s26;
	[sflag:s8] =	ssyncadd.s32 $0xFFFFD800  }
0x50: {  	[hbm4b:s24+s2] =	stream.linear.scatter [tilespmem:s7], [sflag:$0x2], $0x2800, $0x38;
	[tilespmem:$0x2B80] =	vst v63  }
0x51: {  	s29 =	sshrl.u32 s28, $0x1;
	_ =	swait.ge [sflag:s3], $0x2800  }
0x52: {  	s28 =	ssub.s32 s28, s29;
	[sflag:s3] =	ssyncset.done $0x0  }
0x53: {  	s25 =	simm.s32 $0x2D0;
	s28 =	smax.u32 s28, $0x1;
	[sflag:s3] =	ssyncadd.s32 $0xFFFFD800  }
0x54: {  	[tilespmem:s7], [sflag:$0x1] =	stream.indirect.gather [hbm4b:s5+s6], $0x80, s25, s6, $0xb8;
	[tilespmem:$0x2B80] =	vst v63  }
0x55: {  	p0 =	sne.s32 s28, $0x1;
	_ =	swait.ge [sflag:s8], $0x2800  }
.Ltmp0:
0x56: {  	[sflag:s8] =	ssyncset.done $0x0;
	(pc) =	sbr.rel @!p0 .LBB2_2-.Ltmp0, $4  }
0x57: {  	s26 =	sadd.s32 $0xF4F900, s26;
	[sflag:s8] =	ssyncadd.s32 $0xFFFFD800  }
0x58: {  	[hbm4b:s26+s2] =	stream.linear.scatter [tilespmem:s7], [sflag:$0x2], $0x2800, $0x38;
	[tilespmem:$0x2B80] =	vst v63  }
0x59: {  	_ =	swait.ge [sflag:s3], $0x2800  }
0x5a: {  	s28 =	sadd.s32 $0xFFFFFFFF, s28;
	[sflag:s3] =	ssyncset.done $0x0  }
.LBB2_1:
0x5b: {  	p0 =	sne.s32 s28, $0x1;
	s28 =	sadd.s32 $0xFFFFFFFF, s28;
	[sflag:s3] =	ssyncadd.s32 $0xFFFFD800  }
0x5c: {  	[tilespmem:s2], [sflag:$0x2] =	stream.linear.gather [hbm4b:s4+s2], $0x320, $0x38;
	[tilespmem:$0x2B80] =	vst v63  }
0x5d: {  	_ =	swait.ge [sflag:s3], $0x320  }
0x5e: {  	[sflag:s3] =	ssyncset.done $0x0  }
0x5f: {  	[sflag:s3] =	ssyncadd.s32 $0xFFFFFCE0  }
0x60: {  	[tilespmem:s7], [sflag:$0x1] =	stream.indirect.gather [hbm4b:s5+s6], $0x80, s2, s6, $0xb8;
	[tilespmem:$0x2B80] =	vst v63  }
0x61: {  	_ =	swait.ge [sflag:s8], $0x2800  }
0x62: {  	[sflag:s8] =	ssyncset.done $0x0  }
0x63: {  	[sflag:s8] =	ssyncadd.s32 $0xFFFFD800  }
0x64: {  	[hbm4b:s9+s2] =	stream.linear.scatter [tilespmem:s7], [sflag:$0x2], $0x2800, $0x38;
	[tilespmem:$0x2B80] =	vst v63  }
0x65: {  	_ =	swait.ge [sflag:s3], $0x2800  }
0x66: {  	[sflag:s3] =	ssyncset.done $0x0  }
0x67: {  	[sflag:s3] =	ssyncadd.s32 $0xFFFFD800  }
0x68: {  	[tilespmem:s7], [sflag:$0x1] =	stream.indirect.gather [hbm4b:s5+s6], $0x80, s6, s6, $0xb8;
	[tilespmem:$0x2B80] =	vst v63  }
0x69: {  	_ =	swait.ge [sflag:s8], $0x2800  }
0x6a: {  	[sflag:s8] =	ssyncset.done $0x0  }
0x6b: {  	[sflag:s8] =	ssyncadd.s32 $0xFFFFD800  }
0x6c: {  	[hbm4b:s10+s2] =	stream.linear.scatter [tilespmem:s7], [sflag:$0x2], $0x2800, $0x38;
	[tilespmem:$0x2B80] =	vst v63  }
0x6d: {  	_ =	swait.ge [sflag:s3], $0x2800  }
0x6e: {  	[sflag:s3] =	ssyncset.done $0x0  }
0x6f: {  	[sflag:s3] =	ssyncadd.s32 $0xFFFFD800  }
0x70: {  	[tilespmem:s7], [sflag:$0x1] =	stream.indirect.gather [hbm4b:s5+s6], $0x80, s11, s6, $0xb8;
	[tilespmem:$0x2B80] =	vst v63  }
0x71: {  	_ =	swait.ge [sflag:s8], $0x2800  }
0x72: {  	[sflag:s8] =	ssyncset.done $0x0  }
0x73: {  	[sflag:s8] =	ssyncadd.s32 $0xFFFFD800  }
0x74: {  	[hbm4b:s12+s2] =	stream.linear.scatter [tilespmem:s7], [sflag:$0x2], $0x2800, $0x38;
	[tilespmem:$0x2B80] =	vst v63  }
0x75: {  	_ =	swait.ge [sflag:s3], $0x2800  }
0x76: {  	[sflag:s3] =	ssyncset.done $0x0  }
0x77: {  	[sflag:s3] =	ssyncadd.s32 $0xFFFFD800  }
0x78: {  	[tilespmem:s7], [sflag:$0x1] =	stream.indirect.gather [hbm4b:s5+s6], $0x80, s13, s6, $0xb8;
	[tilespmem:$0x2B80] =	vst v63  }
0x79: {  	_ =	swait.ge [sflag:s8], $0x2800  }
0x7a: {  	[sflag:s8] =	ssyncset.done $0x0  }
0x7b: {  	[sflag:s8] =	ssyncadd.s32 $0xFFFFD800  }
0x7c: {  	[hbm4b:s14+s2] =	stream.linear.scatter [tilespmem:s7], [sflag:$0x2], $0x2800, $0x38;
	[tilespmem:$0x2B80] =	vst v63  }
0x7d: {  	_ =	swait.ge [sflag:s3], $0x2800  }
0x7e: {  	[sflag:s3] =	ssyncset.done $0x0  }
0x7f: {  	[sflag:s3] =	ssyncadd.s32 $0xFFFFD800  }
0x80: {  	[tilespmem:s7], [sflag:$0x1] =	stream.indirect.gather [hbm4b:s5+s6], $0x80, s15, s6, $0xb8;
	[tilespmem:$0x2B80] =	vst v63  }
0x81: {  	_ =	swait.ge [sflag:s8], $0x2800  }
0x82: {  	[sflag:s8] =	ssyncset.done $0x0  }
0x83: {  	[sflag:s8] =	ssyncadd.s32 $0xFFFFD800  }
0x84: {  	[hbm4b:s16+s2] =	stream.linear.scatter [tilespmem:s7], [sflag:$0x2], $0x2800, $0x38;
	[tilespmem:$0x2B80] =	vst v63  }
0x85: {  	_ =	swait.ge [sflag:s3], $0x2800  }
0x86: {  	[sflag:s3] =	ssyncset.done $0x0  }
0x87: {  	[sflag:s3] =	ssyncadd.s32 $0xFFFFD800  }
0x88: {  	[tilespmem:s7], [sflag:$0x1] =	stream.indirect.gather [hbm4b:s5+s6], $0x80, s17, s6, $0xb8;
	[tilespmem:$0x2B80] =	vst v63  }
0x89: {  	_ =	swait.ge [sflag:s8], $0x2800  }
0x8a: {  	[sflag:s8] =	ssyncset.done $0x0  }
0x8b: {  	[sflag:s8] =	ssyncadd.s32 $0xFFFFD800  }
0x8c: {  	[hbm4b:s18+s2] =	stream.linear.scatter [tilespmem:s7], [sflag:$0x2], $0x2800, $0x38;
	[tilespmem:$0x2B80] =	vst v63  }
0x8d: {  	_ =	swait.ge [sflag:s3], $0x2800  }
0x8e: {  	[sflag:s3] =	ssyncset.done $0x0  }
0x8f: {  	[sflag:s3] =	ssyncadd.s32 $0xFFFFD800  }
0x90: {  	[tilespmem:s7], [sflag:$0x1] =	stream.indirect.gather [hbm4b:s5+s6], $0x80, s19, s6, $0xb8;
	[tilespmem:$0x2B80] =	vst v63  }
0x91: {  	_ =	swait.ge [sflag:s8], $0x2800  }
0x92: {  	[sflag:s8] =	ssyncset.done $0x0  }
0x93: {  	[sflag:s8] =	ssyncadd.s32 $0xFFFFD800  }
0x94: {  	[hbm4b:s20+s2] =	stream.linear.scatter [tilespmem:s7], [sflag:$0x2], $0x2800, $0x38;
	[tilespmem:$0x2B80] =	vst v63  }
0x95: {  	_ =	swait.ge [sflag:s3], $0x2800  }
0x96: {  	[sflag:s3] =	ssyncset.done $0x0  }
0x97: {  	[sflag:s3] =	ssyncadd.s32 $0xFFFFD800  }
0x98: {  	[tilespmem:s7], [sflag:$0x1] =	stream.indirect.gather [hbm4b:s5+s6], $0x80, s21, s6, $0xb8;
	[tilespmem:$0x2B80] =	vst v63  }
0x99: {  	_ =	swait.ge [sflag:s8], $0x2800  }
0x9a: {  	[sflag:s8] =	ssyncset.done $0x0  }
0x9b: {  	[sflag:s8] =	ssyncadd.s32 $0xFFFFD800  }
0x9c: {  	[hbm4b:s22+s2] =	stream.linear.scatter [tilespmem:s7], [sflag:$0x2], $0x2800, $0x38;
	[tilespmem:$0x2B80] =	vst v63  }
0x9d: {  	_ =	swait.ge [sflag:s3], $0x2800  }
0x9e: {  	[sflag:s3] =	ssyncset.done $0x0  }
0x9f: {  	[sflag:s3] =	ssyncadd.s32 $0xFFFFD800  }
0xa0: {  	[tilespmem:s7], [sflag:$0x1] =	stream.indirect.gather [hbm4b:s5+s6], $0x80, s23, s6, $0xb8;
	[tilespmem:$0x2B80] =	vst v63  }
0xa1: {  	_ =	swait.ge [sflag:s8], $0x2800  }
0xa2: {  	[sflag:s8] =	ssyncset.done $0x0  }
0xa3: {  	[sflag:s8] =	ssyncadd.s32 $0xFFFFD800  }
0xa4: {  	[hbm4b:s24+s2] =	stream.linear.scatter [tilespmem:s7], [sflag:$0x2], $0x2800, $0x38;
	[tilespmem:$0x2B80] =	vst v63  }
0xa5: {  	_ =	swait.ge [sflag:s3], $0x2800  }
0xa6: {  	[sflag:s3] =	ssyncset.done $0x0  }
0xa7: {  	[sflag:s3] =	ssyncadd.s32 $0xFFFFD800  }
0xa8: {  	[tilespmem:s7], [sflag:$0x1] =	stream.indirect.gather [hbm4b:s5+s6], $0x80, s25, s6, $0xb8;
	[tilespmem:$0x2B80] =	vst v63  }
0xa9: {  	_ =	swait.ge [sflag:s8], $0x2800  }
.Ltmp1:
0xaa: {  	[sflag:s8] =	ssyncset.done $0x0;
	(pc) =	sbr.rel @p0 .LBB2_1-.Ltmp1, $4  }
0xab: {  	[sflag:s8] =	ssyncadd.s32 $0xFFFFD800  }
0xac: {  	[hbm4b:s26+s2] =	stream.linear.scatter [tilespmem:s7], [sflag:$0x2], $0x2800, $0x38;
	[tilespmem:$0x2B80] =	vst v63  }
0xad: {  	_ =	swait.ge [sflag:s3], $0x2800  }
0xae: {  	[sflag:s3] =	ssyncset.done $0x0  }
.LBB2_2:
0xaf: {  	[sflag:s3] =	ssyncadd.s32 $0xFFFFD800  }
0xb0: {  	_ =	sfence.sel $0x180000  }
0xb1: {  	[bflag:$0x0] =	sbarrier.arrive $0xFFFF  }
0xb2: {  	p0 =	sne.s32 s0, $0x0;
	_ =	strace $0x9000004A  }
0xb3: {  	s0 =	sadd.s32 @!p0 $0x100000, s1;
	[bflag:$0x2] =	sbarrier.arrive $0xFFFF  }
0xb4: {  	[sflag:s0] =	ssyncadd.tile.s32 @!p0 $0x1;
	_ =	shalt  }
.Lfunc_end2:
_tile_overlayer_lowered:
.L_overlay_start_2:
0xb5: {  	(tag) =	ssettag $0x2  }
0xb6: {  	s0 =	rddreg [dreg:$0x0];
	s2 =	stileid.u32  }
0xb7: {  	s1 =	rddreg [dreg:$0x1];
	p0 =	sne.s32 s2, $0x0  }
0xb8: {  	s3 =	rddreg [dreg:$0x2];
	[bflag:$0x3] =	sbarrier.arrive $0xFFFF;
	s2 =	simm.s32 @!p0 $0x1C02  }
0xb9: {  	[timem:s3], [sflag:s2] =	dma.local @!p0 [hbm:s0], s1  }
0xba: {  	s0 =	simm.s32 @!p0 $0x2  }
0xbb: {  	_ =	swait.ge @!p0 [sflag:s0], s1  }
0xbc: {  	s1 =	ssub.s32 @!p0 $0x0, s1;
	[sflag:s0] =	ssyncset.done @!p0 $0x0  }
0xbd: {  	[sflag:s0] =	ssyncadd.s32 @!p0 s1  }
0xbe: {  	[bflag:$0x3] =	sbarrier.arrive $0xFFFF  }
0xbf: {  	_ =	shalt  }

// kernel: kernel.25.cloned.1.call-start
scs
__scs_entry_jumppad:
0x0: {  	(pc) =	sbr.rel $0x88, $3  }
0x1: {  	(tag) =	ssettag $0x0;
	lr =	simm.s32 $0x1  }
0x2: {  	[smem:$0x3F9D] =	sst lr;
	_ =	strace $0xD0000000  }
0x3: {  	_ = 	snop  }
0x4: {  	_ = 	snop  }
0x5: {  	_ = 	snop  }
0x6: {  	_ = 	snop  }
0x7: {  	_ = 	snop  }
__scs_overlays_trampoline_lowered:
0x8: {  	[smem:$0x3FAC] =	sst s0  }
0x9: {  	[smem:$0x3FAD] =	sst s1  }
0xa: {  	[smem:$0x3FAE] =	sst s2  }
0xb: {  	[smem:$0x3FAF] =	sst s3  }
0xc: {  	[smem:$0x3FB0] =	sst s4  }
0xd: {  	[smem:$0x3FB1] =	sst s5  }
0xe: {  	[smem:$0x3FB2] =	sst s6  }
0xf: {  	[smem:$0x3FB3] =	sst s7  }
0x10: {  	[smem:$0x3FB4] =	sst s8  }
0x11: {  	[smem:$0x3FB5] =	sst s9;
	s0 =	simm.s32 @!p0 $0x0  }
0x12: {  	s1 =	sld [smem:$0x3F9B];
	s0 =	simm.s32 @p0 $0x1  }
0x13: {  	[smem:$0x3FB6] =	sst s0;
	s0 =	simm.s32 @!p1 $0x0  }
0x14: {  	s2 =	sld [smem:$0x3F9A];
	s0 =	simm.s32 @p1 $0x1  }
0x15: {  	[smem:$0x3FB7] =	sst s0;
	s0 =	simm.s32 @!p2 $0x0  }
0x16: {  	s3 =	sld [smem:$0x3FDB];
	s0 =	simm.s32 @p2 $0x1  }
0x17: {  	s4 =	simm.s32 $0x1BF5;
	[smem:$0x3FB9] =	sst s0  }
0x18: {  	s0 =	sld [smem:$0x3F9C];
	_ =	swait.ge [sflag:s4], $0x0  }
0x19: {  	s7 =	sld [smem:$0x3F9D]  }
0x1a: {  	s8 =	sadd.s32 $0xFFFFE003, lr  }
0x1b: {  	s9 =	sadd.s32 $0xFFFFFEF7, lr;
	s5 =	simm.s32 $0xFFFFFFFF;
	p2 =	slt.u32 s8, $0xFFFFF086  }
0x1c: {  	p1 =	slt.u32 s9, $0xF7A;
	s5 =	simm.s32 @!p2 $0x0  }
0x1d: {  	s5 =	simm.s32 @p1 $0x1;
	p0 =	seq.s32 s7, s2  }
0x1e: {  	s7 =	smul.u32 @!p0 $0xF7A, s2;
	p2 =	seq.s32 @!p0 s5, $0x0  }
0x1f: {  	s9 =	smul.u32 $0xF7A, s1;
	s8 =	simm.s32 @!p0 $0x1BF5;
	p2 =	por !p2, p0  }
0x20: {  	[sflag:s8] =	ssyncset.s32 @!p0 $0xFFFFF086;
	s6 =	sadd.s32 @!p0 s3, s7;
	s7 =	simm.s32 @!p0 $0x108  }
0x21: {  	s3 =	sadd.s32 s3, s9;
	s6 =	sadd.s32 @!p0 $0x88, s6;
	s7 =	simm.s32 @p2 $0x1082  }
0x22: {  	[simem:s7], [sflag:s8] =	dma.local @!p0 [hbm:s6], $0xF7A  }
0x23: {  	s9 =	sor.u32 $0xD0000000, s2;
	s6 =	simm.s32 $0x108;
	_ =	swait.ge @!p0 [sflag:s8], $0x0  }
0x24: {  	s3 =	sadd.s32 $0x88, s3;
	s6 =	simm.s32 @!p1 $0x1082;
	[sflag:s4] =	ssyncset.s32 $0xFFFFF086  }
0x25: {  	[simem:s6], [sflag:s4] =	dma.local [hbm:s3], $0xF7A  }
0x26: {  	[smem:$0x3F9D] =	sst s1;
	(tag) =	ssettag s2;
	_ =	strace s9  }
0x27: {  	s1 =	sld [smem:$0x3FAD]  }
0x28: {  	s2 =	sld [smem:$0x3FAE]  }
0x29: {  	s4 =	sld [smem:$0x3FB0]  }
0x2a: {  	p0 =	seq.s32 s5, $0x0;
	s5 =	sld [smem:$0x3FB1]  }
0x2b: {  	s6 =	sld [smem:$0x3FB2]  }
0x2c: {  	s7 =	sld [smem:$0x3FB3]  }
0x2d: {  	s3 =	simm.s32 $0x108;
	s8 =	sld [smem:$0x3FB4]  }
0x2e: {  	s3 =	simm.s32 @!p0 $0x1082;
	s9 =	sld [smem:$0x3FB5]  }
0x2f: {  	lr =	sadd.s32 s0, s3;
	s0 =	sld [smem:$0x3FAC]  }
0x30: {  	s3 =	sld [smem:$0x3FAF]  }
0x31: {  	[smem:$0x3FB8] =	sst s10  }
0x32: {  	s10 =	sld [smem:$0x3FB6];
	_ =	sdelay $0x3  }
0x33: {  	p0 =	seq.s32 s10, $0x1;
	s10 =	sld [smem:$0x3FB8];
	_ =	sdelay $0x3  }
0x34: {  	[smem:$0x3FB8] =	sst s10  }
0x35: {  	s10 =	sld [smem:$0x3FB7];
	_ =	sdelay $0x3  }
0x36: {  	p1 =	seq.s32 s10, $0x1;
	s10 =	sld [smem:$0x3FB8];
	_ =	sdelay $0x3  }
0x37: {  	[smem:$0x3FB8] =	sst s10  }
0x38: {  	s10 =	sld [smem:$0x3FB9]  }
0x39: {  	_ = 	snop;
	(pc) =	sbr.ind lr, $3  }
0x3a: {  	_ = 	snop  }
0x3b: {  	_ = 	snop  }
0x3c: {  	p2 =	seq.s32 s10, $0x1;
	s10 =	sld [smem:$0x3FB8]  }
0x3d: {  	_ =	shalt  }
0x3e: {  	_ =	shalt  }
0x3f: {  	_ =	shalt  }
0x40: {  	_ =	shalt  }
0x41: {  	_ =	shalt  }
0x42: {  	_ =	shalt  }
0x43: {  	_ =	shalt  }
0x44: {  	_ =	shalt  }
0x45: {  	_ =	shalt  }
0x46: {  	_ =	shalt  }
0x47: {  	_ =	shalt  }
0x48: {  	_ =	shalt  }
0x49: {  	_ =	shalt  }
0x4a: {  	_ =	shalt  }
0x4b: {  	_ =	shalt  }
0x4c: {  	_ =	shalt  }
0x4d: {  	_ =	shalt  }
0x4e: {  	_ =	shalt  }
0x4f: {  	_ =	shalt  }
0x50: {  	_ =	shalt  }
0x51: {  	_ =	shalt  }
0x52: {  	_ =	shalt  }
0x53: {  	_ =	shalt  }
0x54: {  	_ =	shalt  }
0x55: {  	_ =	shalt  }
0x56: {  	_ =	shalt  }
0x57: {  	_ =	shalt  }
0x58: {  	_ =	shalt  }
0x59: {  	_ =	shalt  }
0x5a: {  	_ =	shalt  }
0x5b: {  	_ =	shalt  }
0x5c: {  	_ =	shalt  }
0x5d: {  	_ =	shalt  }
0x5e: {  	_ =	shalt  }
0x5f: {  	_ =	shalt  }
0x60: {  	_ =	shalt  }
0x61: {  	_ =	shalt  }
0x62: {  	_ =	shalt  }
0x63: {  	_ =	shalt  }
0x64: {  	_ =	shalt  }
0x65: {  	_ =	shalt  }
0x66: {  	_ =	shalt  }
0x67: {  	_ =	shalt  }
0x68: {  	_ =	shalt  }
0x69: {  	_ =	shalt  }
0x6a: {  	_ =	shalt  }
0x6b: {  	_ =	shalt  }
0x6c: {  	_ =	shalt  }
0x6d: {  	_ =	shalt  }
0x6e: {  	_ =	shalt  }
0x6f: {  	_ =	shalt  }
0x70: {  	_ =	shalt  }
0x71: {  	_ =	shalt  }
0x72: {  	_ =	shalt  }
0x73: {  	_ =	shalt  }
0x74: {  	_ =	shalt  }
0x75: {  	_ =	shalt  }
0x76: {  	_ =	shalt  }
0x77: {  	_ =	shalt  }
0x78: {  	_ =	shalt  }
0x79: {  	_ =	shalt  }
0x7a: {  	_ =	shalt  }
0x7b: {  	_ =	shalt  }
0x7c: {  	_ =	shalt  }
0x7d: {  	_ =	shalt  }
0x7e: {  	_ =	shalt  }
0x7f: {  	_ =	shalt  }
0x80: {  	_ =	shalt  }
0x81: {  	_ =	shalt  }
0x82: {  	_ =	shalt  }
0x83: {  	_ =	shalt  }
0x84: {  	_ =	shalt  }
0x85: {  	_ =	shalt  }
0x86: {  	_ =	shalt  }
0x87: {  	_ =	shalt  }
.Lfunc_end0:
.L_simem_size_0:
called_computation.2_lowered:
.L_overlay_start_0:
0x88: {  	s2 =	sld [smem:$0x3FD9]  }
0x89: {  	s3 =	sld [smem:$0x3FFE];
	_ =	sdelay $0x1  }
0x8a: {  	s1 =	srdreg.scid  }
0x8b: {  	s0 =	sand.u32 $0x1, s1  }
0x8c: {  	s17 =	sshll.u32 s0, $0xA;
	s2 =	sadd.s32 s3, s2  }
0x8d: {  	s2 =	sadd.s32 s2, s17  }
0x8e: {  	[smem:$0x3FC4] =	sst s2  }
0x8f: {  	_ = 	snop  }
0x90: {  	(tm) =	ssettm $0x1  }
0x91: {  	s18 =	sld [smem:$0x3FFB];
	_ =	sdelay $0x3  }
0x92: {  	_ =	strace s18  }
0x93: {  	s2 =	sld [smem:$0x3FFC];
	_ =	sdelay $0x3  }
0x94: {  	_ =	strace s2  }
0x95: {  	s2 =	sld [smem:$0x3FFD];
	_ =	sdelay $0x3  }
0x96: {  	_ =	strace s2  }
0x97: {  	_ =	strace $0x8FFFFFFF  }
0x98: {  	s19 =	sld [smem:$0x3FDB];
	_ =	sdelay $0x1  }
0x99: {  	s20 =	simm.s32 $_scs_section_size  }
0x9a: {  	s4 =	simm.s32 $_size__tile_overlayer_lowered;
	s5 =	simm.s32 $_tile_overlayer_lowered  }
0x9b: {  	s6 =	simm.s32 $0x1BFF;
	s21 =	sshll.u32 s5, $0x1;
	s3 =	sadd.s32 s20, s19  }
0x9c: {  	s22 =	simm.s32 $0x0;
	s4 =	sshll.u32 s4, $0x1;
	s5 =	sadd.s32 s21, s3  }
0x9d: {  	[timem:s22], [sflag:s6] =	dma.local [hbm:s5], s4  }
0x9e: {  	_ =	swait.ge [sflag:s6], s4  }
0x9f: {  	s4 =	ssub.s32 $0x0, s4;
	[sflag:s6] =	ssyncset.done $0x0  }
0xa0: {  	[sflag:s6] =	ssyncadd.s32 s4;
	_ =	sdelay $0x1  }
0xa1: {  	s23 =	simm.s32 $0x1B8B  }
0xa2: {  	_ =	swait.ge [sflag:s23], $0x1  }
0xa3: {  	[sflag:s23] =	ssyncset.done $0x0  }
0xa4: {  	[sflag:s23] =	ssyncadd.s32 $0xFFFFFFFF  }
0xa5: {  	s4 =	sld [smem:$0x0]  }
0xa6: {  	s5 =	sand.u32 $0xFFFFFFFE, s1  }
0xa7: {  	p0 =	sne.s32 s1, s5  }
0xa8: {  	s5 =	sshll.u32 @p0 s5, $0xE  }
0xa9: {  	s5 =	sadd.s32 @p0 $0x11B8D, s5;
	s6 =	sshll.u32 @p0 s4, $0x11  }
0xaa: {  	s5 =	sor.u32 @p0 s6, s5  }
0xab: {  	[sflag:s5] =	ssyncadd.remote.s32 @p0 $0x1;
	_ =	sdelay $0x1  }
0xac: {  	s5 =	simm.s32 @p0 $0x1B8D  }
0xad: {  	_ =	swait.eq @p0 [sflag:s5], $0x1  }
0xae: {  	[sflag:s5] =	ssyncadd.s32 @p0 $0xFFFFFFFF  }
0xaf: {  	s6 =	sshll.u32 @!p0 s1, $0xE  }
0xb0: {  	s6 =	sor.u32 @!p0 $0x4000, s6;
	s5 =	simm.s32 @!p0 $0x1B8D  }
0xb1: {  	s4 =	sshll.u32 @!p0 s4, $0x11;
	s6 =	sadd.s32 @!p0 $0x11B8D, s6;
	_ =	swait.eq @!p0 [sflag:s5], $0x1  }
0xb2: {  	s4 =	sor.u32 @!p0 s4, s6;
	[sflag:s5] =	ssyncadd.s32 @!p0 $0xFFFFFFFF  }
0xb3: {  	s25 =	simm.s32 $0x1B8E;
	s24 =	sld [smem:$0x3FFE];
	[sflag:s4] =	ssyncadd.remote.s32 @!p0 $0x1  }
0xb4: {  	s26 =	simm.s32 $execute0_lowered;
	[smem:$0x3FD2] =	sst s25  }
0xb5: {  	s5 =	sshll.u32 s26, $0x1;
	_ =	strace $0x8000004C;
	[dreg:$0x1] =	wrdreg $0xFFFFFFFF  }
0xb6: {  	s28 =	simm.s32 $_size_execute0_lowered;
	s3 =	sadd.s32 s3, s5;
	[dreg:$0x0] =	wrdreg $0x0  }
0xb7: {  	s5 =	sshll.u32 s28, $0x1;
	[dreg:$0x2] =	wrdreg s3  }
0xb8: {  	[dreg:$0x3] =	wrdreg s5  }
0xb9: {  	[dreg:$0x4] =	wrdreg $0xC0  }
0xba: {  	_ =	task [dreg:s22], $0x5FFFF  }
0xbb: {  	[dreg:$0x1] =	wrdreg $0xFFFFFFFF  }
0xbc: {  	[dreg:$0x0] =	wrdreg $0x60  }
0xbd: {  	[dreg:$0x2] =	wrdreg s24  }
0xbe: {  	[dreg:$0x3] =	wrdreg $0xB  }
0xbf: {  	_ =	task.clear_ibuf [dreg:s22], $0x4FFFF;
	_ =	strace $0x9000004C  }
0xc0: {  	s29 =	simm.s32 $0xB;
	_ =	strace $0x8000004E  }
0xc1: {  	_ =	swait.ge [sflag:s29], $0x1  }
0xc2: {  	[sflag:s29] =	ssyncadd.s32 $0xFFFFFFFF  }
0xc3: {  	_ =	strace $0x9000004E  }
0xc4: {  	_ =	sfence  }
0xc5: {  	s30 =	sld [smem:$0x0];
	_ =	sdelay $0x2  }
0xc6: {  	s31 =	sshll.u32 s1, $0xD;
	s1 =	sshrl.u32 s1, $0x2  }
0xc7: {  	s4 =	sand.u32 $0x4000, s31;
	s1 =	sadd.s32 s1, s30  }
0xc8: {  	s0 =	sor.u32 s4, s0;
	s1 =	sshll.u32 s1, $0x11  }
0xc9: {  	s0 =	sor.u32 s1, s0  }
0xca: {  	s0 =	sadd.s32 $0x8F2B, s0  }
0xcb: {  	[sflag:s0] =	ssyncadd.remote.s32 $0x1  }
0xcc: {  	_ =	sfence.sel $0xFFFF  }
0xcd: {  	[dreg:$0x0] =	wrdreg $0xFFFFFFFF;
	(pc) =	sbr.abs _section_cstart, $3  }
0xce: {  	[dreg:$0x1] =	wrdreg $0xFFFFFFFF  }
0xcf: {  	_ =	task.clear_ibuf [dreg:s22], $0x2FFFF;
	_ =	strace $0x9FFFFFFF  }
0xd0: {  	(tm) =	ssettm $0x7FFFFFFF  }
0xd1: {  	_ =	shalt  }
tec
execute0_lowered:
.L_overlay_start_1:
0x0: {  	(tag) =	ssettag $0x1  }
0x1: {  	s1 =	srdreg.scid;
	s0 =	stileid.u32  }
0x2: {  	s25 =	sand.u32 $0x1, s1;
	s31 =	sshll.u32 s0, $0x1  }
0x3: {  	s6 =	sor.u32 s25, s31  }
0x4: {  	s9 =	rddreg [dreg:$0x0];
	s3 =	smul.u32 $0x64, s6  }
0x5: {  	s2 =	simm.s32 $0x0;
	s1 =	rddreg [dreg:$0x1]  }
0x6: {  	[smem:$0x7FF] =	sst s2;
	s3 =	sadd.s32 s3, s9  }
0x7: {  	_ =	strace $0x8000004D;
	s4 =	sadd.s32 $0xF47800, s3;
	s3 =	simm.s32 $0x2  }
0x8: {  	[tilespmem:s2], [sflag:$0x2] =	stream.linear.gather [hbm4b:s4+s2], $0x320, $0x38;
	[tilespmem:$0x2B80] =	vst v63  }
0x9: {  	s7 =	simm.s32 $0x380;
	_ =	swait.ge [sflag:s3], $0x320  }
0xa: {  	s8 =	simm.s32 $0x1;
	s5 =	sadd.s32 $0x4600, s9;
	[sflag:s3] =	ssyncset.done $0x0  }
0xb: {  	s10 =	smul.u32 $0x3200, s6;
	s6 =	simm.s32 $0x50;
	[sflag:s3] =	ssyncadd.s32 $0xFFFFFCE0  }
0xc: {  	[tilespmem:s7], [sflag:$0x1] =	stream.indirect.gather [hbm4b:s5+s6], $0x80, s2, s6, $0xb8;
	[tilespmem:$0x2B80] =	vst v63  }
0xd: {  	_ =	swait.ge [sflag:s8], $0x2800  }
0xe: {  	s26 =	sadd.s32 s10, s9;
	[sflag:s8] =	ssyncset.done $0x0  }
0xf: {  	s9 =	sadd.s32 $0xFB0C00, s26;
	[sflag:s8] =	ssyncadd.s32 $0xFFFFD800  }
0x10: {  	[hbm4b:s9+s2] =	stream.linear.scatter [tilespmem:s7], [sflag:$0x2], $0x2800, $0x38;
	[tilespmem:$0x2B80] =	vst v63  }
0x11: {  	_ =	swait.ge [sflag:s3], $0x2800  }
0x12: {  	[sflag:s3] =	ssyncset.done $0x0  }
0x13: {  	[sflag:s3] =	ssyncadd.s32 $0xFFFFD800  }
0x14: {  	[tilespmem:s7], [sflag:$0x1] =	stream.indirect.gather [hbm4b:s5+s6], $0x80, s6, s6, $0xb8;
	[tilespmem:$0x2B80] =	vst v63  }
0x15: {  	_ =	swait.ge [sflag:s8], $0x2800  }
0x16: {  	[sflag:s8] =	ssyncset.done $0x0  }
0x17: {  	s10 =	sadd.s32 $0xFB1100, s26;
	[sflag:s8] =	ssyncadd.s32 $0xFFFFD800  }
0x18: {  	[hbm4b:s10+s2] =	stream.linear.scatter [tilespmem:s7], [sflag:$0x2], $0x2800, $0x38;
	[tilespmem:$0x2B80] =	vst v63  }
0x19: {  	_ =	swait.ge [sflag:s3], $0x2800  }
0x1a: {  	[sflag:s3] =	ssyncset.done $0x0  }
0x1b: {  	s11 =	simm.s32 $0xA0;
	[sflag:s3] =	ssyncadd.s32 $0xFFFFD800  }
0x1c: {  	[tilespmem:s7], [sflag:$0x1] =	stream.indirect.gather [hbm4b:s5+s6], $0x80, s11, s6, $0xb8;
	[tilespmem:$0x2B80] =	vst v63  }
0x1d: {  	_ =	swait.ge [sflag:s8], $0x2800  }
0x1e: {  	[sflag:s8] =	ssyncset.done $0x0  }
0x1f: {  	s12 =	sadd.s32 $0xFB1600, s26;
	[sflag:s8] =	ssyncadd.s32 $0xFFFFD800  }
0x20: {  	[hbm4b:s12+s2] =	stream.linear.scatter [tilespmem:s7], [sflag:$0x2], $0x2800, $0x38;
	[tilespmem:$0x2B80] =	vst v63  }
0x21: {  	_ =	swait.ge [sflag:s3], $0x2800  }
0x22: {  	[sflag:s3] =	ssyncset.done $0x0  }
0x23: {  	s13 =	simm.s32 $0xF0;
	[sflag:s3] =	ssyncadd.s32 $0xFFFFD800  }
0x24: {  	[tilespmem:s7], [sflag:$0x1] =	stream.indirect.gather [hbm4b:s5+s6], $0x80, s13, s6, $0xb8;
	[tilespmem:$0x2B80] =	vst v63  }
0x25: {  	_ =	swait.ge [sflag:s8], $0x2800  }
0x26: {  	[sflag:s8] =	ssyncset.done $0x0  }
0x27: {  	s14 =	sadd.s32 $0xFB1B00, s26;
	[sflag:s8] =	ssyncadd.s32 $0xFFFFD800  }
0x28: {  	[hbm4b:s14+s2] =	stream.linear.scatter [tilespmem:s7], [sflag:$0x2], $0x2800, $0x38;
	[tilespmem:$0x2B80] =	vst v63  }
0x29: {  	_ =	swait.ge [sflag:s3], $0x2800  }
0x2a: {  	[sflag:s3] =	ssyncset.done $0x0  }
0x2b: {  	s15 =	simm.s32 $0x140;
	[sflag:s3] =	ssyncadd.s32 $0xFFFFD800  }
0x2c: {  	[tilespmem:s7], [sflag:$0x1] =	stream.indirect.gather [hbm4b:s5+s6], $0x80, s15, s6, $0xb8;
	[tilespmem:$0x2B80] =	vst v63  }
0x2d: {  	_ =	swait.ge [sflag:s8], $0x2800  }
0x2e: {  	[sflag:s8] =	ssyncset.done $0x0  }
0x2f: {  	s16 =	sadd.s32 $0xFB2000, s26;
	[sflag:s8] =	ssyncadd.s32 $0xFFFFD800  }
0x30: {  	[hbm4b:s16+s2] =	stream.linear.scatter [tilespmem:s7], [sflag:$0x2], $0x2800, $0x38;
	[tilespmem:$0x2B80] =	vst v63  }
0x31: {  	_ =	swait.ge [sflag:s3], $0x2800  }
0x32: {  	[sflag:s3] =	ssyncset.done $0x0  }
0x33: {  	s17 =	simm.s32 $0x190;
	[sflag:s3] =	ssyncadd.s32 $0xFFFFD800  }
0x34: {  	[tilespmem:s7], [sflag:$0x1] =	stream.indirect.gather [hbm4b:s5+s6], $0x80, s17, s6, $0xb8;
	[tilespmem:$0x2B80] =	vst v63  }
0x35: {  	_ =	swait.ge [sflag:s8], $0x2800  }
0x36: {  	[sflag:s8] =	ssyncset.done $0x0  }
0x37: {  	s18 =	sadd.s32 $0xFB2500, s26;
	[sflag:s8] =	ssyncadd.s32 $0xFFFFD800  }
0x38: {  	[hbm4b:s18+s2] =	stream.linear.scatter [tilespmem:s7], [sflag:$0x2], $0x2800, $0x38;
	[tilespmem:$0x2B80] =	vst v63  }
0x39: {  	_ =	swait.ge [sflag:s3], $0x2800  }
0x3a: {  	[sflag:s3] =	ssyncset.done $0x0  }
0x3b: {  	s19 =	simm.s32 $0x1E0;
	[sflag:s3] =	ssyncadd.s32 $0xFFFFD800  }
0x3c: {  	[tilespmem:s7], [sflag:$0x1] =	stream.indirect.gather [hbm4b:s5+s6], $0x80, s19, s6, $0xb8;
	[tilespmem:$0x2B80] =	vst v63  }
0x3d: {  	_ =	swait.ge [sflag:s8], $0x2800  }
0x3e: {  	[sflag:s8] =	ssyncset.done $0x0  }
0x3f: {  	s20 =	sadd.s32 $0xFB2A00, s26;
	[sflag:s8] =	ssyncadd.s32 $0xFFFFD800  }
0x40: {  	[hbm4b:s20+s2] =	stream.linear.scatter [tilespmem:s7], [sflag:$0x2], $0x2800, $0x38;
	[tilespmem:$0x2B80] =	vst v63  }
0x41: {  	_ =	swait.ge [sflag:s3], $0x2800  }
0x42: {  	[sflag:s3] =	ssyncset.done $0x0  }
0x43: {  	s21 =	simm.s32 $0x230;
	[sflag:s3] =	ssyncadd.s32 $0xFFFFD800  }
0x44: {  	[tilespmem:s7], [sflag:$0x1] =	stream.indirect.gather [hbm4b:s5+s6], $0x80, s21, s6, $0xb8;
	[tilespmem:$0x2B80] =	vst v63  }
0x45: {  	_ =	swait.ge [sflag:s8], $0x2800  }
0x46: {  	[sflag:s8] =	ssyncset.done $0x0  }
0x47: {  	s22 =	sadd.s32 $0xFB2F00, s26;
	[sflag:s8] =	ssyncadd.s32 $0xFFFFD800  }
0x48: {  	[hbm4b:s22+s2] =	stream.linear.scatter [tilespmem:s7], [sflag:$0x2], $0x2800, $0x38;
	[tilespmem:$0x2B80] =	vst v63  }
0x49: {  	_ =	swait.ge [sflag:s3], $0x2800  }
0x4a: {  	[sflag:s3] =	ssyncset.done $0x0  }
0x4b: {  	s23 =	simm.s32 $0x280;
	[sflag:s3] =	ssyncadd.s32 $0xFFFFD800  }
0x4c: {  	[tilespmem:s7], [sflag:$0x1] =	stream.indirect.gather [hbm4b:s5+s6], $0x80, s23, s6, $0xb8;
	[tilespmem:$0x2B80] =	vst v63  }
0x4d: {  	_ =	swait.ge [sflag:s8], $0x2800  }
0x4e: {  	[sflag:s8] =	ssyncset.done $0x0  }
0x4f: {  	s28 =	ssub.s32 $0x2, s25;
	s24 =	sadd.s32 $0xFB3400, s26;
	[sflag:s8] =	ssyncadd.s32 $0xFFFFD800  }
0x50: {  	[hbm4b:s24+s2] =	stream.linear.scatter [tilespmem:s7], [sflag:$0x2], $0x2800, $0x38;
	[tilespmem:$0x2B80] =	vst v63  }
0x51: {  	s29 =	sshrl.u32 s28, $0x1;
	_ =	swait.ge [sflag:s3], $0x2800  }
0x52: {  	s28 =	ssub.s32 s28, s29;
	[sflag:s3] =	ssyncset.done $0x0  }
0x53: {  	s25 =	simm.s32 $0x2D0;
	s28 =	smax.u32 s28, $0x1;
	[sflag:s3] =	ssyncadd.s32 $0xFFFFD800  }
0x54: {  	[tilespmem:s7], [sflag:$0x1] =	stream.indirect.gather [hbm4b:s5+s6], $0x80, s25, s6, $0xb8;
	[tilespmem:$0x2B80] =	vst v63  }
0x55: {  	p0 =	sne.s32 s28, $0x1;
	_ =	swait.ge [sflag:s8], $0x2800  }
.Ltmp0:
0x56: {  	[sflag:s8] =	ssyncset.done $0x0;
	(pc) =	sbr.rel @!p0 .LBB2_2-.Ltmp0, $4  }
0x57: {  	s26 =	sadd.s32 $0xFB3900, s26;
	[sflag:s8] =	ssyncadd.s32 $0xFFFFD800  }
0x58: {  	[hbm4b:s26+s2] =	stream.linear.scatter [tilespmem:s7], [sflag:$0x2], $0x2800, $0x38;
	[tilespmem:$0x2B80] =	vst v63  }
0x59: {  	_ =	swait.ge [sflag:s3], $0x2800  }
0x5a: {  	s28 =	sadd.s32 $0xFFFFFFFF, s28;
	[sflag:s3] =	ssyncset.done $0x0  }
.LBB2_1:
0x5b: {  	p0 =	sne.s32 s28, $0x1;
	s28 =	sadd.s32 $0xFFFFFFFF, s28;
	[sflag:s3] =	ssyncadd.s32 $0xFFFFD800  }
0x5c: {  	[tilespmem:s2], [sflag:$0x2] =	stream.linear.gather [hbm4b:s4+s2], $0x320, $0x38;
	[tilespmem:$0x2B80] =	vst v63  }
0x5d: {  	_ =	swait.ge [sflag:s3], $0x320  }
0x5e: {  	[sflag:s3] =	ssyncset.done $0x0  }
0x5f: {  	[sflag:s3] =	ssyncadd.s32 $0xFFFFFCE0  }
0x60: {  	[tilespmem:s7], [sflag:$0x1] =	stream.indirect.gather [hbm4b:s5+s6], $0x80, s2, s6, $0xb8;
	[tilespmem:$0x2B80] =	vst v63  }
0x61: {  	_ =	swait.ge [sflag:s8], $0x2800  }
0x62: {  	[sflag:s8] =	ssyncset.done $0x0  }
0x63: {  	[sflag:s8] =	ssyncadd.s32 $0xFFFFD800  }
0x64: {  	[hbm4b:s9+s2] =	stream.linear.scatter [tilespmem:s7], [sflag:$0x2], $0x2800, $0x38;
	[tilespmem:$0x2B80] =	vst v63  }
0x65: {  	_ =	swait.ge [sflag:s3], $0x2800  }
0x66: {  	[sflag:s3] =	ssyncset.done $0x0  }
0x67: {  	[sflag:s3] =	ssyncadd.s32 $0xFFFFD800  }
0x68: {  	[tilespmem:s7], [sflag:$0x1] =	stream.indirect.gather [hbm4b:s5+s6], $0x80, s6, s6, $0xb8;
	[tilespmem:$0x2B80] =	vst v63  }
0x69: {  	_ =	swait.ge [sflag:s8], $0x2800  }
0x6a: {  	[sflag:s8] =	ssyncset.done $0x0  }
0x6b: {  	[sflag:s8] =	ssyncadd.s32 $0xFFFFD800  }
0x6c: {  	[hbm4b:s10+s2] =	stream.linear.scatter [tilespmem:s7], [sflag:$0x2], $0x2800, $0x38;
	[tilespmem:$0x2B80] =	vst v63  }
0x6d: {  	_ =	swait.ge [sflag:s3], $0x2800  }
0x6e: {  	[sflag:s3] =	ssyncset.done $0x0  }
0x6f: {  	[sflag:s3] =	ssyncadd.s32 $0xFFFFD800  }
0x70: {  	[tilespmem:s7], [sflag:$0x1] =	stream.indirect.gather [hbm4b:s5+s6], $0x80, s11, s6, $0xb8;
	[tilespmem:$0x2B80] =	vst v63  }
0x71: {  	_ =	swait.ge [sflag:s8], $0x2800  }
0x72: {  	[sflag:s8] =	ssyncset.done $0x0  }
0x73: {  	[sflag:s8] =	ssyncadd.s32 $0xFFFFD800  }
0x74: {  	[hbm4b:s12+s2] =	stream.linear.scatter [tilespmem:s7], [sflag:$0x2], $0x2800, $0x38;
	[tilespmem:$0x2B80] =	vst v63  }
0x75: {  	_ =	swait.ge [sflag:s3], $0x2800  }
0x76: {  	[sflag:s3] =	ssyncset.done $0x0  }
0x77: {  	[sflag:s3] =	ssyncadd.s32 $0xFFFFD800  }
0x78: {  	[tilespmem:s7], [sflag:$0x1] =	stream.indirect.gather [hbm4b:s5+s6], $0x80, s13, s6, $0xb8;
	[tilespmem:$0x2B80] =	vst v63  }
0x79: {  	_ =	swait.ge [sflag:s8], $0x2800  }
0x7a: {  	[sflag:s8] =	ssyncset.done $0x0  }
0x7b: {  	[sflag:s8] =	ssyncadd.s32 $0xFFFFD800  }
0x7c: {  	[hbm4b:s14+s2] =	stream.linear.scatter [tilespmem:s7], [sflag:$0x2], $0x2800, $0x38;
	[tilespmem:$0x2B80] =	vst v63  }
0x7d: {  	_ =	swait.ge [sflag:s3], $0x2800  }
0x7e: {  	[sflag:s3] =	ssyncset.done $0x0  }
0x7f: {  	[sflag:s3] =	ssyncadd.s32 $0xFFFFD800  }
0x80: {  	[tilespmem:s7], [sflag:$0x1] =	stream.indirect.gather [hbm4b:s5+s6], $0x80, s15, s6, $0xb8;
	[tilespmem:$0x2B80] =	vst v63  }
0x81: {  	_ =	swait.ge [sflag:s8], $0x2800  }
0x82: {  	[sflag:s8] =	ssyncset.done $0x0  }
0x83: {  	[sflag:s8] =	ssyncadd.s32 $0xFFFFD800  }
0x84: {  	[hbm4b:s16+s2] =	stream.linear.scatter [tilespmem:s7], [sflag:$0x2], $0x2800, $0x38;
	[tilespmem:$0x2B80] =	vst v63  }
0x85: {  	_ =	swait.ge [sflag:s3], $0x2800  }
0x86: {  	[sflag:s3] =	ssyncset.done $0x0  }
0x87: {  	[sflag:s3] =	ssyncadd.s32 $0xFFFFD800  }
0x88: {  	[tilespmem:s7], [sflag:$0x1] =	stream.indirect.gather [hbm4b:s5+s6], $0x80, s17, s6, $0xb8;
	[tilespmem:$0x2B80] =	vst v63  }
0x89: {  	_ =	swait.ge [sflag:s8], $0x2800  }
0x8a: {  	[sflag:s8] =	ssyncset.done $0x0  }
0x8b: {  	[sflag:s8] =	ssyncadd.s32 $0xFFFFD800  }
0x8c: {  	[hbm4b:s18+s2] =	stream.linear.scatter [tilespmem:s7], [sflag:$0x2], $0x2800, $0x38;
	[tilespmem:$0x2B80] =	vst v63  }
0x8d: {  	_ =	swait.ge [sflag:s3], $0x2800  }
0x8e: {  	[sflag:s3] =	ssyncset.done $0x0  }
0x8f: {  	[sflag:s3] =	ssyncadd.s32 $0xFFFFD800  }
0x90: {  	[tilespmem:s7], [sflag:$0x1] =	stream.indirect.gather [hbm4b:s5+s6], $0x80, s19, s6, $0xb8;
	[tilespmem:$0x2B80] =	vst v63  }
0x91: {  	_ =	swait.ge [sflag:s8], $0x2800  }
0x92: {  	[sflag:s8] =	ssyncset.done $0x0  }
0x93: {  	[sflag:s8] =	ssyncadd.s32 $0xFFFFD800  }
0x94: {  	[hbm4b:s20+s2] =	stream.linear.scatter [tilespmem:s7], [sflag:$0x2], $0x2800, $0x38;
	[tilespmem:$0x2B80] =	vst v63  }
0x95: {  	_ =	swait.ge [sflag:s3], $0x2800  }
0x96: {  	[sflag:s3] =	ssyncset.done $0x0  }
0x97: {  	[sflag:s3] =	ssyncadd.s32 $0xFFFFD800  }
0x98: {  	[tilespmem:s7], [sflag:$0x1] =	stream.indirect.gather [hbm4b:s5+s6], $0x80, s21, s6, $0xb8;
	[tilespmem:$0x2B80] =	vst v63  }
0x99: {  	_ =	swait.ge [sflag:s8], $0x2800  }
0x9a: {  	[sflag:s8] =	ssyncset.done $0x0  }
0x9b: {  	[sflag:s8] =	ssyncadd.s32 $0xFFFFD800  }
0x9c: {  	[hbm4b:s22+s2] =	stream.linear.scatter [tilespmem:s7], [sflag:$0x2], $0x2800, $0x38;
	[tilespmem:$0x2B80] =	vst v63  }
0x9d: {  	_ =	swait.ge [sflag:s3], $0x2800  }
0x9e: {  	[sflag:s3] =	ssyncset.done $0x0  }
0x9f: {  	[sflag:s3] =	ssyncadd.s32 $0xFFFFD800  }
0xa0: {  	[tilespmem:s7], [sflag:$0x1] =	stream.indirect.gather [hbm4b:s5+s6], $0x80, s23, s6, $0xb8;
	[tilespmem:$0x2B80] =	vst v63  }
0xa1: {  	_ =	swait.ge [sflag:s8], $0x2800  }
0xa2: {  	[sflag:s8] =	ssyncset.done $0x0  }
0xa3: {  	[sflag:s8] =	ssyncadd.s32 $0xFFFFD800  }
0xa4: {  	[hbm4b:s24+s2] =	stream.linear.scatter [tilespmem:s7], [sflag:$0x2], $0x2800, $0x38;
	[tilespmem:$0x2B80] =	vst v63  }
0xa5: {  	_ =	swait.ge [sflag:s3], $0x2800  }
0xa6: {  	[sflag:s3] =	ssyncset.done $0x0  }
0xa7: {  	[sflag:s3] =	ssyncadd.s32 $0xFFFFD800  }
0xa8: {  	[tilespmem:s7], [sflag:$0x1] =	stream.indirect.gather [hbm4b:s5+s6], $0x80, s25, s6, $0xb8;
	[tilespmem:$0x2B80] =	vst v63  }
0xa9: {  	_ =	swait.ge [sflag:s8], $0x2800  }
.Ltmp1:
0xaa: {  	[sflag:s8] =	ssyncset.done $0x0;
	(pc) =	sbr.rel @p0 .LBB2_1-.Ltmp1, $4  }
0xab: {  	[sflag:s8] =	ssyncadd.s32 $0xFFFFD800  }
0xac: {  	[hbm4b:s26+s2] =	stream.linear.scatter [tilespmem:s7], [sflag:$0x2], $0x2800, $0x38;
	[tilespmem:$0x2B80] =	vst v63  }
0xad: {  	_ =	swait.ge [sflag:s3], $0x2800  }
0xae: {  	[sflag:s3] =	ssyncset.done $0x0  }
.LBB2_2:
0xaf: {  	[sflag:s3] =	ssyncadd.s32 $0xFFFFD800  }
0xb0: {  	_ =	sfence.sel $0x180000  }
0xb1: {  	[bflag:$0x0] =	sbarrier.arrive $0xFFFF  }
0xb2: {  	p0 =	sne.s32 s0, $0x0;
	_ =	strace $0x9000004D  }
0xb3: {  	s0 =	sadd.s32 @!p0 $0x100000, s1;
	[bflag:$0x2] =	sbarrier.arrive $0xFFFF  }
0xb4: {  	[sflag:s0] =	ssyncadd.tile.s32 @!p0 $0x1;
	_ =	shalt  }
.Lfunc_end2:
_tile_overlayer_lowered:
.L_overlay_start_2:
0xb5: {  	(tag) =	ssettag $0x2  }
0xb6: {  	s0 =	rddreg [dreg:$0x0];
	s2 =	stileid.u32  }
0xb7: {  	s1 =	rddreg [dreg:$0x1];
	p0 =	sne.s32 s2, $0x0  }
0xb8: {  	s3 =	rddreg [dreg:$0x2];
	[bflag:$0x3] =	sbarrier.arrive $0xFFFF;
	s2 =	simm.s32 @!p0 $0x1C02  }
0xb9: {  	[timem:s3], [sflag:s2] =	dma.local @!p0 [hbm:s0], s1  }
0xba: {  	s0 =	simm.s32 @!p0 $0x2  }
0xbb: {  	_ =	swait.ge @!p0 [sflag:s0], s1  }
0xbc: {  	s1 =	ssub.s32 @!p0 $0x0, s1;
	[sflag:s0] =	ssyncset.done @!p0 $0x0  }
0xbd: {  	[sflag:s0] =	ssyncadd.s32 @!p0 s1  }
0xbe: {  	[bflag:$0x3] =	sbarrier.arrive $0xFFFF  }
0xbf: {  	_ =	shalt  }

// kernel: kernel.28.cloned.1.call-start
scs
__scs_entry_jumppad:
0x0: {  	(pc) =	sbr.rel $0x88, $3  }
0x1: {  	(tag) =	ssettag $0x0;
	lr =	simm.s32 $0x1  }
0x2: {  	[smem:$0x3F9D] =	sst lr;
	_ =	strace $0xD0000000  }
0x3: {  	_ = 	snop  }
0x4: {  	_ = 	snop  }
0x5: {  	_ = 	snop  }
0x6: {  	_ = 	snop  }
0x7: {  	_ = 	snop  }
__scs_overlays_trampoline_lowered:
0x8: {  	[smem:$0x3FAC] =	sst s0  }
0x9: {  	[smem:$0x3FAD] =	sst s1  }
0xa: {  	[smem:$0x3FAE] =	sst s2  }
0xb: {  	[smem:$0x3FAF] =	sst s3  }
0xc: {  	[smem:$0x3FB0] =	sst s4  }
0xd: {  	[smem:$0x3FB1] =	sst s5  }
0xe: {  	[smem:$0x3FB2] =	sst s6  }
0xf: {  	[smem:$0x3FB3] =	sst s7  }
0x10: {  	[smem:$0x3FB4] =	sst s8  }
0x11: {  	[smem:$0x3FB5] =	sst s9;
	s0 =	simm.s32 @!p0 $0x0  }
0x12: {  	s1 =	sld [smem:$0x3F9B];
	s0 =	simm.s32 @p0 $0x1  }
0x13: {  	[smem:$0x3FB6] =	sst s0;
	s0 =	simm.s32 @!p1 $0x0  }
0x14: {  	s2 =	sld [smem:$0x3F9A];
	s0 =	simm.s32 @p1 $0x1  }
0x15: {  	[smem:$0x3FB7] =	sst s0;
	s0 =	simm.s32 @!p2 $0x0  }
0x16: {  	s3 =	sld [smem:$0x3FDB];
	s0 =	simm.s32 @p2 $0x1  }
0x17: {  	s4 =	simm.s32 $0x1BF5;
	[smem:$0x3FB9] =	sst s0  }
0x18: {  	s0 =	sld [smem:$0x3F9C];
	_ =	swait.ge [sflag:s4], $0x0  }
0x19: {  	s7 =	sld [smem:$0x3F9D]  }
0x1a: {  	s8 =	sadd.s32 $0xFFFFE003, lr  }
0x1b: {  	s9 =	sadd.s32 $0xFFFFFEF7, lr;
	s5 =	simm.s32 $0xFFFFFFFF;
	p2 =	slt.u32 s8, $0xFFFFF086  }
0x1c: {  	p1 =	slt.u32 s9, $0xF7A;
	s5 =	simm.s32 @!p2 $0x0  }
0x1d: {  	s5 =	simm.s32 @p1 $0x1;
	p0 =	seq.s32 s7, s2  }
0x1e: {  	s7 =	smul.u32 @!p0 $0xF7A, s2;
	p2 =	seq.s32 @!p0 s5, $0x0  }
0x1f: {  	s9 =	smul.u32 $0xF7A, s1;
	s8 =	simm.s32 @!p0 $0x1BF5;
	p2 =	por !p2, p0  }
0x20: {  	[sflag:s8] =	ssyncset.s32 @!p0 $0xFFFFF086;
	s6 =	sadd.s32 @!p0 s3, s7;
	s7 =	simm.s32 @!p0 $0x108  }
0x21: {  	s3 =	sadd.s32 s3, s9;
	s6 =	sadd.s32 @!p0 $0x88, s6;
	s7 =	simm.s32 @p2 $0x1082  }
0x22: {  	[simem:s7], [sflag:s8] =	dma.local @!p0 [hbm:s6], $0xF7A  }
0x23: {  	s9 =	sor.u32 $0xD0000000, s2;
	s6 =	simm.s32 $0x108;
	_ =	swait.ge @!p0 [sflag:s8], $0x0  }
0x24: {  	s3 =	sadd.s32 $0x88, s3;
	s6 =	simm.s32 @!p1 $0x1082;
	[sflag:s4] =	ssyncset.s32 $0xFFFFF086  }
0x25: {  	[simem:s6], [sflag:s4] =	dma.local [hbm:s3], $0xF7A  }
0x26: {  	[smem:$0x3F9D] =	sst s1;
	(tag) =	ssettag s2;
	_ =	strace s9  }
0x27: {  	s1 =	sld [smem:$0x3FAD]  }
0x28: {  	s2 =	sld [smem:$0x3FAE]  }
0x29: {  	s4 =	sld [smem:$0x3FB0]  }
0x2a: {  	p0 =	seq.s32 s5, $0x0;
	s5 =	sld [smem:$0x3FB1]  }
0x2b: {  	s6 =	sld [smem:$0x3FB2]  }
0x2c: {  	s7 =	sld [smem:$0x3FB3]  }
0x2d: {  	s3 =	simm.s32 $0x108;
	s8 =	sld [smem:$0x3FB4]  }
0x2e: {  	s3 =	simm.s32 @!p0 $0x1082;
	s9 =	sld [smem:$0x3FB5]  }
0x2f: {  	lr =	sadd.s32 s0, s3;
	s0 =	sld [smem:$0x3FAC]  }
0x30: {  	s3 =	sld [smem:$0x3FAF]  }
0x31: {  	[smem:$0x3FB8] =	sst s10  }
0x32: {  	s10 =	sld [smem:$0x3FB6];
	_ =	sdelay $0x3  }
0x33: {  	p0 =	seq.s32 s10, $0x1;
	s10 =	sld [smem:$0x3FB8];
	_ =	sdelay $0x3  }
0x34: {  	[smem:$0x3FB8] =	sst s10  }
0x35: {  	s10 =	sld [smem:$0x3FB7];
	_ =	sdelay $0x3  }
0x36: {  	p1 =	seq.s32 s10, $0x1;
	s10 =	sld [smem:$0x3FB8];
	_ =	sdelay $0x3  }
0x37: {  	[smem:$0x3FB8] =	sst s10  }
0x38: {  	s10 =	sld [smem:$0x3FB9]  }
0x39: {  	_ = 	snop;
	(pc) =	sbr.ind lr, $3  }
0x3a: {  	_ = 	snop  }
0x3b: {  	_ = 	snop  }
0x3c: {  	p2 =	seq.s32 s10, $0x1;
	s10 =	sld [smem:$0x3FB8]  }
0x3d: {  	_ =	shalt  }
0x3e: {  	_ =	shalt  }
0x3f: {  	_ =	shalt  }
0x40: {  	_ =	shalt  }
0x41: {  	_ =	shalt  }
0x42: {  	_ =	shalt  }
0x43: {  	_ =	shalt  }
0x44: {  	_ =	shalt  }
0x45: {  	_ =	shalt  }
0x46: {  	_ =	shalt  }
0x47: {  	_ =	shalt  }
0x48: {  	_ =	shalt  }
0x49: {  	_ =	shalt  }
0x4a: {  	_ =	shalt  }
0x4b: {  	_ =	shalt  }
0x4c: {  	_ =	shalt  }
0x4d: {  	_ =	shalt  }
0x4e: {  	_ =	shalt  }
0x4f: {  	_ =	shalt  }
0x50: {  	_ =	shalt  }
0x51: {  	_ =	shalt  }
0x52: {  	_ =	shalt  }
0x53: {  	_ =	shalt  }
0x54: {  	_ =	shalt  }
0x55: {  	_ =	shalt  }
0x56: {  	_ =	shalt  }
0x57: {  	_ =	shalt  }
0x58: {  	_ =	shalt  }
0x59: {  	_ =	shalt  }
0x5a: {  	_ =	shalt  }
0x5b: {  	_ =	shalt  }
0x5c: {  	_ =	shalt  }
0x5d: {  	_ =	shalt  }
0x5e: {  	_ =	shalt  }
0x5f: {  	_ =	shalt  }
0x60: {  	_ =	shalt  }
0x61: {  	_ =	shalt  }
0x62: {  	_ =	shalt  }
0x63: {  	_ =	shalt  }
0x64: {  	_ =	shalt  }
0x65: {  	_ =	shalt  }
0x66: {  	_ =	shalt  }
0x67: {  	_ =	shalt  }
0x68: {  	_ =	shalt  }
0x69: {  	_ =	shalt  }
0x6a: {  	_ =	shalt  }
0x6b: {  	_ =	shalt  }
0x6c: {  	_ =	shalt  }
0x6d: {  	_ =	shalt  }
0x6e: {  	_ =	shalt  }
0x6f: {  	_ =	shalt  }
0x70: {  	_ =	shalt  }
0x71: {  	_ =	shalt  }
0x72: {  	_ =	shalt  }
0x73: {  	_ =	shalt  }
0x74: {  	_ =	shalt  }
0x75: {  	_ =	shalt  }
0x76: {  	_ =	shalt  }
0x77: {  	_ =	shalt  }
0x78: {  	_ =	shalt  }
0x79: {  	_ =	shalt  }
0x7a: {  	_ =	shalt  }
0x7b: {  	_ =	shalt  }
0x7c: {  	_ =	shalt  }
0x7d: {  	_ =	shalt  }
0x7e: {  	_ =	shalt  }
0x7f: {  	_ =	shalt  }
0x80: {  	_ =	shalt  }
0x81: {  	_ =	shalt  }
0x82: {  	_ =	shalt  }
0x83: {  	_ =	shalt  }
0x84: {  	_ =	shalt  }
0x85: {  	_ =	shalt  }
0x86: {  	_ =	shalt  }
0x87: {  	_ =	shalt  }
.Lfunc_end0:
.L_simem_size_0:
called_computation.3_lowered:
.L_overlay_start_0:
0x88: {  	s2 =	sld [smem:$0x3FD9]  }
0x89: {  	s3 =	sld [smem:$0x3FFE];
	_ =	sdelay $0x1  }
0x8a: {  	s1 =	srdreg.scid  }
0x8b: {  	s0 =	sand.u32 $0x1, s1  }
0x8c: {  	s17 =	sshll.u32 s0, $0xA;
	s2 =	sadd.s32 s3, s2  }
0x8d: {  	s2 =	sadd.s32 s2, s17  }
0x8e: {  	[smem:$0x3FC4] =	sst s2  }
0x8f: {  	_ = 	snop  }
0x90: {  	(tm) =	ssettm $0x1  }
0x91: {  	s18 =	sld [smem:$0x3FFB];
	_ =	sdelay $0x3  }
0x92: {  	_ =	strace s18  }
0x93: {  	s2 =	sld [smem:$0x3FFC];
	_ =	sdelay $0x3  }
0x94: {  	_ =	strace s2  }
0x95: {  	s2 =	sld [smem:$0x3FFD];
	_ =	sdelay $0x3  }
0x96: {  	_ =	strace s2  }
0x97: {  	_ =	strace $0x8FFFFFFF  }
0x98: {  	s19 =	sld [smem:$0x3FDB];
	_ =	sdelay $0x1  }
0x99: {  	s20 =	simm.s32 $_scs_section_size  }
0x9a: {  	s4 =	simm.s32 $_size__tile_overlayer_lowered;
	s5 =	simm.s32 $_tile_overlayer_lowered  }
0x9b: {  	s6 =	simm.s32 $0x1BFF;
	s21 =	sshll.u32 s5, $0x1;
	s3 =	sadd.s32 s20, s19  }
0x9c: {  	s22 =	simm.s32 $0x0;
	s4 =	sshll.u32 s4, $0x1;
	s5 =	sadd.s32 s21, s3  }
0x9d: {  	[timem:s22], [sflag:s6] =	dma.local [hbm:s5], s4  }
0x9e: {  	_ =	swait.ge [sflag:s6], s4  }
0x9f: {  	s4 =	ssub.s32 $0x0, s4;
	[sflag:s6] =	ssyncset.done $0x0  }
0xa0: {  	[sflag:s6] =	ssyncadd.s32 s4;
	_ =	sdelay $0x1  }
0xa1: {  	s23 =	simm.s32 $0x1B8B  }
0xa2: {  	_ =	swait.ge [sflag:s23], $0x1  }
0xa3: {  	[sflag:s23] =	ssyncset.done $0x0  }
0xa4: {  	[sflag:s23] =	ssyncadd.s32 $0xFFFFFFFF  }
0xa5: {  	s4 =	sld [smem:$0x0]  }
0xa6: {  	s5 =	sand.u32 $0xFFFFFFFE, s1  }
0xa7: {  	p0 =	sne.s32 s1, s5  }
0xa8: {  	s5 =	sshll.u32 @p0 s5, $0xE  }
0xa9: {  	s5 =	sadd.s32 @p0 $0x11B8D, s5;
	s6 =	sshll.u32 @p0 s4, $0x11  }
0xaa: {  	s5 =	sor.u32 @p0 s6, s5  }
0xab: {  	[sflag:s5] =	ssyncadd.remote.s32 @p0 $0x1;
	_ =	sdelay $0x1  }
0xac: {  	s5 =	simm.s32 @p0 $0x1B8D  }
0xad: {  	_ =	swait.eq @p0 [sflag:s5], $0x1  }
0xae: {  	[sflag:s5] =	ssyncadd.s32 @p0 $0xFFFFFFFF  }
0xaf: {  	s6 =	sshll.u32 @!p0 s1, $0xE  }
0xb0: {  	s6 =	sor.u32 @!p0 $0x4000, s6;
	s5 =	simm.s32 @!p0 $0x1B8D  }
0xb1: {  	s4 =	sshll.u32 @!p0 s4, $0x11;
	s6 =	sadd.s32 @!p0 $0x11B8D, s6;
	_ =	swait.eq @!p0 [sflag:s5], $0x1  }
0xb2: {  	s4 =	sor.u32 @!p0 s4, s6;
	[sflag:s5] =	ssyncadd.s32 @!p0 $0xFFFFFFFF  }
0xb3: {  	s25 =	simm.s32 $0x1B8E;
	s24 =	sld [smem:$0x3FFE];
	[sflag:s4] =	ssyncadd.remote.s32 @!p0 $0x1  }
0xb4: {  	s26 =	simm.s32 $execute0_lowered;
	[smem:$0x3FD2] =	sst s25  }
0xb5: {  	s5 =	sshll.u32 s26, $0x1;
	_ =	strace $0x8000004F;
	[dreg:$0x1] =	wrdreg $0xFFFFFFFF  }
0xb6: {  	s28 =	simm.s32 $_size_execute0_lowered;
	s3 =	sadd.s32 s3, s5;
	[dreg:$0x0] =	wrdreg $0x0  }
0xb7: {  	s5 =	sshll.u32 s28, $0x1;
	[dreg:$0x2] =	wrdreg s3  }
0xb8: {  	[dreg:$0x3] =	wrdreg s5  }
0xb9: {  	[dreg:$0x4] =	wrdreg $0xC0  }
0xba: {  	_ =	task [dreg:s22], $0x5FFFF  }
0xbb: {  	[dreg:$0x1] =	wrdreg $0xFFFFFFFF  }
0xbc: {  	[dreg:$0x0] =	wrdreg $0x60  }
0xbd: {  	[dreg:$0x2] =	wrdreg s24  }
0xbe: {  	[dreg:$0x3] =	wrdreg $0xC  }
0xbf: {  	_ =	task.clear_ibuf [dreg:s22], $0x4FFFF;
	_ =	strace $0x9000004F  }
0xc0: {  	s29 =	simm.s32 $0xC;
	_ =	strace $0x80000051  }
0xc1: {  	_ =	swait.ge [sflag:s29], $0x1  }
0xc2: {  	[sflag:s29] =	ssyncadd.s32 $0xFFFFFFFF  }
0xc3: {  	_ =	strace $0x90000051  }
0xc4: {  	_ =	sfence  }
0xc5: {  	s30 =	sld [smem:$0x0];
	_ =	sdelay $0x2  }
0xc6: {  	s31 =	sshll.u32 s1, $0xD;
	s1 =	sshrl.u32 s1, $0x2  }
0xc7: {  	s4 =	sand.u32 $0x4000, s31;
	s1 =	sadd.s32 s1, s30  }
0xc8: {  	s0 =	sor.u32 s4, s0;
	s1 =	sshll.u32 s1, $0x11  }
0xc9: {  	s0 =	sor.u32 s1, s0  }
0xca: {  	s0 =	sadd.s32 $0x8F2B, s0  }
0xcb: {  	[sflag:s0] =	ssyncadd.remote.s32 $0x1  }
0xcc: {  	_ =	sfence.sel $0xFFFF  }
0xcd: {  	[dreg:$0x0] =	wrdreg $0xFFFFFFFF;
	(pc) =	sbr.abs _section_cstart, $3  }
0xce: {  	[dreg:$0x1] =	wrdreg $0xFFFFFFFF  }
0xcf: {  	_ =	task.clear_ibuf [dreg:s22], $0x2FFFF;
	_ =	strace $0x9FFFFFFF  }
0xd0: {  	(tm) =	ssettm $0x7FFFFFFF  }
0xd1: {  	_ =	shalt  }
tec
execute0_lowered:
.L_overlay_start_1:
0x0: {  	(tag) =	ssettag $0x1  }
0x1: {  	s1 =	srdreg.scid;
	s0 =	stileid.u32  }
0x2: {  	s25 =	sand.u32 $0x1, s1;
	s31 =	sshll.u32 s0, $0x1  }
0x3: {  	s6 =	sor.u32 s25, s31  }
0x4: {  	s9 =	rddreg [dreg:$0x0];
	s3 =	smul.u32 $0x64, s6  }
0x5: {  	s2 =	simm.s32 $0x0;
	s1 =	rddreg [dreg:$0x1]  }
0x6: {  	[smem:$0x7FF] =	sst s2;
	s3 =	sadd.s32 s3, s9  }
0x7: {  	_ =	strace $0x80000050;
	s4 =	sadd.s32 $0xF48600, s3;
	s3 =	simm.s32 $0x2  }
0x8: {  	[tilespmem:s2], [sflag:$0x2] =	stream.linear.gather [hbm4b:s4+s2], $0x320, $0x38;
	[tilespmem:$0x2B80] =	vst v63  }
0x9: {  	s7 =	simm.s32 $0x380;
	_ =	swait.ge [sflag:s3], $0x320  }
0xa: {  	s8 =	simm.s32 $0x1;
	s5 =	sadd.s32 $0x4600, s9;
	[sflag:s3] =	ssyncset.done $0x0  }
0xb: {  	s10 =	smul.u32 $0x3200, s6;
	s6 =	simm.s32 $0x50;
	[sflag:s3] =	ssyncadd.s32 $0xFFFFFCE0  }
0xc: {  	[tilespmem:s7], [sflag:$0x1] =	stream.indirect.gather [hbm4b:s5+s6], $0x80, s2, s6, $0xb8;
	[tilespmem:$0x2B80] =	vst v63  }
0xd: {  	_ =	swait.ge [sflag:s8], $0x2800  }
0xe: {  	s26 =	sadd.s32 s10, s9;
	[sflag:s8] =	ssyncset.done $0x0  }
0xf: {  	s9 =	sadd.s32 $0x1014C00, s26;
	[sflag:s8] =	ssyncadd.s32 $0xFFFFD800  }
0x10: {  	[hbm4b:s9+s2] =	stream.linear.scatter [tilespmem:s7], [sflag:$0x2], $0x2800, $0x38;
	[tilespmem:$0x2B80] =	vst v63  }
0x11: {  	_ =	swait.ge [sflag:s3], $0x2800  }
0x12: {  	[sflag:s3] =	ssyncset.done $0x0  }
0x13: {  	[sflag:s3] =	ssyncadd.s32 $0xFFFFD800  }
0x14: {  	[tilespmem:s7], [sflag:$0x1] =	stream.indirect.gather [hbm4b:s5+s6], $0x80, s6, s6, $0xb8;
	[tilespmem:$0x2B80] =	vst v63  }
0x15: {  	_ =	swait.ge [sflag:s8], $0x2800  }
0x16: {  	[sflag:s8] =	ssyncset.done $0x0  }
0x17: {  	s10 =	sadd.s32 $0x1015100, s26;
	[sflag:s8] =	ssyncadd.s32 $0xFFFFD800  }
0x18: {  	[hbm4b:s10+s2] =	stream.linear.scatter [tilespmem:s7], [sflag:$0x2], $0x2800, $0x38;
	[tilespmem:$0x2B80] =	vst v63  }
0x19: {  	_ =	swait.ge [sflag:s3], $0x2800  }
0x1a: {  	[sflag:s3] =	ssyncset.done $0x0  }
0x1b: {  	s11 =	simm.s32 $0xA0;
	[sflag:s3] =	ssyncadd.s32 $0xFFFFD800  }
0x1c: {  	[tilespmem:s7], [sflag:$0x1] =	stream.indirect.gather [hbm4b:s5+s6], $0x80, s11, s6, $0xb8;
	[tilespmem:$0x2B80] =	vst v63  }
0x1d: {  	_ =	swait.ge [sflag:s8], $0x2800  }
0x1e: {  	[sflag:s8] =	ssyncset.done $0x0  }
0x1f: {  	s12 =	sadd.s32 $0x1015600, s26;
	[sflag:s8] =	ssyncadd.s32 $0xFFFFD800  }
0x20: {  	[hbm4b:s12+s2] =	stream.linear.scatter [tilespmem:s7], [sflag:$0x2], $0x2800, $0x38;
	[tilespmem:$0x2B80] =	vst v63  }
0x21: {  	_ =	swait.ge [sflag:s3], $0x2800  }
0x22: {  	[sflag:s3] =	ssyncset.done $0x0  }
0x23: {  	s13 =	simm.s32 $0xF0;
	[sflag:s3] =	ssyncadd.s32 $0xFFFFD800  }
0x24: {  	[tilespmem:s7], [sflag:$0x1] =	stream.indirect.gather [hbm4b:s5+s6], $0x80, s13, s6, $0xb8;
	[tilespmem:$0x2B80] =	vst v63  }
0x25: {  	_ =	swait.ge [sflag:s8], $0x2800  }
0x26: {  	[sflag:s8] =	ssyncset.done $0x0  }
0x27: {  	s14 =	sadd.s32 $0x1015B00, s26;
	[sflag:s8] =	ssyncadd.s32 $0xFFFFD800  }
0x28: {  	[hbm4b:s14+s2] =	stream.linear.scatter [tilespmem:s7], [sflag:$0x2], $0x2800, $0x38;
	[tilespmem:$0x2B80] =	vst v63  }
0x29: {  	_ =	swait.ge [sflag:s3], $0x2800  }
0x2a: {  	[sflag:s3] =	ssyncset.done $0x0  }
0x2b: {  	s15 =	simm.s32 $0x140;
	[sflag:s3] =	ssyncadd.s32 $0xFFFFD800  }
0x2c: {  	[tilespmem:s7], [sflag:$0x1] =	stream.indirect.gather [hbm4b:s5+s6], $0x80, s15, s6, $0xb8;
	[tilespmem:$0x2B80] =	vst v63  }
0x2d: {  	_ =	swait.ge [sflag:s8], $0x2800  }
0x2e: {  	[sflag:s8] =	ssyncset.done $0x0  }
0x2f: {  	s16 =	sadd.s32 $0x1016000, s26;
	[sflag:s8] =	ssyncadd.s32 $0xFFFFD800  }
0x30: {  	[hbm4b:s16+s2] =	stream.linear.scatter [tilespmem:s7], [sflag:$0x2], $0x2800, $0x38;
	[tilespmem:$0x2B80] =	vst v63  }
0x31: {  	_ =	swait.ge [sflag:s3], $0x2800  }
0x32: {  	[sflag:s3] =	ssyncset.done $0x0  }
0x33: {  	s17 =	simm.s32 $0x190;
	[sflag:s3] =	ssyncadd.s32 $0xFFFFD800  }
0x34: {  	[tilespmem:s7], [sflag:$0x1] =	stream.indirect.gather [hbm4b:s5+s6], $0x80, s17, s6, $0xb8;
	[tilespmem:$0x2B80] =	vst v63  }
0x35: {  	_ =	swait.ge [sflag:s8], $0x2800  }
0x36: {  	[sflag:s8] =	ssyncset.done $0x0  }
0x37: {  	s18 =	sadd.s32 $0x1016500, s26;
	[sflag:s8] =	ssyncadd.s32 $0xFFFFD800  }
0x38: {  	[hbm4b:s18+s2] =	stream.linear.scatter [tilespmem:s7], [sflag:$0x2], $0x2800, $0x38;
	[tilespmem:$0x2B80] =	vst v63  }
0x39: {  	_ =	swait.ge [sflag:s3], $0x2800  }
0x3a: {  	[sflag:s3] =	ssyncset.done $0x0  }
0x3b: {  	s19 =	simm.s32 $0x1E0;
	[sflag:s3] =	ssyncadd.s32 $0xFFFFD800  }
0x3c: {  	[tilespmem:s7], [sflag:$0x1] =	stream.indirect.gather [hbm4b:s5+s6], $0x80, s19, s6, $0xb8;
	[tilespmem:$0x2B80] =	vst v63  }
0x3d: {  	_ =	swait.ge [sflag:s8], $0x2800  }
0x3e: {  	[sflag:s8] =	ssyncset.done $0x0  }
0x3f: {  	s20 =	sadd.s32 $0x1016A00, s26;
	[sflag:s8] =	ssyncadd.s32 $0xFFFFD800  }
0x40: {  	[hbm4b:s20+s2] =	stream.linear.scatter [tilespmem:s7], [sflag:$0x2], $0x2800, $0x38;
	[tilespmem:$0x2B80] =	vst v63  }
0x41: {  	_ =	swait.ge [sflag:s3], $0x2800  }
0x42: {  	[sflag:s3] =	ssyncset.done $0x0  }
0x43: {  	s21 =	simm.s32 $0x230;
	[sflag:s3] =	ssyncadd.s32 $0xFFFFD800  }
0x44: {  	[tilespmem:s7], [sflag:$0x1] =	stream.indirect.gather [hbm4b:s5+s6], $0x80, s21, s6, $0xb8;
	[tilespmem:$0x2B80] =	vst v63  }
0x45: {  	_ =	swait.ge [sflag:s8], $0x2800  }
0x46: {  	[sflag:s8] =	ssyncset.done $0x0  }
0x47: {  	s22 =	sadd.s32 $0x1016F00, s26;
	[sflag:s8] =	ssyncadd.s32 $0xFFFFD800  }
0x48: {  	[hbm4b:s22+s2] =	stream.linear.scatter [tilespmem:s7], [sflag:$0x2], $0x2800, $0x38;
	[tilespmem:$0x2B80] =	vst v63  }
0x49: {  	_ =	swait.ge [sflag:s3], $0x2800  }
0x4a: {  	[sflag:s3] =	ssyncset.done $0x0  }
0x4b: {  	s23 =	simm.s32 $0x280;
	[sflag:s3] =	ssyncadd.s32 $0xFFFFD800  }
0x4c: {  	[tilespmem:s7], [sflag:$0x1] =	stream.indirect.gather [hbm4b:s5+s6], $0x80, s23, s6, $0xb8;
	[tilespmem:$0x2B80] =	vst v63  }
0x4d: {  	_ =	swait.ge [sflag:s8], $0x2800  }
0x4e: {  	[sflag:s8] =	ssyncset.done $0x0  }
0x4f: {  	s28 =	ssub.s32 $0x2, s25;
	s24 =	sadd.s32 $0x1017400, s26;
	[sflag:s8] =	ssyncadd.s32 $0xFFFFD800  }
0x50: {  	[hbm4b:s24+s2] =	stream.linear.scatter [tilespmem:s7], [sflag:$0x2], $0x2800, $0x38;
	[tilespmem:$0x2B80] =	vst v63  }
0x51: {  	s29 =	sshrl.u32 s28, $0x1;
	_ =	swait.ge [sflag:s3], $0x2800  }
0x52: {  	s28 =	ssub.s32 s28, s29;
	[sflag:s3] =	ssyncset.done $0x0  }
0x53: {  	s25 =	simm.s32 $0x2D0;
	s28 =	smax.u32 s28, $0x1;
	[sflag:s3] =	ssyncadd.s32 $0xFFFFD800  }
0x54: {  	[tilespmem:s7], [sflag:$0x1] =	stream.indirect.gather [hbm4b:s5+s6], $0x80, s25, s6, $0xb8;
	[tilespmem:$0x2B80] =	vst v63  }
0x55: {  	p0 =	sne.s32 s28, $0x1;
	_ =	swait.ge [sflag:s8], $0x2800  }
.Ltmp0:
0x56: {  	[sflag:s8] =	ssyncset.done $0x0;
	(pc) =	sbr.rel @!p0 .LBB2_2-.Ltmp0, $4  }
0x57: {  	s26 =	sadd.s32 $0x1017900, s26;
	[sflag:s8] =	ssyncadd.s32 $0xFFFFD800  }
0x58: {  	[hbm4b:s26+s2] =	stream.linear.scatter [tilespmem:s7], [sflag:$0x2], $0x2800, $0x38;
	[tilespmem:$0x2B80] =	vst v63  }
0x59: {  	_ =	swait.ge [sflag:s3], $0x2800  }
0x5a: {  	s28 =	sadd.s32 $0xFFFFFFFF, s28;
	[sflag:s3] =	ssyncset.done $0x0  }
.LBB2_1:
0x5b: {  	p0 =	sne.s32 s28, $0x1;
	s28 =	sadd.s32 $0xFFFFFFFF, s28;
	[sflag:s3] =	ssyncadd.s32 $0xFFFFD800  }
0x5c: {  	[tilespmem:s2], [sflag:$0x2] =	stream.linear.gather [hbm4b:s4+s2], $0x320, $0x38;
	[tilespmem:$0x2B80] =	vst v63  }
0x5d: {  	_ =	swait.ge [sflag:s3], $0x320  }
0x5e: {  	[sflag:s3] =	ssyncset.done $0x0  }
0x5f: {  	[sflag:s3] =	ssyncadd.s32 $0xFFFFFCE0  }
0x60: {  	[tilespmem:s7], [sflag:$0x1] =	stream.indirect.gather [hbm4b:s5+s6], $0x80, s2, s6, $0xb8;
	[tilespmem:$0x2B80] =	vst v63  }
0x61: {  	_ =	swait.ge [sflag:s8], $0x2800  }
0x62: {  	[sflag:s8] =	ssyncset.done $0x0  }
0x63: {  	[sflag:s8] =	ssyncadd.s32 $0xFFFFD800  }
0x64: {  	[hbm4b:s9+s2] =	stream.linear.scatter [tilespmem:s7], [sflag:$0x2], $0x2800, $0x38;
	[tilespmem:$0x2B80] =	vst v63  }
0x65: {  	_ =	swait.ge [sflag:s3], $0x2800  }
0x66: {  	[sflag:s3] =	ssyncset.done $0x0  }
0x67: {  	[sflag:s3] =	ssyncadd.s32 $0xFFFFD800  }
0x68: {  	[tilespmem:s7], [sflag:$0x1] =	stream.indirect.gather [hbm4b:s5+s6], $0x80, s6, s6, $0xb8;
	[tilespmem:$0x2B80] =	vst v63  }
0x69: {  	_ =	swait.ge [sflag:s8], $0x2800  }
0x6a: {  	[sflag:s8] =	ssyncset.done $0x0  }
0x6b: {  	[sflag:s8] =	ssyncadd.s32 $0xFFFFD800  }
0x6c: {  	[hbm4b:s10+s2] =	stream.linear.scatter [tilespmem:s7], [sflag:$0x2], $0x2800, $0x38;
	[tilespmem:$0x2B80] =	vst v63  }
0x6d: {  	_ =	swait.ge [sflag:s3], $0x2800  }
0x6e: {  	[sflag:s3] =	ssyncset.done $0x0  }
0x6f: {  	[sflag:s3] =	ssyncadd.s32 $0xFFFFD800  }
0x70: {  	[tilespmem:s7], [sflag:$0x1] =	stream.indirect.gather [hbm4b:s5+s6], $0x80, s11, s6, $0xb8;
	[tilespmem:$0x2B80] =	vst v63  }
0x71: {  	_ =	swait.ge [sflag:s8], $0x2800  }
0x72: {  	[sflag:s8] =	ssyncset.done $0x0  }
0x73: {  	[sflag:s8] =	ssyncadd.s32 $0xFFFFD800  }
0x74: {  	[hbm4b:s12+s2] =	stream.linear.scatter [tilespmem:s7], [sflag:$0x2], $0x2800, $0x38;
	[tilespmem:$0x2B80] =	vst v63  }
0x75: {  	_ =	swait.ge [sflag:s3], $0x2800  }
0x76: {  	[sflag:s3] =	ssyncset.done $0x0  }
0x77: {  	[sflag:s3] =	ssyncadd.s32 $0xFFFFD800  }
0x78: {  	[tilespmem:s7], [sflag:$0x1] =	stream.indirect.gather [hbm4b:s5+s6], $0x80, s13, s6, $0xb8;
	[tilespmem:$0x2B80] =	vst v63  }
0x79: {  	_ =	swait.ge [sflag:s8], $0x2800  }
0x7a: {  	[sflag:s8] =	ssyncset.done $0x0  }
0x7b: {  	[sflag:s8] =	ssyncadd.s32 $0xFFFFD800  }
0x7c: {  	[hbm4b:s14+s2] =	stream.linear.scatter [tilespmem:s7], [sflag:$0x2], $0x2800, $0x38;
	[tilespmem:$0x2B80] =	vst v63  }
0x7d: {  	_ =	swait.ge [sflag:s3], $0x2800  }
0x7e: {  	[sflag:s3] =	ssyncset.done $0x0  }
0x7f: {  	[sflag:s3] =	ssyncadd.s32 $0xFFFFD800  }
0x80: {  	[tilespmem:s7], [sflag:$0x1] =	stream.indirect.gather [hbm4b:s5+s6], $0x80, s15, s6, $0xb8;
	[tilespmem:$0x2B80] =	vst v63  }
0x81: {  	_ =	swait.ge [sflag:s8], $0x2800  }
0x82: {  	[sflag:s8] =	ssyncset.done $0x0  }
0x83: {  	[sflag:s8] =	ssyncadd.s32 $0xFFFFD800  }
0x84: {  	[hbm4b:s16+s2] =	stream.linear.scatter [tilespmem:s7], [sflag:$0x2], $0x2800, $0x38;
	[tilespmem:$0x2B80] =	vst v63  }
0x85: {  	_ =	swait.ge [sflag:s3], $0x2800  }
0x86: {  	[sflag:s3] =	ssyncset.done $0x0  }
0x87: {  	[sflag:s3] =	ssyncadd.s32 $0xFFFFD800  }
0x88: {  	[tilespmem:s7], [sflag:$0x1] =	stream.indirect.gather [hbm4b:s5+s6], $0x80, s17, s6, $0xb8;
	[tilespmem:$0x2B80] =	vst v63  }
0x89: {  	_ =	swait.ge [sflag:s8], $0x2800  }
0x8a: {  	[sflag:s8] =	ssyncset.done $0x0  }
0x8b: {  	[sflag:s8] =	ssyncadd.s32 $0xFFFFD800  }
0x8c: {  	[hbm4b:s18+s2] =	stream.linear.scatter [tilespmem:s7], [sflag:$0x2], $0x2800, $0x38;
	[tilespmem:$0x2B80] =	vst v63  }
0x8d: {  	_ =	swait.ge [sflag:s3], $0x2800  }
0x8e: {  	[sflag:s3] =	ssyncset.done $0x0  }
0x8f: {  	[sflag:s3] =	ssyncadd.s32 $0xFFFFD800  }
0x90: {  	[tilespmem:s7], [sflag:$0x1] =	stream.indirect.gather [hbm4b:s5+s6], $0x80, s19, s6, $0xb8;
	[tilespmem:$0x2B80] =	vst v63  }
0x91: {  	_ =	swait.ge [sflag:s8], $0x2800  }
0x92: {  	[sflag:s8] =	ssyncset.done $0x0  }
0x93: {  	[sflag:s8] =	ssyncadd.s32 $0xFFFFD800  }
0x94: {  	[hbm4b:s20+s2] =	stream.linear.scatter [tilespmem:s7], [sflag:$0x2], $0x2800, $0x38;
	[tilespmem:$0x2B80] =	vst v63  }
0x95: {  	_ =	swait.ge [sflag:s3], $0x2800  }
0x96: {  	[sflag:s3] =	ssyncset.done $0x0  }
0x97: {  	[sflag:s3] =	ssyncadd.s32 $0xFFFFD800  }
0x98: {  	[tilespmem:s7], [sflag:$0x1] =	stream.indirect.gather [hbm4b:s5+s6], $0x80, s21, s6, $0xb8;
	[tilespmem:$0x2B80] =	vst v63  }
0x99: {  	_ =	swait.ge [sflag:s8], $0x2800  }
0x9a: {  	[sflag:s8] =	ssyncset.done $0x0  }
0x9b: {  	[sflag:s8] =	ssyncadd.s32 $0xFFFFD800  }
0x9c: {  	[hbm4b:s22+s2] =	stream.linear.scatter [tilespmem:s7], [sflag:$0x2], $0x2800, $0x38;
	[tilespmem:$0x2B80] =	vst v63  }
0x9d: {  	_ =	swait.ge [sflag:s3], $0x2800  }
0x9e: {  	[sflag:s3] =	ssyncset.done $0x0  }
0x9f: {  	[sflag:s3] =	ssyncadd.s32 $0xFFFFD800  }
0xa0: {  	[tilespmem:s7], [sflag:$0x1] =	stream.indirect.gather [hbm4b:s5+s6], $0x80, s23, s6, $0xb8;
	[tilespmem:$0x2B80] =	vst v63  }
0xa1: {  	_ =	swait.ge [sflag:s8], $0x2800  }
0xa2: {  	[sflag:s8] =	ssyncset.done $0x0  }
0xa3: {  	[sflag:s8] =	ssyncadd.s32 $0xFFFFD800  }
0xa4: {  	[hbm4b:s24+s2] =	stream.linear.scatter [tilespmem:s7], [sflag:$0x2], $0x2800, $0x38;
	[tilespmem:$0x2B80] =	vst v63  }
0xa5: {  	_ =	swait.ge [sflag:s3], $0x2800  }
0xa6: {  	[sflag:s3] =	ssyncset.done $0x0  }
0xa7: {  	[sflag:s3] =	ssyncadd.s32 $0xFFFFD800  }
0xa8: {  	[tilespmem:s7], [sflag:$0x1] =	stream.indirect.gather [hbm4b:s5+s6], $0x80, s25, s6, $0xb8;
	[tilespmem:$0x2B80] =	vst v63  }
0xa9: {  	_ =	swait.ge [sflag:s8], $0x2800  }
.Ltmp1:
0xaa: {  	[sflag:s8] =	ssyncset.done $0x0;
	(pc) =	sbr.rel @p0 .LBB2_1-.Ltmp1, $4  }
0xab: {  	[sflag:s8] =	ssyncadd.s32 $0xFFFFD800  }
0xac: {  	[hbm4b:s26+s2] =	stream.linear.scatter [tilespmem:s7], [sflag:$0x2], $0x2800, $0x38;
	[tilespmem:$0x2B80] =	vst v63  }
0xad: {  	_ =	swait.ge [sflag:s3], $0x2800  }
0xae: {  	[sflag:s3] =	ssyncset.done $0x0  }
.LBB2_2:
0xaf: {  	[sflag:s3] =	ssyncadd.s32 $0xFFFFD800  }
0xb0: {  	_ =	sfence.sel $0x180000  }
0xb1: {  	[bflag:$0x0] =	sbarrier.arrive $0xFFFF  }
0xb2: {  	p0 =	sne.s32 s0, $0x0;
	_ =	strace $0x90000050  }
0xb3: {  	s0 =	sadd.s32 @!p0 $0x100000, s1;
	[bflag:$0x2] =	sbarrier.arrive $0xFFFF  }
0xb4: {  	[sflag:s0] =	ssyncadd.tile.s32 @!p0 $0x1;
	_ =	shalt  }
.Lfunc_end2:
_tile_overlayer_lowered:
.L_overlay_start_2:
0xb5: {  	(tag) =	ssettag $0x2  }
0xb6: {  	s0 =	rddreg [dreg:$0x0];
	s2 =	stileid.u32  }
0xb7: {  	s1 =	rddreg [dreg:$0x1];
	p0 =	sne.s32 s2, $0x0  }
0xb8: {  	s3 =	rddreg [dreg:$0x2];
	[bflag:$0x3] =	sbarrier.arrive $0xFFFF;
	s2 =	simm.s32 @!p0 $0x1C02  }
0xb9: {  	[timem:s3], [sflag:s2] =	dma.local @!p0 [hbm:s0], s1  }
0xba: {  	s0 =	simm.s32 @!p0 $0x2  }
0xbb: {  	_ =	swait.ge @!p0 [sflag:s0], s1  }
0xbc: {  	s1 =	ssub.s32 @!p0 $0x0, s1;
	[sflag:s0] =	ssyncset.done @!p0 $0x0  }
0xbd: {  	[sflag:s0] =	ssyncadd.s32 @!p0 s1  }
0xbe: {  	[bflag:$0x3] =	sbarrier.arrive $0xFFFF  }
0xbf: {  	_ =	shalt  }

// kernel: kernel.31.cloned.1.call-start
scs
__scs_entry_jumppad:
0x0: {  	(pc) =	sbr.rel $0x88, $3  }
0x1: {  	(tag) =	ssettag $0x0;
	lr =	simm.s32 $0x1  }
0x2: {  	[smem:$0x3F9D] =	sst lr;
	_ =	strace $0xD0000000  }
0x3: {  	_ = 	snop  }
0x4: {  	_ = 	snop  }
0x5: {  	_ = 	snop  }
0x6: {  	_ = 	snop  }
0x7: {  	_ = 	snop  }
__scs_overlays_trampoline_lowered:
0x8: {  	[smem:$0x3FAC] =	sst s0  }
0x9: {  	[smem:$0x3FAD] =	sst s1  }
0xa: {  	[smem:$0x3FAE] =	sst s2  }
0xb: {  	[smem:$0x3FAF] =	sst s3  }
0xc: {  	[smem:$0x3FB0] =	sst s4  }
0xd: {  	[smem:$0x3FB1] =	sst s5  }
0xe: {  	[smem:$0x3FB2] =	sst s6  }
0xf: {  	[smem:$0x3FB3] =	sst s7  }
0x10: {  	[smem:$0x3FB4] =	sst s8  }
0x11: {  	[smem:$0x3FB5] =	sst s9;
	s0 =	simm.s32 @!p0 $0x0  }
0x12: {  	s1 =	sld [smem:$0x3F9B];
	s0 =	simm.s32 @p0 $0x1  }
0x13: {  	[smem:$0x3FB6] =	sst s0;
	s0 =	simm.s32 @!p1 $0x0  }
0x14: {  	s2 =	sld [smem:$0x3F9A];
	s0 =	simm.s32 @p1 $0x1  }
0x15: {  	[smem:$0x3FB7] =	sst s0;
	s0 =	simm.s32 @!p2 $0x0  }
0x16: {  	s3 =	sld [smem:$0x3FDB];
	s0 =	simm.s32 @p2 $0x1  }
0x17: {  	s4 =	simm.s32 $0x1BF5;
	[smem:$0x3FB9] =	sst s0  }
0x18: {  	s0 =	sld [smem:$0x3F9C];
	_ =	swait.ge [sflag:s4], $0x0  }
0x19: {  	s7 =	sld [smem:$0x3F9D]  }
0x1a: {  	s8 =	sadd.s32 $0xFFFFE003, lr  }
0x1b: {  	s9 =	sadd.s32 $0xFFFFFEF7, lr;
	s5 =	simm.s32 $0xFFFFFFFF;
	p2 =	slt.u32 s8, $0xFFFFF086  }
0x1c: {  	p1 =	slt.u32 s9, $0xF7A;
	s5 =	simm.s32 @!p2 $0x0  }
0x1d: {  	s5 =	simm.s32 @p1 $0x1;
	p0 =	seq.s32 s7, s2  }
0x1e: {  	s7 =	smul.u32 @!p0 $0xF7A, s2;
	p2 =	seq.s32 @!p0 s5, $0x0  }
0x1f: {  	s9 =	smul.u32 $0xF7A, s1;
	s8 =	simm.s32 @!p0 $0x1BF5;
	p2 =	por !p2, p0  }
0x20: {  	[sflag:s8] =	ssyncset.s32 @!p0 $0xFFFFF086;
	s6 =	sadd.s32 @!p0 s3, s7;
	s7 =	simm.s32 @!p0 $0x108  }
0x21: {  	s3 =	sadd.s32 s3, s9;
	s6 =	sadd.s32 @!p0 $0x88, s6;
	s7 =	simm.s32 @p2 $0x1082  }
0x22: {  	[simem:s7], [sflag:s8] =	dma.local @!p0 [hbm:s6], $0xF7A  }
0x23: {  	s9 =	sor.u32 $0xD0000000, s2;
	s6 =	simm.s32 $0x108;
	_ =	swait.ge @!p0 [sflag:s8], $0x0  }
0x24: {  	s3 =	sadd.s32 $0x88, s3;
	s6 =	simm.s32 @!p1 $0x1082;
	[sflag:s4] =	ssyncset.s32 $0xFFFFF086  }
0x25: {  	[simem:s6], [sflag:s4] =	dma.local [hbm:s3], $0xF7A  }
0x26: {  	[smem:$0x3F9D] =	sst s1;
	(tag) =	ssettag s2;
	_ =	strace s9  }
0x27: {  	s1 =	sld [smem:$0x3FAD]  }
0x28: {  	s2 =	sld [smem:$0x3FAE]  }
0x29: {  	s4 =	sld [smem:$0x3FB0]  }
0x2a: {  	p0 =	seq.s32 s5, $0x0;
	s5 =	sld [smem:$0x3FB1]  }
0x2b: {  	s6 =	sld [smem:$0x3FB2]  }
0x2c: {  	s7 =	sld [smem:$0x3FB3]  }
0x2d: {  	s3 =	simm.s32 $0x108;
	s8 =	sld [smem:$0x3FB4]  }
0x2e: {  	s3 =	simm.s32 @!p0 $0x1082;
	s9 =	sld [smem:$0x3FB5]  }
0x2f: {  	lr =	sadd.s32 s0, s3;
	s0 =	sld [smem:$0x3FAC]  }
0x30: {  	s3 =	sld [smem:$0x3FAF]  }
0x31: {  	[smem:$0x3FB8] =	sst s10  }
0x32: {  	s10 =	sld [smem:$0x3FB6];
	_ =	sdelay $0x3  }
0x33: {  	p0 =	seq.s32 s10, $0x1;
	s10 =	sld [smem:$0x3FB8];
	_ =	sdelay $0x3  }
0x34: {  	[smem:$0x3FB8] =	sst s10  }
0x35: {  	s10 =	sld [smem:$0x3FB7];
	_ =	sdelay $0x3  }
0x36: {  	p1 =	seq.s32 s10, $0x1;
	s10 =	sld [smem:$0x3FB8];
	_ =	sdelay $0x3  }
0x37: {  	[smem:$0x3FB8] =	sst s10  }
0x38: {  	s10 =	sld [smem:$0x3FB9]  }
0x39: {  	_ = 	snop;
	(pc) =	sbr.ind lr, $3  }
0x3a: {  	_ = 	snop  }
0x3b: {  	_ = 	snop  }
0x3c: {  	p2 =	seq.s32 s10, $0x1;
	s10 =	sld [smem:$0x3FB8]  }
0x3d: {  	_ =	shalt  }
0x3e: {  	_ =	shalt  }
0x3f: {  	_ =	shalt  }
0x40: {  	_ =	shalt  }
0x41: {  	_ =	shalt  }
0x42: {  	_ =	shalt  }
0x43: {  	_ =	shalt  }
0x44: {  	_ =	shalt  }
0x45: {  	_ =	shalt  }
0x46: {  	_ =	shalt  }
0x47: {  	_ =	shalt  }
0x48: {  	_ =	shalt  }
0x49: {  	_ =	shalt  }
0x4a: {  	_ =	shalt  }
0x4b: {  	_ =	shalt  }
0x4c: {  	_ =	shalt  }
0x4d: {  	_ =	shalt  }
0x4e: {  	_ =	shalt  }
0x4f: {  	_ =	shalt  }
0x50: {  	_ =	shalt  }
0x51: {  	_ =	shalt  }
0x52: {  	_ =	shalt  }
0x53: {  	_ =	shalt  }
0x54: {  	_ =	shalt  }
0x55: {  	_ =	shalt  }
0x56: {  	_ =	shalt  }
0x57: {  	_ =	shalt  }
0x58: {  	_ =	shalt  }
0x59: {  	_ =	shalt  }
0x5a: {  	_ =	shalt  }
0x5b: {  	_ =	shalt  }
0x5c: {  	_ =	shalt  }
0x5d: {  	_ =	shalt  }
0x5e: {  	_ =	shalt  }
0x5f: {  	_ =	shalt  }
0x60: {  	_ =	shalt  }
0x61: {  	_ =	shalt  }
0x62: {  	_ =	shalt  }
0x63: {  	_ =	shalt  }
0x64: {  	_ =	shalt  }
0x65: {  	_ =	shalt  }
0x66: {  	_ =	shalt  }
0x67: {  	_ =	shalt  }
0x68: {  	_ =	shalt  }
0x69: {  	_ =	shalt  }
0x6a: {  	_ =	shalt  }
0x6b: {  	_ =	shalt  }
0x6c: {  	_ =	shalt  }
0x6d: {  	_ =	shalt  }
0x6e: {  	_ =	shalt  }
0x6f: {  	_ =	shalt  }
0x70: {  	_ =	shalt  }
0x71: {  	_ =	shalt  }
0x72: {  	_ =	shalt  }
0x73: {  	_ =	shalt  }
0x74: {  	_ =	shalt  }
0x75: {  	_ =	shalt  }
0x76: {  	_ =	shalt  }
0x77: {  	_ =	shalt  }
0x78: {  	_ =	shalt  }
0x79: {  	_ =	shalt  }
0x7a: {  	_ =	shalt  }
0x7b: {  	_ =	shalt  }
0x7c: {  	_ =	shalt  }
0x7d: {  	_ =	shalt  }
0x7e: {  	_ =	shalt  }
0x7f: {  	_ =	shalt  }
0x80: {  	_ =	shalt  }
0x81: {  	_ =	shalt  }
0x82: {  	_ =	shalt  }
0x83: {  	_ =	shalt  }
0x84: {  	_ =	shalt  }
0x85: {  	_ =	shalt  }
0x86: {  	_ =	shalt  }
0x87: {  	_ =	shalt  }
.Lfunc_end0:
.L_simem_size_0:
called_computation.4_lowered:
.L_overlay_start_0:
0x88: {  	s2 =	sld [smem:$0x3FD9]  }
0x89: {  	s3 =	sld [smem:$0x3FFE];
	_ =	sdelay $0x1  }
0x8a: {  	s1 =	srdreg.scid  }
0x8b: {  	s0 =	sand.u32 $0x1, s1  }
0x8c: {  	s17 =	sshll.u32 s0, $0xA;
	s2 =	sadd.s32 s3, s2  }
0x8d: {  	s2 =	sadd.s32 s2, s17  }
0x8e: {  	[smem:$0x3FC4] =	sst s2  }
0x8f: {  	_ = 	snop  }
0x90: {  	(tm) =	ssettm $0x1  }
0x91: {  	s18 =	sld [smem:$0x3FFB];
	_ =	sdelay $0x3  }
0x92: {  	_ =	strace s18  }
0x93: {  	s2 =	sld [smem:$0x3FFC];
	_ =	sdelay $0x3  }
0x94: {  	_ =	strace s2  }
0x95: {  	s2 =	sld [smem:$0x3FFD];
	_ =	sdelay $0x3  }
0x96: {  	_ =	strace s2  }
0x97: {  	_ =	strace $0x8FFFFFFF  }
0x98: {  	s19 =	sld [smem:$0x3FDB];
	_ =	sdelay $0x1  }
0x99: {  	s20 =	simm.s32 $_scs_section_size  }
0x9a: {  	s4 =	simm.s32 $_size__tile_overlayer_lowered;
	s5 =	simm.s32 $_tile_overlayer_lowered  }
0x9b: {  	s6 =	simm.s32 $0x1BFF;
	s21 =	sshll.u32 s5, $0x1;
	s3 =	sadd.s32 s20, s19  }
0x9c: {  	s22 =	simm.s32 $0x0;
	s4 =	sshll.u32 s4, $0x1;
	s5 =	sadd.s32 s21, s3  }
0x9d: {  	[timem:s22], [sflag:s6] =	dma.local [hbm:s5], s4  }
0x9e: {  	_ =	swait.ge [sflag:s6], s4  }
0x9f: {  	s4 =	ssub.s32 $0x0, s4;
	[sflag:s6] =	ssyncset.done $0x0  }
0xa0: {  	[sflag:s6] =	ssyncadd.s32 s4;
	_ =	sdelay $0x1  }
0xa1: {  	s23 =	simm.s32 $0x1B8B  }
0xa2: {  	_ =	swait.ge [sflag:s23], $0x1  }
0xa3: {  	[sflag:s23] =	ssyncset.done $0x0  }
0xa4: {  	[sflag:s23] =	ssyncadd.s32 $0xFFFFFFFF  }
0xa5: {  	s4 =	sld [smem:$0x0]  }
0xa6: {  	s5 =	sand.u32 $0xFFFFFFFE, s1  }
0xa7: {  	p0 =	sne.s32 s1, s5  }
0xa8: {  	s5 =	sshll.u32 @p0 s5, $0xE  }
0xa9: {  	s5 =	sadd.s32 @p0 $0x11B8D, s5;
	s6 =	sshll.u32 @p0 s4, $0x11  }
0xaa: {  	s5 =	sor.u32 @p0 s6, s5  }
0xab: {  	[sflag:s5] =	ssyncadd.remote.s32 @p0 $0x1;
	_ =	sdelay $0x1  }
0xac: {  	s5 =	simm.s32 @p0 $0x1B8D  }
0xad: {  	_ =	swait.eq @p0 [sflag:s5], $0x1  }
0xae: {  	[sflag:s5] =	ssyncadd.s32 @p0 $0xFFFFFFFF  }
0xaf: {  	s6 =	sshll.u32 @!p0 s1, $0xE  }
0xb0: {  	s6 =	sor.u32 @!p0 $0x4000, s6;
	s5 =	simm.s32 @!p0 $0x1B8D  }
0xb1: {  	s4 =	sshll.u32 @!p0 s4, $0x11;
	s6 =	sadd.s32 @!p0 $0x11B8D, s6;
	_ =	swait.eq @!p0 [sflag:s5], $0x1  }
0xb2: {  	s4 =	sor.u32 @!p0 s4, s6;
	[sflag:s5] =	ssyncadd.s32 @!p0 $0xFFFFFFFF  }
0xb3: {  	s25 =	simm.s32 $0x1B8E;
	s24 =	sld [smem:$0x3FFE];
	[sflag:s4] =	ssyncadd.remote.s32 @!p0 $0x1  }
0xb4: {  	s26 =	simm.s32 $execute0_lowered;
	[smem:$0x3FD2] =	sst s25  }
0xb5: {  	s5 =	sshll.u32 s26, $0x1;
	_ =	strace $0x80000052;
	[dreg:$0x1] =	wrdreg $0xFFFFFFFF  }
0xb6: {  	s28 =	simm.s32 $_size_execute0_lowered;
	s3 =	sadd.s32 s3, s5;
	[dreg:$0x0] =	wrdreg $0x0  }
0xb7: {  	s5 =	sshll.u32 s28, $0x1;
	[dreg:$0x2] =	wrdreg s3  }
0xb8: {  	[dreg:$0x3] =	wrdreg s5  }
0xb9: {  	[dreg:$0x4] =	wrdreg $0xC0  }
0xba: {  	_ =	task [dreg:s22], $0x5FFFF  }
0xbb: {  	[dreg:$0x1] =	wrdreg $0xFFFFFFFF  }
0xbc: {  	[dreg:$0x0] =	wrdreg $0x60  }
0xbd: {  	[dreg:$0x2] =	wrdreg s24  }
0xbe: {  	[dreg:$0x3] =	wrdreg $0xD  }
0xbf: {  	_ =	task.clear_ibuf [dreg:s22], $0x4FFFF;
	_ =	strace $0x90000052  }
0xc0: {  	s29 =	simm.s32 $0xD;
	_ =	strace $0x80000054  }
0xc1: {  	_ =	swait.ge [sflag:s29], $0x1  }
0xc2: {  	[sflag:s29] =	ssyncadd.s32 $0xFFFFFFFF  }
0xc3: {  	_ =	strace $0x90000054  }
0xc4: {  	_ =	sfence  }
0xc5: {  	s30 =	sld [smem:$0x0];
	_ =	sdelay $0x2  }
0xc6: {  	s31 =	sshll.u32 s1, $0xD;
	s1 =	sshrl.u32 s1, $0x2  }
0xc7: {  	s4 =	sand.u32 $0x4000, s31;
	s1 =	sadd.s32 s1, s30  }
0xc8: {  	s0 =	sor.u32 s4, s0;
	s1 =	sshll.u32 s1, $0x11  }
0xc9: {  	s0 =	sor.u32 s1, s0  }
0xca: {  	s0 =	sadd.s32 $0x8F2B, s0  }
0xcb: {  	[sflag:s0] =	ssyncadd.remote.s32 $0x1  }
0xcc: {  	_ =	sfence.sel $0xFFFF  }
0xcd: {  	[dreg:$0x0] =	wrdreg $0xFFFFFFFF;
	(pc) =	sbr.abs _section_cstart, $3  }
0xce: {  	[dreg:$0x1] =	wrdreg $0xFFFFFFFF  }
0xcf: {  	_ =	task.clear_ibuf [dreg:s22], $0x2FFFF;
	_ =	strace $0x9FFFFFFF  }
0xd0: {  	(tm) =	ssettm $0x7FFFFFFF  }
0xd1: {  	_ =	shalt  }
tec
execute0_lowered:
.L_overlay_start_1:
0x0: {  	(tag) =	ssettag $0x1  }
0x1: {  	s1 =	srdreg.scid;
	s0 =	stileid.u32  }
0x2: {  	s25 =	sand.u32 $0x1, s1;
	s31 =	sshll.u32 s0, $0x1  }
0x3: {  	s6 =	sor.u32 s25, s31  }
0x4: {  	s9 =	rddreg [dreg:$0x0];
	s3 =	smul.u32 $0x64, s6  }
0x5: {  	s2 =	simm.s32 $0x0;
	s1 =	rddreg [dreg:$0x1]  }
0x6: {  	[smem:$0x7FF] =	sst s2;
	s3 =	sadd.s32 s3, s9  }
0x7: {  	_ =	strace $0x80000053;
	s4 =	sadd.s32 $0xF49400, s3;
	s3 =	simm.s32 $0x2  }
0x8: {  	[tilespmem:s2], [sflag:$0x2] =	stream.linear.gather [hbm4b:s4+s2], $0x320, $0x38;
	[tilespmem:$0x2B80] =	vst v63  }
0x9: {  	s7 =	simm.s32 $0x380;
	_ =	swait.ge [sflag:s3], $0x320  }
0xa: {  	s8 =	simm.s32 $0x1;
	s5 =	sadd.s32 $0x4600, s9;
	[sflag:s3] =	ssyncset.done $0x0  }
0xb: {  	s10 =	smul.u32 $0x3200, s6;
	s6 =	simm.s32 $0x50;
	[sflag:s3] =	ssyncadd.s32 $0xFFFFFCE0  }
0xc: {  	[tilespmem:s7], [sflag:$0x1] =	stream.indirect.gather [hbm4b:s5+s6], $0x80, s2, s6, $0xb8;
	[tilespmem:$0x2B80] =	vst v63  }
0xd: {  	_ =	swait.ge [sflag:s8], $0x2800  }
0xe: {  	s26 =	sadd.s32 s10, s9;
	[sflag:s8] =	ssyncset.done $0x0  }
0xf: {  	s9 =	sadd.s32 $0x1078C00, s26;
	[sflag:s8] =	ssyncadd.s32 $0xFFFFD800  }
0x10: {  	[hbm4b:s9+s2] =	stream.linear.scatter [tilespmem:s7], [sflag:$0x2], $0x2800, $0x38;
	[tilespmem:$0x2B80] =	vst v63  }
0x11: {  	_ =	swait.ge [sflag:s3], $0x2800  }
0x12: {  	[sflag:s3] =	ssyncset.done $0x0  }
0x13: {  	[sflag:s3] =	ssyncadd.s32 $0xFFFFD800  }
0x14: {  	[tilespmem:s7], [sflag:$0x1] =	stream.indirect.gather [hbm4b:s5+s6], $0x80, s6, s6, $0xb8;
	[tilespmem:$0x2B80] =	vst v63  }
0x15: {  	_ =	swait.ge [sflag:s8], $0x2800  }
0x16: {  	[sflag:s8] =	ssyncset.done $0x0  }
0x17: {  	s10 =	sadd.s32 $0x1079100, s26;
	[sflag:s8] =	ssyncadd.s32 $0xFFFFD800  }
0x18: {  	[hbm4b:s10+s2] =	stream.linear.scatter [tilespmem:s7], [sflag:$0x2], $0x2800, $0x38;
	[tilespmem:$0x2B80] =	vst v63  }
0x19: {  	_ =	swait.ge [sflag:s3], $0x2800  }
0x1a: {  	[sflag:s3] =	ssyncset.done $0x0  }
0x1b: {  	s11 =	simm.s32 $0xA0;
	[sflag:s3] =	ssyncadd.s32 $0xFFFFD800  }
0x1c: {  	[tilespmem:s7], [sflag:$0x1] =	stream.indirect.gather [hbm4b:s5+s6], $0x80, s11, s6, $0xb8;
	[tilespmem:$0x2B80] =	vst v63  }
0x1d: {  	_ =	swait.ge [sflag:s8], $0x2800  }
0x1e: {  	[sflag:s8] =	ssyncset.done $0x0  }
0x1f: {  	s12 =	sadd.s32 $0x1079600, s26;
	[sflag:s8] =	ssyncadd.s32 $0xFFFFD800  }
0x20: {  	[hbm4b:s12+s2] =	stream.linear.scatter [tilespmem:s7], [sflag:$0x2], $0x2800, $0x38;
	[tilespmem:$0x2B80] =	vst v63  }
0x21: {  	_ =	swait.ge [sflag:s3], $0x2800  }
0x22: {  	[sflag:s3] =	ssyncset.done $0x0  }
0x23: {  	s13 =	simm.s32 $0xF0;
	[sflag:s3] =	ssyncadd.s32 $0xFFFFD800  }
0x24: {  	[tilespmem:s7], [sflag:$0x1] =	stream.indirect.gather [hbm4b:s5+s6], $0x80, s13, s6, $0xb8;
	[tilespmem:$0x2B80] =	vst v63  }
0x25: {  	_ =	swait.ge [sflag:s8], $0x2800  }
0x26: {  	[sflag:s8] =	ssyncset.done $0x0  }
0x27: {  	s14 =	sadd.s32 $0x1079B00, s26;
	[sflag:s8] =	ssyncadd.s32 $0xFFFFD800  }
0x28: {  	[hbm4b:s14+s2] =	stream.linear.scatter [tilespmem:s7], [sflag:$0x2], $0x2800, $0x38;
	[tilespmem:$0x2B80] =	vst v63  }
0x29: {  	_ =	swait.ge [sflag:s3], $0x2800  }
0x2a: {  	[sflag:s3] =	ssyncset.done $0x0  }
0x2b: {  	s15 =	simm.s32 $0x140;
	[sflag:s3] =	ssyncadd.s32 $0xFFFFD800  }
0x2c: {  	[tilespmem:s7], [sflag:$0x1] =	stream.indirect.gather [hbm4b:s5+s6], $0x80, s15, s6, $0xb8;
	[tilespmem:$0x2B80] =	vst v63  }
0x2d: {  	_ =	swait.ge [sflag:s8], $0x2800  }
0x2e: {  	[sflag:s8] =	ssyncset.done $0x0  }
0x2f: {  	s16 =	sadd.s32 $0x107A000, s26;
	[sflag:s8] =	ssyncadd.s32 $0xFFFFD800  }
0x30: {  	[hbm4b:s16+s2] =	stream.linear.scatter [tilespmem:s7], [sflag:$0x2], $0x2800, $0x38;
	[tilespmem:$0x2B80] =	vst v63  }
0x31: {  	_ =	swait.ge [sflag:s3], $0x2800  }
0x32: {  	[sflag:s3] =	ssyncset.done $0x0  }
0x33: {  	s17 =	simm.s32 $0x190;
	[sflag:s3] =	ssyncadd.s32 $0xFFFFD800  }
0x34: {  	[tilespmem:s7], [sflag:$0x1] =	stream.indirect.gather [hbm4b:s5+s6], $0x80, s17, s6, $0xb8;
	[tilespmem:$0x2B80] =	vst v63  }
0x35: {  	_ =	swait.ge [sflag:s8], $0x2800  }
0x36: {  	[sflag:s8] =	ssyncset.done $0x0  }
0x37: {  	s18 =	sadd.s32 $0x107A500, s26;
	[sflag:s8] =	ssyncadd.s32 $0xFFFFD800  }
0x38: {  	[hbm4b:s18+s2] =	stream.linear.scatter [tilespmem:s7], [sflag:$0x2], $0x2800, $0x38;
	[tilespmem:$0x2B80] =	vst v63  }
0x39: {  	_ =	swait.ge [sflag:s3], $0x2800  }
0x3a: {  	[sflag:s3] =	ssyncset.done $0x0  }
0x3b: {  	s19 =	simm.s32 $0x1E0;
	[sflag:s3] =	ssyncadd.s32 $0xFFFFD800  }
0x3c: {  	[tilespmem:s7], [sflag:$0x1] =	stream.indirect.gather [hbm4b:s5+s6], $0x80, s19, s6, $0xb8;
	[tilespmem:$0x2B80] =	vst v63  }
0x3d: {  	_ =	swait.ge [sflag:s8], $0x2800  }
0x3e: {  	[sflag:s8] =	ssyncset.done $0x0  }
0x3f: {  	s20 =	sadd.s32 $0x107AA00, s26;
	[sflag:s8] =	ssyncadd.s32 $0xFFFFD800  }
0x40: {  	[hbm4b:s20+s2] =	stream.linear.scatter [tilespmem:s7], [sflag:$0x2], $0x2800, $0x38;
	[tilespmem:$0x2B80] =	vst v63  }
0x41: {  	_ =	swait.ge [sflag:s3], $0x2800  }
0x42: {  	[sflag:s3] =	ssyncset.done $0x0  }
0x43: {  	s21 =	simm.s32 $0x230;
	[sflag:s3] =	ssyncadd.s32 $0xFFFFD800  }
0x44: {  	[tilespmem:s7], [sflag:$0x1] =	stream.indirect.gather [hbm4b:s5+s6], $0x80, s21, s6, $0xb8;
	[tilespmem:$0x2B80] =	vst v63  }
0x45: {  	_ =	swait.ge [sflag:s8], $0x2800  }
0x46: {  	[sflag:s8] =	ssyncset.done $0x0  }
0x47: {  	s22 =	sadd.s32 $0x107AF00, s26;
	[sflag:s8] =	ssyncadd.s32 $0xFFFFD800  }
0x48: {  	[hbm4b:s22+s2] =	stream.linear.scatter [tilespmem:s7], [sflag:$0x2], $0x2800, $0x38;
	[tilespmem:$0x2B80] =	vst v63  }
0x49: {  	_ =	swait.ge [sflag:s3], $0x2800  }
0x4a: {  	[sflag:s3] =	ssyncset.done $0x0  }
0x4b: {  	s23 =	simm.s32 $0x280;
	[sflag:s3] =	ssyncadd.s32 $0xFFFFD800  }
0x4c: {  	[tilespmem:s7], [sflag:$0x1] =	stream.indirect.gather [hbm4b:s5+s6], $0x80, s23, s6, $0xb8;
	[tilespmem:$0x2B80] =	vst v63  }
0x4d: {  	_ =	swait.ge [sflag:s8], $0x2800  }
0x4e: {  	[sflag:s8] =	ssyncset.done $0x0  }
0x4f: {  	s28 =	ssub.s32 $0x2, s25;
	s24 =	sadd.s32 $0x107B400, s26;
	[sflag:s8] =	ssyncadd.s32 $0xFFFFD800  }
0x50: {  	[hbm4b:s24+s2] =	stream.linear.scatter [tilespmem:s7], [sflag:$0x2], $0x2800, $0x38;
	[tilespmem:$0x2B80] =	vst v63  }
0x51: {  	s29 =	sshrl.u32 s28, $0x1;
	_ =	swait.ge [sflag:s3], $0x2800  }
0x52: {  	s28 =	ssub.s32 s28, s29;
	[sflag:s3] =	ssyncset.done $0x0  }
0x53: {  	s25 =	simm.s32 $0x2D0;
	s28 =	smax.u32 s28, $0x1;
	[sflag:s3] =	ssyncadd.s32 $0xFFFFD800  }
0x54: {  	[tilespmem:s7], [sflag:$0x1] =	stream.indirect.gather [hbm4b:s5+s6], $0x80, s25, s6, $0xb8;
	[tilespmem:$0x2B80] =	vst v63  }
0x55: {  	p0 =	sne.s32 s28, $0x1;
	_ =	swait.ge [sflag:s8], $0x2800  }
.Ltmp0:
0x56: {  	[sflag:s8] =	ssyncset.done $0x0;
	(pc) =	sbr.rel @!p0 .LBB2_2-.Ltmp0, $4  }
0x57: {  	s26 =	sadd.s32 $0x107B900, s26;
	[sflag:s8] =	ssyncadd.s32 $0xFFFFD800  }
0x58: {  	[hbm4b:s26+s2] =	stream.linear.scatter [tilespmem:s7], [sflag:$0x2], $0x2800, $0x38;
	[tilespmem:$0x2B80] =	vst v63  }
0x59: {  	_ =	swait.ge [sflag:s3], $0x2800  }
0x5a: {  	s28 =	sadd.s32 $0xFFFFFFFF, s28;
	[sflag:s3] =	ssyncset.done $0x0  }
.LBB2_1:
0x5b: {  	p0 =	sne.s32 s28, $0x1;
	s28 =	sadd.s32 $0xFFFFFFFF, s28;
	[sflag:s3] =	ssyncadd.s32 $0xFFFFD800  }
0x5c: {  	[tilespmem:s2], [sflag:$0x2] =	stream.linear.gather [hbm4b:s4+s2], $0x320, $0x38;
	[tilespmem:$0x2B80] =	vst v63  }
0x5d: {  	_ =	swait.ge [sflag:s3], $0x320  }
0x5e: {  	[sflag:s3] =	ssyncset.done $0x0  }
0x5f: {  	[sflag:s3] =	ssyncadd.s32 $0xFFFFFCE0  }
0x60: {  	[tilespmem:s7], [sflag:$0x1] =	stream.indirect.gather [hbm4b:s5+s6], $0x80, s2, s6, $0xb8;
	[tilespmem:$0x2B80] =	vst v63  }
0x61: {  	_ =	swait.ge [sflag:s8], $0x2800  }
0x62: {  	[sflag:s8] =	ssyncset.done $0x0  }
0x63: {  	[sflag:s8] =	ssyncadd.s32 $0xFFFFD800  }
0x64: {  	[hbm4b:s9+s2] =	stream.linear.scatter [tilespmem:s7], [sflag:$0x2], $0x2800, $0x38;
	[tilespmem:$0x2B80] =	vst v63  }
0x65: {  	_ =	swait.ge [sflag:s3], $0x2800  }
0x66: {  	[sflag:s3] =	ssyncset.done $0x0  }
0x67: {  	[sflag:s3] =	ssyncadd.s32 $0xFFFFD800  }
0x68: {  	[tilespmem:s7], [sflag:$0x1] =	stream.indirect.gather [hbm4b:s5+s6], $0x80, s6, s6, $0xb8;
	[tilespmem:$0x2B80] =	vst v63  }
0x69: {  	_ =	swait.ge [sflag:s8], $0x2800  }
0x6a: {  	[sflag:s8] =	ssyncset.done $0x0  }
0x6b: {  	[sflag:s8] =	ssyncadd.s32 $0xFFFFD800  }
0x6c: {  	[hbm4b:s10+s2] =	stream.linear.scatter [tilespmem:s7], [sflag:$0x2], $0x2800, $0x38;
	[tilespmem:$0x2B80] =	vst v63  }
0x6d: {  	_ =	swait.ge [sflag:s3], $0x2800  }
0x6e: {  	[sflag:s3] =	ssyncset.done $0x0  }
0x6f: {  	[sflag:s3] =	ssyncadd.s32 $0xFFFFD800  }
0x70: {  	[tilespmem:s7], [sflag:$0x1] =	stream.indirect.gather [hbm4b:s5+s6], $0x80, s11, s6, $0xb8;
	[tilespmem:$0x2B80] =	vst v63  }
0x71: {  	_ =	swait.ge [sflag:s8], $0x2800  }
0x72: {  	[sflag:s8] =	ssyncset.done $0x0  }
0x73: {  	[sflag:s8] =	ssyncadd.s32 $0xFFFFD800  }
0x74: {  	[hbm4b:s12+s2] =	stream.linear.scatter [tilespmem:s7], [sflag:$0x2], $0x2800, $0x38;
	[tilespmem:$0x2B80] =	vst v63  }
0x75: {  	_ =	swait.ge [sflag:s3], $0x2800  }
0x76: {  	[sflag:s3] =	ssyncset.done $0x0  }
0x77: {  	[sflag:s3] =	ssyncadd.s32 $0xFFFFD800  }
0x78: {  	[tilespmem:s7], [sflag:$0x1] =	stream.indirect.gather [hbm4b:s5+s6], $0x80, s13, s6, $0xb8;
	[tilespmem:$0x2B80] =	vst v63  }
0x79: {  	_ =	swait.ge [sflag:s8], $0x2800  }
0x7a: {  	[sflag:s8] =	ssyncset.done $0x0  }
0x7b: {  	[sflag:s8] =	ssyncadd.s32 $0xFFFFD800  }
0x7c: {  	[hbm4b:s14+s2] =	stream.linear.scatter [tilespmem:s7], [sflag:$0x2], $0x2800, $0x38;
	[tilespmem:$0x2B80] =	vst v63  }
0x7d: {  	_ =	swait.ge [sflag:s3], $0x2800  }
0x7e: {  	[sflag:s3] =	ssyncset.done $0x0  }
0x7f: {  	[sflag:s3] =	ssyncadd.s32 $0xFFFFD800  }
0x80: {  	[tilespmem:s7], [sflag:$0x1] =	stream.indirect.gather [hbm4b:s5+s6], $0x80, s15, s6, $0xb8;
	[tilespmem:$0x2B80] =	vst v63  }
0x81: {  	_ =	swait.ge [sflag:s8], $0x2800  }
0x82: {  	[sflag:s8] =	ssyncset.done $0x0  }
0x83: {  	[sflag:s8] =	ssyncadd.s32 $0xFFFFD800  }
0x84: {  	[hbm4b:s16+s2] =	stream.linear.scatter [tilespmem:s7], [sflag:$0x2], $0x2800, $0x38;
	[tilespmem:$0x2B80] =	vst v63  }
0x85: {  	_ =	swait.ge [sflag:s3], $0x2800  }
0x86: {  	[sflag:s3] =	ssyncset.done $0x0  }
0x87: {  	[sflag:s3] =	ssyncadd.s32 $0xFFFFD800  }
0x88: {  	[tilespmem:s7], [sflag:$0x1] =	stream.indirect.gather [hbm4b:s5+s6], $0x80, s17, s6, $0xb8;
	[tilespmem:$0x2B80] =	vst v63  }
0x89: {  	_ =	swait.ge [sflag:s8], $0x2800  }
0x8a: {  	[sflag:s8] =	ssyncset.done $0x0  }
0x8b: {  	[sflag:s8] =	ssyncadd.s32 $0xFFFFD800  }
0x8c: {  	[hbm4b:s18+s2] =	stream.linear.scatter [tilespmem:s7], [sflag:$0x2], $0x2800, $0x38;
	[tilespmem:$0x2B80] =	vst v63  }
0x8d: {  	_ =	swait.ge [sflag:s3], $0x2800  }
0x8e: {  	[sflag:s3] =	ssyncset.done $0x0  }
0x8f: {  	[sflag:s3] =	ssyncadd.s32 $0xFFFFD800  }
0x90: {  	[tilespmem:s7], [sflag:$0x1] =	stream.indirect.gather [hbm4b:s5+s6], $0x80, s19, s6, $0xb8;
	[tilespmem:$0x2B80] =	vst v63  }
0x91: {  	_ =	swait.ge [sflag:s8], $0x2800  }
0x92: {  	[sflag:s8] =	ssyncset.done $0x0  }
0x93: {  	[sflag:s8] =	ssyncadd.s32 $0xFFFFD800  }
0x94: {  	[hbm4b:s20+s2] =	stream.linear.scatter [tilespmem:s7], [sflag:$0x2], $0x2800, $0x38;
	[tilespmem:$0x2B80] =	vst v63  }
0x95: {  	_ =	swait.ge [sflag:s3], $0x2800  }
0x96: {  	[sflag:s3] =	ssyncset.done $0x0  }
0x97: {  	[sflag:s3] =	ssyncadd.s32 $0xFFFFD800  }
0x98: {  	[tilespmem:s7], [sflag:$0x1] =	stream.indirect.gather [hbm4b:s5+s6], $0x80, s21, s6, $0xb8;
	[tilespmem:$0x2B80] =	vst v63  }
0x99: {  	_ =	swait.ge [sflag:s8], $0x2800  }
0x9a: {  	[sflag:s8] =	ssyncset.done $0x0  }
0x9b: {  	[sflag:s8] =	ssyncadd.s32 $0xFFFFD800  }
0x9c: {  	[hbm4b:s22+s2] =	stream.linear.scatter [tilespmem:s7], [sflag:$0x2], $0x2800, $0x38;
	[tilespmem:$0x2B80] =	vst v63  }
0x9d: {  	_ =	swait.ge [sflag:s3], $0x2800  }
0x9e: {  	[sflag:s3] =	ssyncset.done $0x0  }
0x9f: {  	[sflag:s3] =	ssyncadd.s32 $0xFFFFD800  }
0xa0: {  	[tilespmem:s7], [sflag:$0x1] =	stream.indirect.gather [hbm4b:s5+s6], $0x80, s23, s6, $0xb8;
	[tilespmem:$0x2B80] =	vst v63  }
0xa1: {  	_ =	swait.ge [sflag:s8], $0x2800  }
0xa2: {  	[sflag:s8] =	ssyncset.done $0x0  }
0xa3: {  	[sflag:s8] =	ssyncadd.s32 $0xFFFFD800  }
0xa4: {  	[hbm4b:s24+s2] =	stream.linear.scatter [tilespmem:s7], [sflag:$0x2], $0x2800, $0x38;
	[tilespmem:$0x2B80] =	vst v63  }
0xa5: {  	_ =	swait.ge [sflag:s3], $0x2800  }
0xa6: {  	[sflag:s3] =	ssyncset.done $0x0  }
0xa7: {  	[sflag:s3] =	ssyncadd.s32 $0xFFFFD800  }
0xa8: {  	[tilespmem:s7], [sflag:$0x1] =	stream.indirect.gather [hbm4b:s5+s6], $0x80, s25, s6, $0xb8;
	[tilespmem:$0x2B80] =	vst v63  }
0xa9: {  	_ =	swait.ge [sflag:s8], $0x2800  }
.Ltmp1:
0xaa: {  	[sflag:s8] =	ssyncset.done $0x0;
	(pc) =	sbr.rel @p0 .LBB2_1-.Ltmp1, $4  }
0xab: {  	[sflag:s8] =	ssyncadd.s32 $0xFFFFD800  }
0xac: {  	[hbm4b:s26+s2] =	stream.linear.scatter [tilespmem:s7], [sflag:$0x2], $0x2800, $0x38;
	[tilespmem:$0x2B80] =	vst v63  }
0xad: {  	_ =	swait.ge [sflag:s3], $0x2800  }
0xae: {  	[sflag:s3] =	ssyncset.done $0x0  }
.LBB2_2:
0xaf: {  	[sflag:s3] =	ssyncadd.s32 $0xFFFFD800  }
0xb0: {  	_ =	sfence.sel $0x180000  }
0xb1: {  	[bflag:$0x0] =	sbarrier.arrive $0xFFFF  }
0xb2: {  	p0 =	sne.s32 s0, $0x0;
	_ =	strace $0x90000053  }
0xb3: {  	s0 =	sadd.s32 @!p0 $0x100000, s1;
	[bflag:$0x2] =	sbarrier.arrive $0xFFFF  }
0xb4: {  	[sflag:s0] =	ssyncadd.tile.s32 @!p0 $0x1;
	_ =	shalt  }
.Lfunc_end2:
_tile_overlayer_lowered:
.L_overlay_start_2:
0xb5: {  	(tag) =	ssettag $0x2  }
0xb6: {  	s0 =	rddreg [dreg:$0x0];
	s2 =	stileid.u32  }
0xb7: {  	s1 =	rddreg [dreg:$0x1];
	p0 =	sne.s32 s2, $0x0  }
0xb8: {  	s3 =	rddreg [dreg:$0x2];
	[bflag:$0x3] =	sbarrier.arrive $0xFFFF;
	s2 =	simm.s32 @!p0 $0x1C02  }
0xb9: {  	[timem:s3], [sflag:s2] =	dma.local @!p0 [hbm:s0], s1  }
0xba: {  	s0 =	simm.s32 @!p0 $0x2  }
0xbb: {  	_ =	swait.ge @!p0 [sflag:s0], s1  }
0xbc: {  	s1 =	ssub.s32 @!p0 $0x0, s1;
	[sflag:s0] =	ssyncset.done @!p0 $0x0  }
0xbd: {  	[sflag:s0] =	ssyncadd.s32 @!p0 s1  }
0xbe: {  	[bflag:$0x3] =	sbarrier.arrive $0xFFFF  }
0xbf: {  	_ =	shalt  }

// kernel: kernel.34.cloned.1.call-start
scs
__scs_entry_jumppad:
0x0: {  	(pc) =	sbr.rel $0x88, $3  }
0x1: {  	(tag) =	ssettag $0x0;
	lr =	simm.s32 $0x1  }
0x2: {  	[smem:$0x3F9D] =	sst lr;
	_ =	strace $0xD0000000  }
0x3: {  	_ = 	snop  }
0x4: {  	_ = 	snop  }
0x5: {  	_ = 	snop  }
0x6: {  	_ = 	snop  }
0x7: {  	_ = 	snop  }
__scs_overlays_trampoline_lowered:
0x8: {  	[smem:$0x3FAC] =	sst s0  }
0x9: {  	[smem:$0x3FAD] =	sst s1  }
0xa: {  	[smem:$0x3FAE] =	sst s2  }
0xb: {  	[smem:$0x3FAF] =	sst s3  }
0xc: {  	[smem:$0x3FB0] =	sst s4  }
0xd: {  	[smem:$0x3FB1] =	sst s5  }
0xe: {  	[smem:$0x3FB2] =	sst s6  }
0xf: {  	[smem:$0x3FB3] =	sst s7  }
0x10: {  	[smem:$0x3FB4] =	sst s8  }
0x11: {  	[smem:$0x3FB5] =	sst s9;
	s0 =	simm.s32 @!p0 $0x0  }
0x12: {  	s1 =	sld [smem:$0x3F9B];
	s0 =	simm.s32 @p0 $0x1  }
0x13: {  	[smem:$0x3FB6] =	sst s0;
	s0 =	simm.s32 @!p1 $0x0  }
0x14: {  	s2 =	sld [smem:$0x3F9A];
	s0 =	simm.s32 @p1 $0x1  }
0x15: {  	[smem:$0x3FB7] =	sst s0;
	s0 =	simm.s32 @!p2 $0x0  }
0x16: {  	s3 =	sld [smem:$0x3FDB];
	s0 =	simm.s32 @p2 $0x1  }
0x17: {  	s4 =	simm.s32 $0x1BF5;
	[smem:$0x3FB9] =	sst s0  }
0x18: {  	s0 =	sld [smem:$0x3F9C];
	_ =	swait.ge [sflag:s4], $0x0  }
0x19: {  	s7 =	sld [smem:$0x3F9D]  }
0x1a: {  	s8 =	sadd.s32 $0xFFFFE003, lr  }
0x1b: {  	s9 =	sadd.s32 $0xFFFFFEF7, lr;
	s5 =	simm.s32 $0xFFFFFFFF;
	p2 =	slt.u32 s8, $0xFFFFF086  }
0x1c: {  	p1 =	slt.u32 s9, $0xF7A;
	s5 =	simm.s32 @!p2 $0x0  }
0x1d: {  	s5 =	simm.s32 @p1 $0x1;
	p0 =	seq.s32 s7, s2  }
0x1e: {  	s7 =	smul.u32 @!p0 $0xF7A, s2;
	p2 =	seq.s32 @!p0 s5, $0x0  }
0x1f: {  	s9 =	smul.u32 $0xF7A, s1;
	s8 =	simm.s32 @!p0 $0x1BF5;
	p2 =	por !p2, p0  }
0x20: {  	[sflag:s8] =	ssyncset.s32 @!p0 $0xFFFFF086;
	s6 =	sadd.s32 @!p0 s3, s7;
	s7 =	simm.s32 @!p0 $0x108  }
0x21: {  	s3 =	sadd.s32 s3, s9;
	s6 =	sadd.s32 @!p0 $0x88, s6;
	s7 =	simm.s32 @p2 $0x1082  }
0x22: {  	[simem:s7], [sflag:s8] =	dma.local @!p0 [hbm:s6], $0xF7A  }
0x23: {  	s9 =	sor.u32 $0xD0000000, s2;
	s6 =	simm.s32 $0x108;
	_ =	swait.ge @!p0 [sflag:s8], $0x0  }
0x24: {  	s3 =	sadd.s32 $0x88, s3;
	s6 =	simm.s32 @!p1 $0x1082;
	[sflag:s4] =	ssyncset.s32 $0xFFFFF086  }
0x25: {  	[simem:s6], [sflag:s4] =	dma.local [hbm:s3], $0xF7A  }
0x26: {  	[smem:$0x3F9D] =	sst s1;
	(tag) =	ssettag s2;
	_ =	strace s9  }
0x27: {  	s1 =	sld [smem:$0x3FAD]  }
0x28: {  	s2 =	sld [smem:$0x3FAE]  }
0x29: {  	s4 =	sld [smem:$0x3FB0]  }
0x2a: {  	p0 =	seq.s32 s5, $0x0;
	s5 =	sld [smem:$0x3FB1]  }
0x2b: {  	s6 =	sld [smem:$0x3FB2]  }
0x2c: {  	s7 =	sld [smem:$0x3FB3]  }
0x2d: {  	s3 =	simm.s32 $0x108;
	s8 =	sld [smem:$0x3FB4]  }
0x2e: {  	s3 =	simm.s32 @!p0 $0x1082;
	s9 =	sld [smem:$0x3FB5]  }
0x2f: {  	lr =	sadd.s32 s0, s3;
	s0 =	sld [smem:$0x3FAC]  }
0x30: {  	s3 =	sld [smem:$0x3FAF]  }
0x31: {  	[smem:$0x3FB8] =	sst s10  }
0x32: {  	s10 =	sld [smem:$0x3FB6];
	_ =	sdelay $0x3  }
0x33: {  	p0 =	seq.s32 s10, $0x1;
	s10 =	sld [smem:$0x3FB8];
	_ =	sdelay $0x3  }
0x34: {  	[smem:$0x3FB8] =	sst s10  }
0x35: {  	s10 =	sld [smem:$0x3FB7];
	_ =	sdelay $0x3  }
0x36: {  	p1 =	seq.s32 s10, $0x1;
	s10 =	sld [smem:$0x3FB8];
	_ =	sdelay $0x3  }
0x37: {  	[smem:$0x3FB8] =	sst s10  }
0x38: {  	s10 =	sld [smem:$0x3FB9]  }
0x39: {  	_ = 	snop;
	(pc) =	sbr.ind lr, $3  }
0x3a: {  	_ = 	snop  }
0x3b: {  	_ = 	snop  }
0x3c: {  	p2 =	seq.s32 s10, $0x1;
	s10 =	sld [smem:$0x3FB8]  }
0x3d: {  	_ =	shalt  }
0x3e: {  	_ =	shalt  }
0x3f: {  	_ =	shalt  }
0x40: {  	_ =	shalt  }
0x41: {  	_ =	shalt  }
0x42: {  	_ =	shalt  }
0x43: {  	_ =	shalt  }
0x44: {  	_ =	shalt  }
0x45: {  	_ =	shalt  }
0x46: {  	_ =	shalt  }
0x47: {  	_ =	shalt  }
0x48: {  	_ =	shalt  }
0x49: {  	_ =	shalt  }
0x4a: {  	_ =	shalt  }
0x4b: {  	_ =	shalt  }
0x4c: {  	_ =	shalt  }
0x4d: {  	_ =	shalt  }
0x4e: {  	_ =	shalt  }
0x4f: {  	_ =	shalt  }
0x50: {  	_ =	shalt  }
0x51: {  	_ =	shalt  }
0x52: {  	_ =	shalt  }
0x53: {  	_ =	shalt  }
0x54: {  	_ =	shalt  }
0x55: {  	_ =	shalt  }
0x56: {  	_ =	shalt  }
0x57: {  	_ =	shalt  }
0x58: {  	_ =	shalt  }
0x59: {  	_ =	shalt  }
0x5a: {  	_ =	shalt  }
0x5b: {  	_ =	shalt  }
0x5c: {  	_ =	shalt  }
0x5d: {  	_ =	shalt  }
0x5e: {  	_ =	shalt  }
0x5f: {  	_ =	shalt  }
0x60: {  	_ =	shalt  }
0x61: {  	_ =	shalt  }
0x62: {  	_ =	shalt  }
0x63: {  	_ =	shalt  }
0x64: {  	_ =	shalt  }
0x65: {  	_ =	shalt  }
0x66: {  	_ =	shalt  }
0x67: {  	_ =	shalt  }
0x68: {  	_ =	shalt  }
0x69: {  	_ =	shalt  }
0x6a: {  	_ =	shalt  }
0x6b: {  	_ =	shalt  }
0x6c: {  	_ =	shalt  }
0x6d: {  	_ =	shalt  }
0x6e: {  	_ =	shalt  }
0x6f: {  	_ =	shalt  }
0x70: {  	_ =	shalt  }
0x71: {  	_ =	shalt  }
0x72: {  	_ =	shalt  }
0x73: {  	_ =	shalt  }
0x74: {  	_ =	shalt  }
0x75: {  	_ =	shalt  }
0x76: {  	_ =	shalt  }
0x77: {  	_ =	shalt  }
0x78: {  	_ =	shalt  }
0x79: {  	_ =	shalt  }
0x7a: {  	_ =	shalt  }
0x7b: {  	_ =	shalt  }
0x7c: {  	_ =	shalt  }
0x7d: {  	_ =	shalt  }
0x7e: {  	_ =	shalt  }
0x7f: {  	_ =	shalt  }
0x80: {  	_ =	shalt  }
0x81: {  	_ =	shalt  }
0x82: {  	_ =	shalt  }
0x83: {  	_ =	shalt  }
0x84: {  	_ =	shalt  }
0x85: {  	_ =	shalt  }
0x86: {  	_ =	shalt  }
0x87: {  	_ =	shalt  }
.Lfunc_end0:
.L_simem_size_0:
called_computation.5_lowered:
.L_overlay_start_0:
0x88: {  	s2 =	sld [smem:$0x3FD9]  }
0x89: {  	s3 =	sld [smem:$0x3FFE];
	_ =	sdelay $0x1  }
0x8a: {  	s1 =	srdreg.scid  }
0x8b: {  	s0 =	sand.u32 $0x1, s1  }
0x8c: {  	s17 =	sshll.u32 s0, $0xA;
	s2 =	sadd.s32 s3, s2  }
0x8d: {  	s2 =	sadd.s32 s2, s17  }
0x8e: {  	[smem:$0x3FC4] =	sst s2  }
0x8f: {  	_ = 	snop  }
0x90: {  	(tm) =	ssettm $0x1  }
0x91: {  	s18 =	sld [smem:$0x3FFB];
	_ =	sdelay $0x3  }
0x92: {  	_ =	strace s18  }
0x93: {  	s2 =	sld [smem:$0x3FFC];
	_ =	sdelay $0x3  }
0x94: {  	_ =	strace s2  }
0x95: {  	s2 =	sld [smem:$0x3FFD];
	_ =	sdelay $0x3  }
0x96: {  	_ =	strace s2  }
0x97: {  	_ =	strace $0x8FFFFFFF  }
0x98: {  	s19 =	sld [smem:$0x3FDB];
	_ =	sdelay $0x1  }
0x99: {  	s20 =	simm.s32 $_scs_section_size  }
0x9a: {  	s4 =	simm.s32 $_size__tile_overlayer_lowered;
	s5 =	simm.s32 $_tile_overlayer_lowered  }
0x9b: {  	s6 =	simm.s32 $0x1BFF;
	s21 =	sshll.u32 s5, $0x1;
	s3 =	sadd.s32 s20, s19  }
0x9c: {  	s22 =	simm.s32 $0x0;
	s4 =	sshll.u32 s4, $0x1;
	s5 =	sadd.s32 s21, s3  }
0x9d: {  	[timem:s22], [sflag:s6] =	dma.local [hbm:s5], s4  }
0x9e: {  	_ =	swait.ge [sflag:s6], s4  }
0x9f: {  	s4 =	ssub.s32 $0x0, s4;
	[sflag:s6] =	ssyncset.done $0x0  }
0xa0: {  	[sflag:s6] =	ssyncadd.s32 s4;
	_ =	sdelay $0x1  }
0xa1: {  	s23 =	simm.s32 $0x1B8B  }
0xa2: {  	_ =	swait.ge [sflag:s23], $0x1  }
0xa3: {  	[sflag:s23] =	ssyncset.done $0x0  }
0xa4: {  	[sflag:s23] =	ssyncadd.s32 $0xFFFFFFFF  }
0xa5: {  	s4 =	sld [smem:$0x0]  }
0xa6: {  	s5 =	sand.u32 $0xFFFFFFFE, s1  }
0xa7: {  	p0 =	sne.s32 s1, s5  }
0xa8: {  	s5 =	sshll.u32 @p0 s5, $0xE  }
0xa9: {  	s5 =	sadd.s32 @p0 $0x11B8D, s5;
	s6 =	sshll.u32 @p0 s4, $0x11  }
0xaa: {  	s5 =	sor.u32 @p0 s6, s5  }
0xab: {  	[sflag:s5] =	ssyncadd.remote.s32 @p0 $0x1;
	_ =	sdelay $0x1  }
0xac: {  	s5 =	simm.s32 @p0 $0x1B8D  }
0xad: {  	_ =	swait.eq @p0 [sflag:s5], $0x1  }
0xae: {  	[sflag:s5] =	ssyncadd.s32 @p0 $0xFFFFFFFF  }
0xaf: {  	s6 =	sshll.u32 @!p0 s1, $0xE  }
0xb0: {  	s6 =	sor.u32 @!p0 $0x4000, s6;
	s5 =	simm.s32 @!p0 $0x1B8D  }
0xb1: {  	s4 =	sshll.u32 @!p0 s4, $0x11;
	s6 =	sadd.s32 @!p0 $0x11B8D, s6;
	_ =	swait.eq @!p0 [sflag:s5], $0x1  }
0xb2: {  	s4 =	sor.u32 @!p0 s4, s6;
	[sflag:s5] =	ssyncadd.s32 @!p0 $0xFFFFFFFF  }
0xb3: {  	s25 =	simm.s32 $0x1B8E;
	s24 =	sld [smem:$0x3FFE];
	[sflag:s4] =	ssyncadd.remote.s32 @!p0 $0x1  }
0xb4: {  	s26 =	simm.s32 $execute0_lowered;
	[smem:$0x3FD2] =	sst s25  }
0xb5: {  	s5 =	sshll.u32 s26, $0x1;
	_ =	strace $0x80000055;
	[dreg:$0x1] =	wrdreg $0xFFFFFFFF  }
0xb6: {  	s28 =	simm.s32 $_size_execute0_lowered;
	s3 =	sadd.s32 s3, s5;
	[dreg:$0x0] =	wrdreg $0x0  }
0xb7: {  	s5 =	sshll.u32 s28, $0x1;
	[dreg:$0x2] =	wrdreg s3  }
0xb8: {  	[dreg:$0x3] =	wrdreg s5  }
0xb9: {  	[dreg:$0x4] =	wrdreg $0xC0  }
0xba: {  	_ =	task [dreg:s22], $0x5FFFF  }
0xbb: {  	[dreg:$0x1] =	wrdreg $0xFFFFFFFF  }
0xbc: {  	[dreg:$0x0] =	wrdreg $0x60  }
0xbd: {  	[dreg:$0x2] =	wrdreg s24  }
0xbe: {  	[dreg:$0x3] =	wrdreg $0xE  }
0xbf: {  	_ =	task.clear_ibuf [dreg:s22], $0x4FFFF;
	_ =	strace $0x90000055  }
0xc0: {  	s29 =	simm.s32 $0xE;
	_ =	strace $0x80000057  }
0xc1: {  	_ =	swait.ge [sflag:s29], $0x1  }
0xc2: {  	[sflag:s29] =	ssyncadd.s32 $0xFFFFFFFF  }
0xc3: {  	_ =	strace $0x90000057  }
0xc4: {  	_ =	sfence  }
0xc5: {  	s30 =	sld [smem:$0x0];
	_ =	sdelay $0x2  }
0xc6: {  	s31 =	sshll.u32 s1, $0xD;
	s1 =	sshrl.u32 s1, $0x2  }
0xc7: {  	s4 =	sand.u32 $0x4000, s31;
	s1 =	sadd.s32 s1, s30  }
0xc8: {  	s0 =	sor.u32 s4, s0;
	s1 =	sshll.u32 s1, $0x11  }
0xc9: {  	s0 =	sor.u32 s1, s0  }
0xca: {  	s0 =	sadd.s32 $0x8F2B, s0  }
0xcb: {  	[sflag:s0] =	ssyncadd.remote.s32 $0x1  }
0xcc: {  	_ =	sfence.sel $0xFFFF  }
0xcd: {  	[dreg:$0x0] =	wrdreg $0xFFFFFFFF;
	(pc) =	sbr.abs _section_cstart, $3  }
0xce: {  	[dreg:$0x1] =	wrdreg $0xFFFFFFFF  }
0xcf: {  	_ =	task.clear_ibuf [dreg:s22], $0x2FFFF;
	_ =	strace $0x9FFFFFFF  }
0xd0: {  	(tm) =	ssettm $0x7FFFFFFF  }
0xd1: {  	_ =	shalt  }
tec
execute0_lowered:
.L_overlay_start_1:
0x0: {  	(tag) =	ssettag $0x1  }
0x1: {  	s1 =	srdreg.scid;
	s0 =	stileid.u32  }
0x2: {  	s25 =	sand.u32 $0x1, s1;
	s31 =	sshll.u32 s0, $0x1  }
0x3: {  	s6 =	sor.u32 s25, s31  }
0x4: {  	s9 =	rddreg [dreg:$0x0];
	s3 =	smul.u32 $0x64, s6  }
0x5: {  	s2 =	simm.s32 $0x0;
	s1 =	rddreg [dreg:$0x1]  }
0x6: {  	[smem:$0x7FF] =	sst s2;
	s3 =	sadd.s32 s3, s9  }
0x7: {  	_ =	strace $0x80000056;
	s4 =	sadd.s32 $0xF4A200, s3;
	s3 =	simm.s32 $0x2  }
0x8: {  	[tilespmem:s2], [sflag:$0x2] =	stream.linear.gather [hbm4b:s4+s2], $0x320, $0x38;
	[tilespmem:$0x2B80] =	vst v63  }
0x9: {  	s7 =	simm.s32 $0x380;
	_ =	swait.ge [sflag:s3], $0x320  }
0xa: {  	s8 =	simm.s32 $0x1;
	s5 =	sadd.s32 $0x4600, s9;
	[sflag:s3] =	ssyncset.done $0x0  }
0xb: {  	s10 =	smul.u32 $0x3200, s6;
	s6 =	simm.s32 $0x50;
	[sflag:s3] =	ssyncadd.s32 $0xFFFFFCE0  }
0xc: {  	[tilespmem:s7], [sflag:$0x1] =	stream.indirect.gather [hbm4b:s5+s6], $0x80, s2, s6, $0xb8;
	[tilespmem:$0x2B80] =	vst v63  }
0xd: {  	_ =	swait.ge [sflag:s8], $0x2800  }
0xe: {  	s26 =	sadd.s32 s10, s9;
	[sflag:s8] =	ssyncset.done $0x0  }
0xf: {  	s9 =	sadd.s32 $0x10DCC00, s26;
	[sflag:s8] =	ssyncadd.s32 $0xFFFFD800  }
0x10: {  	[hbm4b:s9+s2] =	stream.linear.scatter [tilespmem:s7], [sflag:$0x2], $0x2800, $0x38;
	[tilespmem:$0x2B80] =	vst v63  }
0x11: {  	_ =	swait.ge [sflag:s3], $0x2800  }
0x12: {  	[sflag:s3] =	ssyncset.done $0x0  }
0x13: {  	[sflag:s3] =	ssyncadd.s32 $0xFFFFD800  }
0x14: {  	[tilespmem:s7], [sflag:$0x1] =	stream.indirect.gather [hbm4b:s5+s6], $0x80, s6, s6, $0xb8;
	[tilespmem:$0x2B80] =	vst v63  }
0x15: {  	_ =	swait.ge [sflag:s8], $0x2800  }
0x16: {  	[sflag:s8] =	ssyncset.done $0x0  }
0x17: {  	s10 =	sadd.s32 $0x10DD100, s26;
	[sflag:s8] =	ssyncadd.s32 $0xFFFFD800  }
0x18: {  	[hbm4b:s10+s2] =	stream.linear.scatter [tilespmem:s7], [sflag:$0x2], $0x2800, $0x38;
	[tilespmem:$0x2B80] =	vst v63  }
0x19: {  	_ =	swait.ge [sflag:s3], $0x2800  }
0x1a: {  	[sflag:s3] =	ssyncset.done $0x0  }
0x1b: {  	s11 =	simm.s32 $0xA0;
	[sflag:s3] =	ssyncadd.s32 $0xFFFFD800  }
0x1c: {  	[tilespmem:s7], [sflag:$0x1] =	stream.indirect.gather [hbm4b:s5+s6], $0x80, s11, s6, $0xb8;
	[tilespmem:$0x2B80] =	vst v63  }
0x1d: {  	_ =	swait.ge [sflag:s8], $0x2800  }
0x1e: {  	[sflag:s8] =	ssyncset.done $0x0  }
0x1f: {  	s12 =	sadd.s32 $0x10DD600, s26;
	[sflag:s8] =	ssyncadd.s32 $0xFFFFD800  }
0x20: {  	[hbm4b:s12+s2] =	stream.linear.scatter [tilespmem:s7], [sflag:$0x2], $0x2800, $0x38;
	[tilespmem:$0x2B80] =	vst v63  }
0x21: {  	_ =	swait.ge [sflag:s3], $0x2800  }
0x22: {  	[sflag:s3] =	ssyncset.done $0x0  }
0x23: {  	s13 =	simm.s32 $0xF0;
	[sflag:s3] =	ssyncadd.s32 $0xFFFFD800  }
0x24: {  	[tilespmem:s7], [sflag:$0x1] =	stream.indirect.gather [hbm4b:s5+s6], $0x80, s13, s6, $0xb8;
	[tilespmem:$0x2B80] =	vst v63  }
0x25: {  	_ =	swait.ge [sflag:s8], $0x2800  }
0x26: {  	[sflag:s8] =	ssyncset.done $0x0  }
0x27: {  	s14 =	sadd.s32 $0x10DDB00, s26;
	[sflag:s8] =	ssyncadd.s32 $0xFFFFD800  }
0x28: {  	[hbm4b:s14+s2] =	stream.linear.scatter [tilespmem:s7], [sflag:$0x2], $0x2800, $0x38;
	[tilespmem:$0x2B80] =	vst v63  }
0x29: {  	_ =	swait.ge [sflag:s3], $0x2800  }
0x2a: {  	[sflag:s3] =	ssyncset.done $0x0  }
0x2b: {  	s15 =	simm.s32 $0x140;
	[sflag:s3] =	ssyncadd.s32 $0xFFFFD800  }
0x2c: {  	[tilespmem:s7], [sflag:$0x1] =	stream.indirect.gather [hbm4b:s5+s6], $0x80, s15, s6, $0xb8;
	[tilespmem:$0x2B80] =	vst v63  }
0x2d: {  	_ =	swait.ge [sflag:s8], $0x2800  }
0x2e: {  	[sflag:s8] =	ssyncset.done $0x0  }
0x2f: {  	s16 =	sadd.s32 $0x10DE000, s26;
	[sflag:s8] =	ssyncadd.s32 $0xFFFFD800  }
0x30: {  	[hbm4b:s16+s2] =	stream.linear.scatter [tilespmem:s7], [sflag:$0x2], $0x2800, $0x38;
	[tilespmem:$0x2B80] =	vst v63  }
0x31: {  	_ =	swait.ge [sflag:s3], $0x2800  }
0x32: {  	[sflag:s3] =	ssyncset.done $0x0  }
0x33: {  	s17 =	simm.s32 $0x190;
	[sflag:s3] =	ssyncadd.s32 $0xFFFFD800  }
0x34: {  	[tilespmem:s7], [sflag:$0x1] =	stream.indirect.gather [hbm4b:s5+s6], $0x80, s17, s6, $0xb8;
	[tilespmem:$0x2B80] =	vst v63  }
0x35: {  	_ =	swait.ge [sflag:s8], $0x2800  }
0x36: {  	[sflag:s8] =	ssyncset.done $0x0  }
0x37: {  	s18 =	sadd.s32 $0x10DE500, s26;
	[sflag:s8] =	ssyncadd.s32 $0xFFFFD800  }
0x38: {  	[hbm4b:s18+s2] =	stream.linear.scatter [tilespmem:s7], [sflag:$0x2], $0x2800, $0x38;
	[tilespmem:$0x2B80] =	vst v63  }
0x39: {  	_ =	swait.ge [sflag:s3], $0x2800  }
0x3a: {  	[sflag:s3] =	ssyncset.done $0x0  }
0x3b: {  	s19 =	simm.s32 $0x1E0;
	[sflag:s3] =	ssyncadd.s32 $0xFFFFD800  }
0x3c: {  	[tilespmem:s7], [sflag:$0x1] =	stream.indirect.gather [hbm4b:s5+s6], $0x80, s19, s6, $0xb8;
	[tilespmem:$0x2B80] =	vst v63  }
0x3d: {  	_ =	swait.ge [sflag:s8], $0x2800  }
0x3e: {  	[sflag:s8] =	ssyncset.done $0x0  }
0x3f: {  	s20 =	sadd.s32 $0x10DEA00, s26;
	[sflag:s8] =	ssyncadd.s32 $0xFFFFD800  }
0x40: {  	[hbm4b:s20+s2] =	stream.linear.scatter [tilespmem:s7], [sflag:$0x2], $0x2800, $0x38;
	[tilespmem:$0x2B80] =	vst v63  }
0x41: {  	_ =	swait.ge [sflag:s3], $0x2800  }
0x42: {  	[sflag:s3] =	ssyncset.done $0x0  }
0x43: {  	s21 =	simm.s32 $0x230;
	[sflag:s3] =	ssyncadd.s32 $0xFFFFD800  }
0x44: {  	[tilespmem:s7], [sflag:$0x1] =	stream.indirect.gather [hbm4b:s5+s6], $0x80, s21, s6, $0xb8;
	[tilespmem:$0x2B80] =	vst v63  }
0x45: {  	_ =	swait.ge [sflag:s8], $0x2800  }
0x46: {  	[sflag:s8] =	ssyncset.done $0x0  }
0x47: {  	s22 =	sadd.s32 $0x10DEF00, s26;
	[sflag:s8] =	ssyncadd.s32 $0xFFFFD800  }
0x48: {  	[hbm4b:s22+s2] =	stream.linear.scatter [tilespmem:s7], [sflag:$0x2], $0x2800, $0x38;
	[tilespmem:$0x2B80] =	vst v63  }
0x49: {  	_ =	swait.ge [sflag:s3], $0x2800  }
0x4a: {  	[sflag:s3] =	ssyncset.done $0x0  }
0x4b: {  	s23 =	simm.s32 $0x280;
	[sflag:s3] =	ssyncadd.s32 $0xFFFFD800  }
0x4c: {  	[tilespmem:s7], [sflag:$0x1] =	stream.indirect.gather [hbm4b:s5+s6], $0x80, s23, s6, $0xb8;
	[tilespmem:$0x2B80] =	vst v63  }
0x4d: {  	_ =	swait.ge [sflag:s8], $0x2800  }
0x4e: {  	[sflag:s8] =	ssyncset.done $0x0  }
0x4f: {  	s28 =	ssub.s32 $0x2, s25;
	s24 =	sadd.s32 $0x10DF400, s26;
	[sflag:s8] =	ssyncadd.s32 $0xFFFFD800  }
0x50: {  	[hbm4b:s24+s2] =	stream.linear.scatter [tilespmem:s7], [sflag:$0x2], $0x2800, $0x38;
	[tilespmem:$0x2B80] =	vst v63  }
0x51: {  	s29 =	sshrl.u32 s28, $0x1;
	_ =	swait.ge [sflag:s3], $0x2800  }
0x52: {  	s28 =	ssub.s32 s28, s29;
	[sflag:s3] =	ssyncset.done $0x0  }
0x53: {  	s25 =	simm.s32 $0x2D0;
	s28 =	smax.u32 s28, $0x1;
	[sflag:s3] =	ssyncadd.s32 $0xFFFFD800  }
0x54: {  	[tilespmem:s7], [sflag:$0x1] =	stream.indirect.gather [hbm4b:s5+s6], $0x80, s25, s6, $0xb8;
	[tilespmem:$0x2B80] =	vst v63  }
0x55: {  	p0 =	sne.s32 s28, $0x1;
	_ =	swait.ge [sflag:s8], $0x2800  }
.Ltmp0:
0x56: {  	[sflag:s8] =	ssyncset.done $0x0;
	(pc) =	sbr.rel @!p0 .LBB2_2-.Ltmp0, $4  }
0x57: {  	s26 =	sadd.s32 $0x10DF900, s26;
	[sflag:s8] =	ssyncadd.s32 $0xFFFFD800  }
0x58: {  	[hbm4b:s26+s2] =	stream.linear.scatter [tilespmem:s7], [sflag:$0x2], $0x2800, $0x38;
	[tilespmem:$0x2B80] =	vst v63  }
0x59: {  	_ =	swait.ge [sflag:s3], $0x2800  }
0x5a: {  	s28 =	sadd.s32 $0xFFFFFFFF, s28;
	[sflag:s3] =	ssyncset.done $0x0  }
.LBB2_1:
0x5b: {  	p0 =	sne.s32 s28, $0x1;
	s28 =	sadd.s32 $0xFFFFFFFF, s28;
	[sflag:s3] =	ssyncadd.s32 $0xFFFFD800  }
0x5c: {  	[tilespmem:s2], [sflag:$0x2] =	stream.linear.gather [hbm4b:s4+s2], $0x320, $0x38;
	[tilespmem:$0x2B80] =	vst v63  }
0x5d: {  	_ =	swait.ge [sflag:s3], $0x320  }
0x5e: {  	[sflag:s3] =	ssyncset.done $0x0  }
0x5f: {  	[sflag:s3] =	ssyncadd.s32 $0xFFFFFCE0  }
0x60: {  	[tilespmem:s7], [sflag:$0x1] =	stream.indirect.gather [hbm4b:s5+s6], $0x80, s2, s6, $0xb8;
	[tilespmem:$0x2B80] =	vst v63  }
0x61: {  	_ =	swait.ge [sflag:s8], $0x2800  }
0x62: {  	[sflag:s8] =	ssyncset.done $0x0  }
0x63: {  	[sflag:s8] =	ssyncadd.s32 $0xFFFFD800  }
0x64: {  	[hbm4b:s9+s2] =	stream.linear.scatter [tilespmem:s7], [sflag:$0x2], $0x2800, $0x38;
	[tilespmem:$0x2B80] =	vst v63  }
0x65: {  	_ =	swait.ge [sflag:s3], $0x2800  }
0x66: {  	[sflag:s3] =	ssyncset.done $0x0  }
0x67: {  	[sflag:s3] =	ssyncadd.s32 $0xFFFFD800  }
0x68: {  	[tilespmem:s7], [sflag:$0x1] =	stream.indirect.gather [hbm4b:s5+s6], $0x80, s6, s6, $0xb8;
	[tilespmem:$0x2B80] =	vst v63  }
0x69: {  	_ =	swait.ge [sflag:s8], $0x2800  }
0x6a: {  	[sflag:s8] =	ssyncset.done $0x0  }
0x6b: {  	[sflag:s8] =	ssyncadd.s32 $0xFFFFD800  }
0x6c: {  	[hbm4b:s10+s2] =	stream.linear.scatter [tilespmem:s7], [sflag:$0x2], $0x2800, $0x38;
	[tilespmem:$0x2B80] =	vst v63  }
0x6d: {  	_ =	swait.ge [sflag:s3], $0x2800  }
0x6e: {  	[sflag:s3] =	ssyncset.done $0x0  }
0x6f: {  	[sflag:s3] =	ssyncadd.s32 $0xFFFFD800  }
0x70: {  	[tilespmem:s7], [sflag:$0x1] =	stream.indirect.gather [hbm4b:s5+s6], $0x80, s11, s6, $0xb8;
	[tilespmem:$0x2B80] =	vst v63  }
0x71: {  	_ =	swait.ge [sflag:s8], $0x2800  }
0x72: {  	[sflag:s8] =	ssyncset.done $0x0  }
0x73: {  	[sflag:s8] =	ssyncadd.s32 $0xFFFFD800  }
0x74: {  	[hbm4b:s12+s2] =	stream.linear.scatter [tilespmem:s7], [sflag:$0x2], $0x2800, $0x38;
	[tilespmem:$0x2B80] =	vst v63  }
0x75: {  	_ =	swait.ge [sflag:s3], $0x2800  }
0x76: {  	[sflag:s3] =	ssyncset.done $0x0  }
0x77: {  	[sflag:s3] =	ssyncadd.s32 $0xFFFFD800  }
0x78: {  	[tilespmem:s7], [sflag:$0x1] =	stream.indirect.gather [hbm4b:s5+s6], $0x80, s13, s6, $0xb8;
	[tilespmem:$0x2B80] =	vst v63  }
0x79: {  	_ =	swait.ge [sflag:s8], $0x2800  }
0x7a: {  	[sflag:s8] =	ssyncset.done $0x0  }
0x7b: {  	[sflag:s8] =	ssyncadd.s32 $0xFFFFD800  }
0x7c: {  	[hbm4b:s14+s2] =	stream.linear.scatter [tilespmem:s7], [sflag:$0x2], $0x2800, $0x38;
	[tilespmem:$0x2B80] =	vst v63  }
0x7d: {  	_ =	swait.ge [sflag:s3], $0x2800  }
0x7e: {  	[sflag:s3] =	ssyncset.done $0x0  }
0x7f: {  	[sflag:s3] =	ssyncadd.s32 $0xFFFFD800  }
0x80: {  	[tilespmem:s7], [sflag:$0x1] =	stream.indirect.gather [hbm4b:s5+s6], $0x80, s15, s6, $0xb8;
	[tilespmem:$0x2B80] =	vst v63  }
0x81: {  	_ =	swait.ge [sflag:s8], $0x2800  }
0x82: {  	[sflag:s8] =	ssyncset.done $0x0  }
0x83: {  	[sflag:s8] =	ssyncadd.s32 $0xFFFFD800  }
0x84: {  	[hbm4b:s16+s2] =	stream.linear.scatter [tilespmem:s7], [sflag:$0x2], $0x2800, $0x38;
	[tilespmem:$0x2B80] =	vst v63  }
0x85: {  	_ =	swait.ge [sflag:s3], $0x2800  }
0x86: {  	[sflag:s3] =	ssyncset.done $0x0  }
0x87: {  	[sflag:s3] =	ssyncadd.s32 $0xFFFFD800  }
0x88: {  	[tilespmem:s7], [sflag:$0x1] =	stream.indirect.gather [hbm4b:s5+s6], $0x80, s17, s6, $0xb8;
	[tilespmem:$0x2B80] =	vst v63  }
0x89: {  	_ =	swait.ge [sflag:s8], $0x2800  }
0x8a: {  	[sflag:s8] =	ssyncset.done $0x0  }
0x8b: {  	[sflag:s8] =	ssyncadd.s32 $0xFFFFD800  }
0x8c: {  	[hbm4b:s18+s2] =	stream.linear.scatter [tilespmem:s7], [sflag:$0x2], $0x2800, $0x38;
	[tilespmem:$0x2B80] =	vst v63  }
0x8d: {  	_ =	swait.ge [sflag:s3], $0x2800  }
0x8e: {  	[sflag:s3] =	ssyncset.done $0x0  }
0x8f: {  	[sflag:s3] =	ssyncadd.s32 $0xFFFFD800  }
0x90: {  	[tilespmem:s7], [sflag:$0x1] =	stream.indirect.gather [hbm4b:s5+s6], $0x80, s19, s6, $0xb8;
	[tilespmem:$0x2B80] =	vst v63  }
0x91: {  	_ =	swait.ge [sflag:s8], $0x2800  }
0x92: {  	[sflag:s8] =	ssyncset.done $0x0  }
0x93: {  	[sflag:s8] =	ssyncadd.s32 $0xFFFFD800  }
0x94: {  	[hbm4b:s20+s2] =	stream.linear.scatter [tilespmem:s7], [sflag:$0x2], $0x2800, $0x38;
	[tilespmem:$0x2B80] =	vst v63  }
0x95: {  	_ =	swait.ge [sflag:s3], $0x2800  }
0x96: {  	[sflag:s3] =	ssyncset.done $0x0  }
0x97: {  	[sflag:s3] =	ssyncadd.s32 $0xFFFFD800  }
0x98: {  	[tilespmem:s7], [sflag:$0x1] =	stream.indirect.gather [hbm4b:s5+s6], $0x80, s21, s6, $0xb8;
	[tilespmem:$0x2B80] =	vst v63  }
0x99: {  	_ =	swait.ge [sflag:s8], $0x2800  }
0x9a: {  	[sflag:s8] =	ssyncset.done $0x0  }
0x9b: {  	[sflag:s8] =	ssyncadd.s32 $0xFFFFD800  }
0x9c: {  	[hbm4b:s22+s2] =	stream.linear.scatter [tilespmem:s7], [sflag:$0x2], $0x2800, $0x38;
	[tilespmem:$0x2B80] =	vst v63  }
0x9d: {  	_ =	swait.ge [sflag:s3], $0x2800  }
0x9e: {  	[sflag:s3] =	ssyncset.done $0x0  }
0x9f: {  	[sflag:s3] =	ssyncadd.s32 $0xFFFFD800  }
0xa0: {  	[tilespmem:s7], [sflag:$0x1] =	stream.indirect.gather [hbm4b:s5+s6], $0x80, s23, s6, $0xb8;
	[tilespmem:$0x2B80] =	vst v63  }
0xa1: {  	_ =	swait.ge [sflag:s8], $0x2800  }
0xa2: {  	[sflag:s8] =	ssyncset.done $0x0  }
0xa3: {  	[sflag:s8] =	ssyncadd.s32 $0xFFFFD800  }
0xa4: {  	[hbm4b:s24+s2] =	stream.linear.scatter [tilespmem:s7], [sflag:$0x2], $0x2800, $0x38;
	[tilespmem:$0x2B80] =	vst v63  }
0xa5: {  	_ =	swait.ge [sflag:s3], $0x2800  }
0xa6: {  	[sflag:s3] =	ssyncset.done $0x0  }
0xa7: {  	[sflag:s3] =	ssyncadd.s32 $0xFFFFD800  }
0xa8: {  	[tilespmem:s7], [sflag:$0x1] =	stream.indirect.gather [hbm4b:s5+s6], $0x80, s25, s6, $0xb8;
	[tilespmem:$0x2B80] =	vst v63  }
0xa9: {  	_ =	swait.ge [sflag:s8], $0x2800  }
.Ltmp1:
0xaa: {  	[sflag:s8] =	ssyncset.done $0x0;
	(pc) =	sbr.rel @p0 .LBB2_1-.Ltmp1, $4  }
0xab: {  	[sflag:s8] =	ssyncadd.s32 $0xFFFFD800  }
0xac: {  	[hbm4b:s26+s2] =	stream.linear.scatter [tilespmem:s7], [sflag:$0x2], $0x2800, $0x38;
	[tilespmem:$0x2B80] =	vst v63  }
0xad: {  	_ =	swait.ge [sflag:s3], $0x2800  }
0xae: {  	[sflag:s3] =	ssyncset.done $0x0  }
.LBB2_2:
0xaf: {  	[sflag:s3] =	ssyncadd.s32 $0xFFFFD800  }
0xb0: {  	_ =	sfence.sel $0x180000  }
0xb1: {  	[bflag:$0x0] =	sbarrier.arrive $0xFFFF  }
0xb2: {  	p0 =	sne.s32 s0, $0x0;
	_ =	strace $0x90000056  }
0xb3: {  	s0 =	sadd.s32 @!p0 $0x100000, s1;
	[bflag:$0x2] =	sbarrier.arrive $0xFFFF  }
0xb4: {  	[sflag:s0] =	ssyncadd.tile.s32 @!p0 $0x1;
	_ =	shalt  }
.Lfunc_end2:
_tile_overlayer_lowered:
.L_overlay_start_2:
0xb5: {  	(tag) =	ssettag $0x2  }
0xb6: {  	s0 =	rddreg [dreg:$0x0];
	s2 =	stileid.u32  }
0xb7: {  	s1 =	rddreg [dreg:$0x1];
	p0 =	sne.s32 s2, $0x0  }
0xb8: {  	s3 =	rddreg [dreg:$0x2];
	[bflag:$0x3] =	sbarrier.arrive $0xFFFF;
	s2 =	simm.s32 @!p0 $0x1C02  }
0xb9: {  	[timem:s3], [sflag:s2] =	dma.local @!p0 [hbm:s0], s1  }
0xba: {  	s0 =	simm.s32 @!p0 $0x2  }
0xbb: {  	_ =	swait.ge @!p0 [sflag:s0], s1  }
0xbc: {  	s1 =	ssub.s32 @!p0 $0x0, s1;
	[sflag:s0] =	ssyncset.done @!p0 $0x0  }
0xbd: {  	[sflag:s0] =	ssyncadd.s32 @!p0 s1  }
0xbe: {  	[bflag:$0x3] =	sbarrier.arrive $0xFFFF  }
0xbf: {  	_ =	shalt  }

// kernel: kernel.37.cloned.1.call-start
scs
__scs_entry_jumppad:
0x0: {  	(pc) =	sbr.rel $0x88, $3  }
0x1: {  	(tag) =	ssettag $0x0;
	lr =	simm.s32 $0x1  }
0x2: {  	[smem:$0x3F9D] =	sst lr;
	_ =	strace $0xD0000000  }
0x3: {  	_ = 	snop  }
0x4: {  	_ = 	snop  }
0x5: {  	_ = 	snop  }
0x6: {  	_ = 	snop  }
0x7: {  	_ = 	snop  }
__scs_overlays_trampoline_lowered:
0x8: {  	[smem:$0x3FAC] =	sst s0  }
0x9: {  	[smem:$0x3FAD] =	sst s1  }
0xa: {  	[smem:$0x3FAE] =	sst s2  }
0xb: {  	[smem:$0x3FAF] =	sst s3  }
0xc: {  	[smem:$0x3FB0] =	sst s4  }
0xd: {  	[smem:$0x3FB1] =	sst s5  }
0xe: {  	[smem:$0x3FB2] =	sst s6  }
0xf: {  	[smem:$0x3FB3] =	sst s7  }
0x10: {  	[smem:$0x3FB4] =	sst s8  }
0x11: {  	[smem:$0x3FB5] =	sst s9;
	s0 =	simm.s32 @!p0 $0x0  }
0x12: {  	s1 =	sld [smem:$0x3F9B];
	s0 =	simm.s32 @p0 $0x1  }
0x13: {  	[smem:$0x3FB6] =	sst s0;
	s0 =	simm.s32 @!p1 $0x0  }
0x14: {  	s2 =	sld [smem:$0x3F9A];
	s0 =	simm.s32 @p1 $0x1  }
0x15: {  	[smem:$0x3FB7] =	sst s0;
	s0 =	simm.s32 @!p2 $0x0  }
0x16: {  	s3 =	sld [smem:$0x3FDB];
	s0 =	simm.s32 @p2 $0x1  }
0x17: {  	s4 =	simm.s32 $0x1BF5;
	[smem:$0x3FB9] =	sst s0  }
0x18: {  	s0 =	sld [smem:$0x3F9C];
	_ =	swait.ge [sflag:s4], $0x0  }
0x19: {  	s7 =	sld [smem:$0x3F9D]  }
0x1a: {  	s8 =	sadd.s32 $0xFFFFE003, lr  }
0x1b: {  	s9 =	sadd.s32 $0xFFFFFEF7, lr;
	s5 =	simm.s32 $0xFFFFFFFF;
	p2 =	slt.u32 s8, $0xFFFFF086  }
0x1c: {  	p1 =	slt.u32 s9, $0xF7A;
	s5 =	simm.s32 @!p2 $0x0  }
0x1d: {  	s5 =	simm.s32 @p1 $0x1;
	p0 =	seq.s32 s7, s2  }
0x1e: {  	s7 =	smul.u32 @!p0 $0xF7A, s2;
	p2 =	seq.s32 @!p0 s5, $0x0  }
0x1f: {  	s9 =	smul.u32 $0xF7A, s1;
	s8 =	simm.s32 @!p0 $0x1BF5;
	p2 =	por !p2, p0  }
0x20: {  	[sflag:s8] =	ssyncset.s32 @!p0 $0xFFFFF086;
	s6 =	sadd.s32 @!p0 s3, s7;
	s7 =	simm.s32 @!p0 $0x108  }
0x21: {  	s3 =	sadd.s32 s3, s9;
	s6 =	sadd.s32 @!p0 $0x88, s6;
	s7 =	simm.s32 @p2 $0x1082  }
0x22: {  	[simem:s7], [sflag:s8] =	dma.local @!p0 [hbm:s6], $0xF7A  }
0x23: {  	s9 =	sor.u32 $0xD0000000, s2;
	s6 =	simm.s32 $0x108;
	_ =	swait.ge @!p0 [sflag:s8], $0x0  }
0x24: {  	s3 =	sadd.s32 $0x88, s3;
	s6 =	simm.s32 @!p1 $0x1082;
	[sflag:s4] =	ssyncset.s32 $0xFFFFF086  }
0x25: {  	[simem:s6], [sflag:s4] =	dma.local [hbm:s3], $0xF7A  }
0x26: {  	[smem:$0x3F9D] =	sst s1;
	(tag) =	ssettag s2;
	_ =	strace s9  }
0x27: {  	s1 =	sld [smem:$0x3FAD]  }
0x28: {  	s2 =	sld [smem:$0x3FAE]  }
0x29: {  	s4 =	sld [smem:$0x3FB0]  }
0x2a: {  	p0 =	seq.s32 s5, $0x0;
	s5 =	sld [smem:$0x3FB1]  }
0x2b: {  	s6 =	sld [smem:$0x3FB2]  }
0x2c: {  	s7 =	sld [smem:$0x3FB3]  }
0x2d: {  	s3 =	simm.s32 $0x108;
	s8 =	sld [smem:$0x3FB4]  }
0x2e: {  	s3 =	simm.s32 @!p0 $0x1082;
	s9 =	sld [smem:$0x3FB5]  }
0x2f: {  	lr =	sadd.s32 s0, s3;
	s0 =	sld [smem:$0x3FAC]  }
0x30: {  	s3 =	sld [smem:$0x3FAF]  }
0x31: {  	[smem:$0x3FB8] =	sst s10  }
0x32: {  	s10 =	sld [smem:$0x3FB6];
	_ =	sdelay $0x3  }
0x33: {  	p0 =	seq.s32 s10, $0x1;
	s10 =	sld [smem:$0x3FB8];
	_ =	sdelay $0x3  }
0x34: {  	[smem:$0x3FB8] =	sst s10  }
0x35: {  	s10 =	sld [smem:$0x3FB7];
	_ =	sdelay $0x3  }
0x36: {  	p1 =	seq.s32 s10, $0x1;
	s10 =	sld [smem:$0x3FB8];
	_ =	sdelay $0x3  }
0x37: {  	[smem:$0x3FB8] =	sst s10  }
0x38: {  	s10 =	sld [smem:$0x3FB9]  }
0x39: {  	_ = 	snop;
	(pc) =	sbr.ind lr, $3  }
0x3a: {  	_ = 	snop  }
0x3b: {  	_ = 	snop  }
0x3c: {  	p2 =	seq.s32 s10, $0x1;
	s10 =	sld [smem:$0x3FB8]  }
0x3d: {  	_ =	shalt  }
0x3e: {  	_ =	shalt  }
0x3f: {  	_ =	shalt  }
0x40: {  	_ =	shalt  }
0x41: {  	_ =	shalt  }
0x42: {  	_ =	shalt  }
0x43: {  	_ =	shalt  }
0x44: {  	_ =	shalt  }
0x45: {  	_ =	shalt  }
0x46: {  	_ =	shalt  }
0x47: {  	_ =	shalt  }
0x48: {  	_ =	shalt  }
0x49: {  	_ =	shalt  }
0x4a: {  	_ =	shalt  }
0x4b: {  	_ =	shalt  }
0x4c: {  	_ =	shalt  }
0x4d: {  	_ =	shalt  }
0x4e: {  	_ =	shalt  }
0x4f: {  	_ =	shalt  }
0x50: {  	_ =	shalt  }
0x51: {  	_ =	shalt  }
0x52: {  	_ =	shalt  }
0x53: {  	_ =	shalt  }
0x54: {  	_ =	shalt  }
0x55: {  	_ =	shalt  }
0x56: {  	_ =	shalt  }
0x57: {  	_ =	shalt  }
0x58: {  	_ =	shalt  }
0x59: {  	_ =	shalt  }
0x5a: {  	_ =	shalt  }
0x5b: {  	_ =	shalt  }
0x5c: {  	_ =	shalt  }
0x5d: {  	_ =	shalt  }
0x5e: {  	_ =	shalt  }
0x5f: {  	_ =	shalt  }
0x60: {  	_ =	shalt  }
0x61: {  	_ =	shalt  }
0x62: {  	_ =	shalt  }
0x63: {  	_ =	shalt  }
0x64: {  	_ =	shalt  }
0x65: {  	_ =	shalt  }
0x66: {  	_ =	shalt  }
0x67: {  	_ =	shalt  }
0x68: {  	_ =	shalt  }
0x69: {  	_ =	shalt  }
0x6a: {  	_ =	shalt  }
0x6b: {  	_ =	shalt  }
0x6c: {  	_ =	shalt  }
0x6d: {  	_ =	shalt  }
0x6e: {  	_ =	shalt  }
0x6f: {  	_ =	shalt  }
0x70: {  	_ =	shalt  }
0x71: {  	_ =	shalt  }
0x72: {  	_ =	shalt  }
0x73: {  	_ =	shalt  }
0x74: {  	_ =	shalt  }
0x75: {  	_ =	shalt  }
0x76: {  	_ =	shalt  }
0x77: {  	_ =	shalt  }
0x78: {  	_ =	shalt  }
0x79: {  	_ =	shalt  }
0x7a: {  	_ =	shalt  }
0x7b: {  	_ =	shalt  }
0x7c: {  	_ =	shalt  }
0x7d: {  	_ =	shalt  }
0x7e: {  	_ =	shalt  }
0x7f: {  	_ =	shalt  }
0x80: {  	_ =	shalt  }
0x81: {  	_ =	shalt  }
0x82: {  	_ =	shalt  }
0x83: {  	_ =	shalt  }
0x84: {  	_ =	shalt  }
0x85: {  	_ =	shalt  }
0x86: {  	_ =	shalt  }
0x87: {  	_ =	shalt  }
.Lfunc_end0:
.L_simem_size_0:
called_computation.6_lowered:
.L_overlay_start_0:
0x88: {  	s2 =	sld [smem:$0x3FD9]  }
0x89: {  	s3 =	sld [smem:$0x3FFE];
	_ =	sdelay $0x1  }
0x8a: {  	s1 =	srdreg.scid  }
0x8b: {  	s0 =	sand.u32 $0x1, s1  }
0x8c: {  	s17 =	sshll.u32 s0, $0xA;
	s2 =	sadd.s32 s3, s2  }
0x8d: {  	s2 =	sadd.s32 s2, s17  }
0x8e: {  	[smem:$0x3FC4] =	sst s2  }
0x8f: {  	_ = 	snop  }
0x90: {  	(tm) =	ssettm $0x1  }
0x91: {  	s18 =	sld [smem:$0x3FFB];
	_ =	sdelay $0x3  }
0x92: {  	_ =	strace s18  }
0x93: {  	s2 =	sld [smem:$0x3FFC];
	_ =	sdelay $0x3  }
0x94: {  	_ =	strace s2  }
0x95: {  	s2 =	sld [smem:$0x3FFD];
	_ =	sdelay $0x3  }
0x96: {  	_ =	strace s2  }
0x97: {  	_ =	strace $0x8FFFFFFF  }
0x98: {  	s19 =	sld [smem:$0x3FDB];
	_ =	sdelay $0x1  }
0x99: {  	s20 =	simm.s32 $_scs_section_size  }
0x9a: {  	s4 =	simm.s32 $_size__tile_overlayer_lowered;
	s5 =	simm.s32 $_tile_overlayer_lowered  }
0x9b: {  	s6 =	simm.s32 $0x1BFF;
	s21 =	sshll.u32 s5, $0x1;
	s3 =	sadd.s32 s20, s19  }
0x9c: {  	s22 =	simm.s32 $0x0;
	s4 =	sshll.u32 s4, $0x1;
	s5 =	sadd.s32 s21, s3  }
0x9d: {  	[timem:s22], [sflag:s6] =	dma.local [hbm:s5], s4  }
0x9e: {  	_ =	swait.ge [sflag:s6], s4  }
0x9f: {  	s4 =	ssub.s32 $0x0, s4;
	[sflag:s6] =	ssyncset.done $0x0  }
0xa0: {  	[sflag:s6] =	ssyncadd.s32 s4;
	_ =	sdelay $0x1  }
0xa1: {  	s23 =	simm.s32 $0x1B8B  }
0xa2: {  	_ =	swait.ge [sflag:s23], $0x1  }
0xa3: {  	[sflag:s23] =	ssyncset.done $0x0  }
0xa4: {  	[sflag:s23] =	ssyncadd.s32 $0xFFFFFFFF  }
0xa5: {  	s4 =	sld [smem:$0x0]  }
0xa6: {  	s5 =	sand.u32 $0xFFFFFFFE, s1  }
0xa7: {  	p0 =	sne.s32 s1, s5  }
0xa8: {  	s5 =	sshll.u32 @p0 s5, $0xE  }
0xa9: {  	s5 =	sadd.s32 @p0 $0x11B8D, s5;
	s6 =	sshll.u32 @p0 s4, $0x11  }
0xaa: {  	s5 =	sor.u32 @p0 s6, s5  }
0xab: {  	[sflag:s5] =	ssyncadd.remote.s32 @p0 $0x1;
	_ =	sdelay $0x1  }
0xac: {  	s5 =	simm.s32 @p0 $0x1B8D  }
0xad: {  	_ =	swait.eq @p0 [sflag:s5], $0x1  }
0xae: {  	[sflag:s5] =	ssyncadd.s32 @p0 $0xFFFFFFFF  }
0xaf: {  	s6 =	sshll.u32 @!p0 s1, $0xE  }
0xb0: {  	s6 =	sor.u32 @!p0 $0x4000, s6;
	s5 =	simm.s32 @!p0 $0x1B8D  }
0xb1: {  	s4 =	sshll.u32 @!p0 s4, $0x11;
	s6 =	sadd.s32 @!p0 $0x11B8D, s6;
	_ =	swait.eq @!p0 [sflag:s5], $0x1  }
0xb2: {  	s4 =	sor.u32 @!p0 s4, s6;
	[sflag:s5] =	ssyncadd.s32 @!p0 $0xFFFFFFFF  }
0xb3: {  	s25 =	simm.s32 $0x1B8E;
	s24 =	sld [smem:$0x3FFE];
	[sflag:s4] =	ssyncadd.remote.s32 @!p0 $0x1  }
0xb4: {  	s26 =	simm.s32 $execute0_lowered;
	[smem:$0x3FD2] =	sst s25  }
0xb5: {  	s5 =	sshll.u32 s26, $0x1;
	_ =	strace $0x80000058;
	[dreg:$0x1] =	wrdreg $0xFFFFFFFF  }
0xb6: {  	s28 =	simm.s32 $_size_execute0_lowered;
	s3 =	sadd.s32 s3, s5;
	[dreg:$0x0] =	wrdreg $0x0  }
0xb7: {  	s5 =	sshll.u32 s28, $0x1;
	[dreg:$0x2] =	wrdreg s3  }
0xb8: {  	[dreg:$0x3] =	wrdreg s5  }
0xb9: {  	[dreg:$0x4] =	wrdreg $0xC0  }
0xba: {  	_ =	task [dreg:s22], $0x5FFFF  }
0xbb: {  	[dreg:$0x1] =	wrdreg $0xFFFFFFFF  }
0xbc: {  	[dreg:$0x0] =	wrdreg $0x60  }
0xbd: {  	[dreg:$0x2] =	wrdreg s24  }
0xbe: {  	[dreg:$0x3] =	wrdreg $0xF  }
0xbf: {  	_ =	task.clear_ibuf [dreg:s22], $0x4FFFF;
	_ =	strace $0x90000058  }
0xc0: {  	s29 =	simm.s32 $0xF;
	_ =	strace $0x8000005A  }
0xc1: {  	_ =	swait.ge [sflag:s29], $0x1  }
0xc2: {  	[sflag:s29] =	ssyncadd.s32 $0xFFFFFFFF  }
0xc3: {  	_ =	strace $0x9000005A  }
0xc4: {  	_ =	sfence  }
0xc5: {  	s30 =	sld [smem:$0x0];
	_ =	sdelay $0x2  }
0xc6: {  	s31 =	sshll.u32 s1, $0xD;
	s1 =	sshrl.u32 s1, $0x2  }
0xc7: {  	s4 =	sand.u32 $0x4000, s31;
	s1 =	sadd.s32 s1, s30  }
0xc8: {  	s0 =	sor.u32 s4, s0;
	s1 =	sshll.u32 s1, $0x11  }
0xc9: {  	s0 =	sor.u32 s1, s0  }
0xca: {  	s0 =	sadd.s32 $0x8F2B, s0  }
0xcb: {  	[sflag:s0] =	ssyncadd.remote.s32 $0x1  }
0xcc: {  	_ =	sfence.sel $0xFFFF  }
0xcd: {  	[dreg:$0x0] =	wrdreg $0xFFFFFFFF;
	(pc) =	sbr.abs _section_cstart, $3  }
0xce: {  	[dreg:$0x1] =	wrdreg $0xFFFFFFFF  }
0xcf: {  	_ =	task.clear_ibuf [dreg:s22], $0x2FFFF;
	_ =	strace $0x9FFFFFFF  }
0xd0: {  	(tm) =	ssettm $0x7FFFFFFF  }
0xd1: {  	_ =	shalt  }
tec
execute0_lowered:
.L_overlay_start_1:
0x0: {  	(tag) =	ssettag $0x1  }
0x1: {  	s1 =	srdreg.scid;
	s0 =	stileid.u32  }
0x2: {  	s25 =	sand.u32 $0x1, s1;
	s31 =	sshll.u32 s0, $0x1  }
0x3: {  	s6 =	sor.u32 s25, s31  }
0x4: {  	s9 =	rddreg [dreg:$0x0];
	s3 =	smul.u32 $0x64, s6  }
0x5: {  	s2 =	simm.s32 $0x0;
	s1 =	rddreg [dreg:$0x1]  }
0x6: {  	[smem:$0x7FF] =	sst s2;
	s3 =	sadd.s32 s3, s9  }
0x7: {  	_ =	strace $0x80000059;
	s4 =	sadd.s32 $0xF4B000, s3;
	s3 =	simm.s32 $0x2  }
0x8: {  	[tilespmem:s2], [sflag:$0x2] =	stream.linear.gather [hbm4b:s4+s2], $0x320, $0x38;
	[tilespmem:$0x2B80] =	vst v63  }
0x9: {  	s7 =	simm.s32 $0x380;
	_ =	swait.ge [sflag:s3], $0x320  }
0xa: {  	s8 =	simm.s32 $0x1;
	s5 =	sadd.s32 $0x4600, s9;
	[sflag:s3] =	ssyncset.done $0x0  }
0xb: {  	s10 =	smul.u32 $0x3200, s6;
	s6 =	simm.s32 $0x50;
	[sflag:s3] =	ssyncadd.s32 $0xFFFFFCE0  }
0xc: {  	[tilespmem:s7], [sflag:$0x1] =	stream.indirect.gather [hbm4b:s5+s6], $0x80, s2, s6, $0xb8;
	[tilespmem:$0x2B80] =	vst v63  }
0xd: {  	_ =	swait.ge [sflag:s8], $0x2800  }
0xe: {  	s26 =	sadd.s32 s10, s9;
	[sflag:s8] =	ssyncset.done $0x0  }
0xf: {  	s9 =	sadd.s32 $0x1140C00, s26;
	[sflag:s8] =	ssyncadd.s32 $0xFFFFD800  }
0x10: {  	[hbm4b:s9+s2] =	stream.linear.scatter [tilespmem:s7], [sflag:$0x2], $0x2800, $0x38;
	[tilespmem:$0x2B80] =	vst v63  }
0x11: {  	_ =	swait.ge [sflag:s3], $0x2800  }
0x12: {  	[sflag:s3] =	ssyncset.done $0x0  }
0x13: {  	[sflag:s3] =	ssyncadd.s32 $0xFFFFD800  }
0x14: {  	[tilespmem:s7], [sflag:$0x1] =	stream.indirect.gather [hbm4b:s5+s6], $0x80, s6, s6, $0xb8;
	[tilespmem:$0x2B80] =	vst v63  }
0x15: {  	_ =	swait.ge [sflag:s8], $0x2800  }
0x16: {  	[sflag:s8] =	ssyncset.done $0x0  }
0x17: {  	s10 =	sadd.s32 $0x1141100, s26;
	[sflag:s8] =	ssyncadd.s32 $0xFFFFD800  }
0x18: {  	[hbm4b:s10+s2] =	stream.linear.scatter [tilespmem:s7], [sflag:$0x2], $0x2800, $0x38;
	[tilespmem:$0x2B80] =	vst v63  }
0x19: {  	_ =	swait.ge [sflag:s3], $0x2800  }
0x1a: {  	[sflag:s3] =	ssyncset.done $0x0  }
0x1b: {  	s11 =	simm.s32 $0xA0;
	[sflag:s3] =	ssyncadd.s32 $0xFFFFD800  }
0x1c: {  	[tilespmem:s7], [sflag:$0x1] =	stream.indirect.gather [hbm4b:s5+s6], $0x80, s11, s6, $0xb8;
	[tilespmem:$0x2B80] =	vst v63  }
0x1d: {  	_ =	swait.ge [sflag:s8], $0x2800  }
0x1e: {  	[sflag:s8] =	ssyncset.done $0x0  }
0x1f: {  	s12 =	sadd.s32 $0x1141600, s26;
	[sflag:s8] =	ssyncadd.s32 $0xFFFFD800  }
0x20: {  	[hbm4b:s12+s2] =	stream.linear.scatter [tilespmem:s7], [sflag:$0x2], $0x2800, $0x38;
	[tilespmem:$0x2B80] =	vst v63  }
0x21: {  	_ =	swait.ge [sflag:s3], $0x2800  }
0x22: {  	[sflag:s3] =	ssyncset.done $0x0  }
0x23: {  	s13 =	simm.s32 $0xF0;
	[sflag:s3] =	ssyncadd.s32 $0xFFFFD800  }
0x24: {  	[tilespmem:s7], [sflag:$0x1] =	stream.indirect.gather [hbm4b:s5+s6], $0x80, s13, s6, $0xb8;
	[tilespmem:$0x2B80] =	vst v63  }
0x25: {  	_ =	swait.ge [sflag:s8], $0x2800  }
0x26: {  	[sflag:s8] =	ssyncset.done $0x0  }
0x27: {  	s14 =	sadd.s32 $0x1141B00, s26;
	[sflag:s8] =	ssyncadd.s32 $0xFFFFD800  }
0x28: {  	[hbm4b:s14+s2] =	stream.linear.scatter [tilespmem:s7], [sflag:$0x2], $0x2800, $0x38;
	[tilespmem:$0x2B80] =	vst v63  }
0x29: {  	_ =	swait.ge [sflag:s3], $0x2800  }
0x2a: {  	[sflag:s3] =	ssyncset.done $0x0  }
0x2b: {  	s15 =	simm.s32 $0x140;
	[sflag:s3] =	ssyncadd.s32 $0xFFFFD800  }
0x2c: {  	[tilespmem:s7], [sflag:$0x1] =	stream.indirect.gather [hbm4b:s5+s6], $0x80, s15, s6, $0xb8;
	[tilespmem:$0x2B80] =	vst v63  }
0x2d: {  	_ =	swait.ge [sflag:s8], $0x2800  }
0x2e: {  	[sflag:s8] =	ssyncset.done $0x0  }
0x2f: {  	s16 =	sadd.s32 $0x1142000, s26;
	[sflag:s8] =	ssyncadd.s32 $0xFFFFD800  }
0x30: {  	[hbm4b:s16+s2] =	stream.linear.scatter [tilespmem:s7], [sflag:$0x2], $0x2800, $0x38;
	[tilespmem:$0x2B80] =	vst v63  }
0x31: {  	_ =	swait.ge [sflag:s3], $0x2800  }
0x32: {  	[sflag:s3] =	ssyncset.done $0x0  }
0x33: {  	s17 =	simm.s32 $0x190;
	[sflag:s3] =	ssyncadd.s32 $0xFFFFD800  }
0x34: {  	[tilespmem:s7], [sflag:$0x1] =	stream.indirect.gather [hbm4b:s5+s6], $0x80, s17, s6, $0xb8;
	[tilespmem:$0x2B80] =	vst v63  }
0x35: {  	_ =	swait.ge [sflag:s8], $0x2800  }
0x36: {  	[sflag:s8] =	ssyncset.done $0x0  }
0x37: {  	s18 =	sadd.s32 $0x1142500, s26;
	[sflag:s8] =	ssyncadd.s32 $0xFFFFD800  }
0x38: {  	[hbm4b:s18+s2] =	stream.linear.scatter [tilespmem:s7], [sflag:$0x2], $0x2800, $0x38;
	[tilespmem:$0x2B80] =	vst v63  }
0x39: {  	_ =	swait.ge [sflag:s3], $0x2800  }
0x3a: {  	[sflag:s3] =	ssyncset.done $0x0  }
0x3b: {  	s19 =	simm.s32 $0x1E0;
	[sflag:s3] =	ssyncadd.s32 $0xFFFFD800  }
0x3c: {  	[tilespmem:s7], [sflag:$0x1] =	stream.indirect.gather [hbm4b:s5+s6], $0x80, s19, s6, $0xb8;
	[tilespmem:$0x2B80] =	vst v63  }
0x3d: {  	_ =	swait.ge [sflag:s8], $0x2800  }
0x3e: {  	[sflag:s8] =	ssyncset.done $0x0  }
0x3f: {  	s20 =	sadd.s32 $0x1142A00, s26;
	[sflag:s8] =	ssyncadd.s32 $0xFFFFD800  }
0x40: {  	[hbm4b:s20+s2] =	stream.linear.scatter [tilespmem:s7], [sflag:$0x2], $0x2800, $0x38;
	[tilespmem:$0x2B80] =	vst v63  }
0x41: {  	_ =	swait.ge [sflag:s3], $0x2800  }
0x42: {  	[sflag:s3] =	ssyncset.done $0x0  }
0x43: {  	s21 =	simm.s32 $0x230;
	[sflag:s3] =	ssyncadd.s32 $0xFFFFD800  }
0x44: {  	[tilespmem:s7], [sflag:$0x1] =	stream.indirect.gather [hbm4b:s5+s6], $0x80, s21, s6, $0xb8;
	[tilespmem:$0x2B80] =	vst v63  }
0x45: {  	_ =	swait.ge [sflag:s8], $0x2800  }
0x46: {  	[sflag:s8] =	ssyncset.done $0x0  }
0x47: {  	s22 =	sadd.s32 $0x1142F00, s26;
	[sflag:s8] =	ssyncadd.s32 $0xFFFFD800  }
0x48: {  	[hbm4b:s22+s2] =	stream.linear.scatter [tilespmem:s7], [sflag:$0x2], $0x2800, $0x38;
	[tilespmem:$0x2B80] =	vst v63  }
0x49: {  	_ =	swait.ge [sflag:s3], $0x2800  }
0x4a: {  	[sflag:s3] =	ssyncset.done $0x0  }
0x4b: {  	s23 =	simm.s32 $0x280;
	[sflag:s3] =	ssyncadd.s32 $0xFFFFD800  }
0x4c: {  	[tilespmem:s7], [sflag:$0x1] =	stream.indirect.gather [hbm4b:s5+s6], $0x80, s23, s6, $0xb8;
	[tilespmem:$0x2B80] =	vst v63  }
0x4d: {  	_ =	swait.ge [sflag:s8], $0x2800  }
0x4e: {  	[sflag:s8] =	ssyncset.done $0x0  }
0x4f: {  	s28 =	ssub.s32 $0x2, s25;
	s24 =	sadd.s32 $0x1143400, s26;
	[sflag:s8] =	ssyncadd.s32 $0xFFFFD800  }
0x50: {  	[hbm4b:s24+s2] =	stream.linear.scatter [tilespmem:s7], [sflag:$0x2], $0x2800, $0x38;
	[tilespmem:$0x2B80] =	vst v63  }
0x51: {  	s29 =	sshrl.u32 s28, $0x1;
	_ =	swait.ge [sflag:s3], $0x2800  }
0x52: {  	s28 =	ssub.s32 s28, s29;
	[sflag:s3] =	ssyncset.done $0x0  }
0x53: {  	s25 =	simm.s32 $0x2D0;
	s28 =	smax.u32 s28, $0x1;
	[sflag:s3] =	ssyncadd.s32 $0xFFFFD800  }
0x54: {  	[tilespmem:s7], [sflag:$0x1] =	stream.indirect.gather [hbm4b:s5+s6], $0x80, s25, s6, $0xb8;
	[tilespmem:$0x2B80] =	vst v63  }
0x55: {  	p0 =	sne.s32 s28, $0x1;
	_ =	swait.ge [sflag:s8], $0x2800  }
.Ltmp0:
0x56: {  	[sflag:s8] =	ssyncset.done $0x0;
	(pc) =	sbr.rel @!p0 .LBB2_2-.Ltmp0, $4  }
0x57: {  	s26 =	sadd.s32 $0x1143900, s26;
	[sflag:s8] =	ssyncadd.s32 $0xFFFFD800  }
0x58: {  	[hbm4b:s26+s2] =	stream.linear.scatter [tilespmem:s7], [sflag:$0x2], $0x2800, $0x38;
	[tilespmem:$0x2B80] =	vst v63  }
0x59: {  	_ =	swait.ge [sflag:s3], $0x2800  }
0x5a: {  	s28 =	sadd.s32 $0xFFFFFFFF, s28;
	[sflag:s3] =	ssyncset.done $0x0  }
.LBB2_1:
0x5b: {  	p0 =	sne.s32 s28, $0x1;
	s28 =	sadd.s32 $0xFFFFFFFF, s28;
	[sflag:s3] =	ssyncadd.s32 $0xFFFFD800  }
0x5c: {  	[tilespmem:s2], [sflag:$0x2] =	stream.linear.gather [hbm4b:s4+s2], $0x320, $0x38;
	[tilespmem:$0x2B80] =	vst v63  }
0x5d: {  	_ =	swait.ge [sflag:s3], $0x320  }
0x5e: {  	[sflag:s3] =	ssyncset.done $0x0  }
0x5f: {  	[sflag:s3] =	ssyncadd.s32 $0xFFFFFCE0  }
0x60: {  	[tilespmem:s7], [sflag:$0x1] =	stream.indirect.gather [hbm4b:s5+s6], $0x80, s2, s6, $0xb8;
	[tilespmem:$0x2B80] =	vst v63  }
0x61: {  	_ =	swait.ge [sflag:s8], $0x2800  }
0x62: {  	[sflag:s8] =	ssyncset.done $0x0  }
0x63: {  	[sflag:s8] =	ssyncadd.s32 $0xFFFFD800  }
0x64: {  	[hbm4b:s9+s2] =	stream.linear.scatter [tilespmem:s7], [sflag:$0x2], $0x2800, $0x38;
	[tilespmem:$0x2B80] =	vst v63  }
0x65: {  	_ =	swait.ge [sflag:s3], $0x2800  }
0x66: {  	[sflag:s3] =	ssyncset.done $0x0  }
0x67: {  	[sflag:s3] =	ssyncadd.s32 $0xFFFFD800  }
0x68: {  	[tilespmem:s7], [sflag:$0x1] =	stream.indirect.gather [hbm4b:s5+s6], $0x80, s6, s6, $0xb8;
	[tilespmem:$0x2B80] =	vst v63  }
0x69: {  	_ =	swait.ge [sflag:s8], $0x2800  }
0x6a: {  	[sflag:s8] =	ssyncset.done $0x0  }
0x6b: {  	[sflag:s8] =	ssyncadd.s32 $0xFFFFD800  }
0x6c: {  	[hbm4b:s10+s2] =	stream.linear.scatter [tilespmem:s7], [sflag:$0x2], $0x2800, $0x38;
	[tilespmem:$0x2B80] =	vst v63  }
0x6d: {  	_ =	swait.ge [sflag:s3], $0x2800  }
0x6e: {  	[sflag:s3] =	ssyncset.done $0x0  }
0x6f: {  	[sflag:s3] =	ssyncadd.s32 $0xFFFFD800  }
0x70: {  	[tilespmem:s7], [sflag:$0x1] =	stream.indirect.gather [hbm4b:s5+s6], $0x80, s11, s6, $0xb8;
	[tilespmem:$0x2B80] =	vst v63  }
0x71: {  	_ =	swait.ge [sflag:s8], $0x2800  }
0x72: {  	[sflag:s8] =	ssyncset.done $0x0  }
0x73: {  	[sflag:s8] =	ssyncadd.s32 $0xFFFFD800  }
0x74: {  	[hbm4b:s12+s2] =	stream.linear.scatter [tilespmem:s7], [sflag:$0x2], $0x2800, $0x38;
	[tilespmem:$0x2B80] =	vst v63  }
0x75: {  	_ =	swait.ge [sflag:s3], $0x2800  }
0x76: {  	[sflag:s3] =	ssyncset.done $0x0  }
0x77: {  	[sflag:s3] =	ssyncadd.s32 $0xFFFFD800  }
0x78: {  	[tilespmem:s7], [sflag:$0x1] =	stream.indirect.gather [hbm4b:s5+s6], $0x80, s13, s6, $0xb8;
	[tilespmem:$0x2B80] =	vst v63  }
0x79: {  	_ =	swait.ge [sflag:s8], $0x2800  }
0x7a: {  	[sflag:s8] =	ssyncset.done $0x0  }
0x7b: {  	[sflag:s8] =	ssyncadd.s32 $0xFFFFD800  }
0x7c: {  	[hbm4b:s14+s2] =	stream.linear.scatter [tilespmem:s7], [sflag:$0x2], $0x2800, $0x38;
	[tilespmem:$0x2B80] =	vst v63  }
0x7d: {  	_ =	swait.ge [sflag:s3], $0x2800  }
0x7e: {  	[sflag:s3] =	ssyncset.done $0x0  }
0x7f: {  	[sflag:s3] =	ssyncadd.s32 $0xFFFFD800  }
0x80: {  	[tilespmem:s7], [sflag:$0x1] =	stream.indirect.gather [hbm4b:s5+s6], $0x80, s15, s6, $0xb8;
	[tilespmem:$0x2B80] =	vst v63  }
0x81: {  	_ =	swait.ge [sflag:s8], $0x2800  }
0x82: {  	[sflag:s8] =	ssyncset.done $0x0  }
0x83: {  	[sflag:s8] =	ssyncadd.s32 $0xFFFFD800  }
0x84: {  	[hbm4b:s16+s2] =	stream.linear.scatter [tilespmem:s7], [sflag:$0x2], $0x2800, $0x38;
	[tilespmem:$0x2B80] =	vst v63  }
0x85: {  	_ =	swait.ge [sflag:s3], $0x2800  }
0x86: {  	[sflag:s3] =	ssyncset.done $0x0  }
0x87: {  	[sflag:s3] =	ssyncadd.s32 $0xFFFFD800  }
0x88: {  	[tilespmem:s7], [sflag:$0x1] =	stream.indirect.gather [hbm4b:s5+s6], $0x80, s17, s6, $0xb8;
	[tilespmem:$0x2B80] =	vst v63  }
0x89: {  	_ =	swait.ge [sflag:s8], $0x2800  }
0x8a: {  	[sflag:s8] =	ssyncset.done $0x0  }
0x8b: {  	[sflag:s8] =	ssyncadd.s32 $0xFFFFD800  }
0x8c: {  	[hbm4b:s18+s2] =	stream.linear.scatter [tilespmem:s7], [sflag:$0x2], $0x2800, $0x38;
	[tilespmem:$0x2B80] =	vst v63  }
0x8d: {  	_ =	swait.ge [sflag:s3], $0x2800  }
0x8e: {  	[sflag:s3] =	ssyncset.done $0x0  }
0x8f: {  	[sflag:s3] =	ssyncadd.s32 $0xFFFFD800  }
0x90: {  	[tilespmem:s7], [sflag:$0x1] =	stream.indirect.gather [hbm4b:s5+s6], $0x80, s19, s6, $0xb8;
	[tilespmem:$0x2B80] =	vst v63  }
0x91: {  	_ =	swait.ge [sflag:s8], $0x2800  }
0x92: {  	[sflag:s8] =	ssyncset.done $0x0  }
0x93: {  	[sflag:s8] =	ssyncadd.s32 $0xFFFFD800  }
0x94: {  	[hbm4b:s20+s2] =	stream.linear.scatter [tilespmem:s7], [sflag:$0x2], $0x2800, $0x38;
	[tilespmem:$0x2B80] =	vst v63  }
0x95: {  	_ =	swait.ge [sflag:s3], $0x2800  }
0x96: {  	[sflag:s3] =	ssyncset.done $0x0  }
0x97: {  	[sflag:s3] =	ssyncadd.s32 $0xFFFFD800  }
0x98: {  	[tilespmem:s7], [sflag:$0x1] =	stream.indirect.gather [hbm4b:s5+s6], $0x80, s21, s6, $0xb8;
	[tilespmem:$0x2B80] =	vst v63  }
0x99: {  	_ =	swait.ge [sflag:s8], $0x2800  }
0x9a: {  	[sflag:s8] =	ssyncset.done $0x0  }
0x9b: {  	[sflag:s8] =	ssyncadd.s32 $0xFFFFD800  }
0x9c: {  	[hbm4b:s22+s2] =	stream.linear.scatter [tilespmem:s7], [sflag:$0x2], $0x2800, $0x38;
	[tilespmem:$0x2B80] =	vst v63  }
0x9d: {  	_ =	swait.ge [sflag:s3], $0x2800  }
0x9e: {  	[sflag:s3] =	ssyncset.done $0x0  }
0x9f: {  	[sflag:s3] =	ssyncadd.s32 $0xFFFFD800  }
0xa0: {  	[tilespmem:s7], [sflag:$0x1] =	stream.indirect.gather [hbm4b:s5+s6], $0x80, s23, s6, $0xb8;
	[tilespmem:$0x2B80] =	vst v63  }
0xa1: {  	_ =	swait.ge [sflag:s8], $0x2800  }
0xa2: {  	[sflag:s8] =	ssyncset.done $0x0  }
0xa3: {  	[sflag:s8] =	ssyncadd.s32 $0xFFFFD800  }
0xa4: {  	[hbm4b:s24+s2] =	stream.linear.scatter [tilespmem:s7], [sflag:$0x2], $0x2800, $0x38;
	[tilespmem:$0x2B80] =	vst v63  }
0xa5: {  	_ =	swait.ge [sflag:s3], $0x2800  }
0xa6: {  	[sflag:s3] =	ssyncset.done $0x0  }
0xa7: {  	[sflag:s3] =	ssyncadd.s32 $0xFFFFD800  }
0xa8: {  	[tilespmem:s7], [sflag:$0x1] =	stream.indirect.gather [hbm4b:s5+s6], $0x80, s25, s6, $0xb8;
	[tilespmem:$0x2B80] =	vst v63  }
0xa9: {  	_ =	swait.ge [sflag:s8], $0x2800  }
.Ltmp1:
0xaa: {  	[sflag:s8] =	ssyncset.done $0x0;
	(pc) =	sbr.rel @p0 .LBB2_1-.Ltmp1, $4  }
0xab: {  	[sflag:s8] =	ssyncadd.s32 $0xFFFFD800  }
0xac: {  	[hbm4b:s26+s2] =	stream.linear.scatter [tilespmem:s7], [sflag:$0x2], $0x2800, $0x38;
	[tilespmem:$0x2B80] =	vst v63  }
0xad: {  	_ =	swait.ge [sflag:s3], $0x2800  }
0xae: {  	[sflag:s3] =	ssyncset.done $0x0  }
.LBB2_2:
0xaf: {  	[sflag:s3] =	ssyncadd.s32 $0xFFFFD800  }
0xb0: {  	_ =	sfence.sel $0x180000  }
0xb1: {  	[bflag:$0x0] =	sbarrier.arrive $0xFFFF  }
0xb2: {  	p0 =	sne.s32 s0, $0x0;
	_ =	strace $0x90000059  }
0xb3: {  	s0 =	sadd.s32 @!p0 $0x100000, s1;
	[bflag:$0x2] =	sbarrier.arrive $0xFFFF  }
0xb4: {  	[sflag:s0] =	ssyncadd.tile.s32 @!p0 $0x1;
	_ =	shalt  }
.Lfunc_end2:
_tile_overlayer_lowered:
.L_overlay_start_2:
0xb5: {  	(tag) =	ssettag $0x2  }
0xb6: {  	s0 =	rddreg [dreg:$0x0];
	s2 =	stileid.u32  }
0xb7: {  	s1 =	rddreg [dreg:$0x1];
	p0 =	sne.s32 s2, $0x0  }
0xb8: {  	s3 =	rddreg [dreg:$0x2];
	[bflag:$0x3] =	sbarrier.arrive $0xFFFF;
	s2 =	simm.s32 @!p0 $0x1C02  }
0xb9: {  	[timem:s3], [sflag:s2] =	dma.local @!p0 [hbm:s0], s1  }
0xba: {  	s0 =	simm.s32 @!p0 $0x2  }
0xbb: {  	_ =	swait.ge @!p0 [sflag:s0], s1  }
0xbc: {  	s1 =	ssub.s32 @!p0 $0x0, s1;
	[sflag:s0] =	ssyncset.done @!p0 $0x0  }
0xbd: {  	[sflag:s0] =	ssyncadd.s32 @!p0 s1  }
0xbe: {  	[bflag:$0x3] =	sbarrier.arrive $0xFFFF  }
0xbf: {  	_ =	shalt  }

// kernel: kernel.40.cloned.1.call-start
scs
__scs_entry_jumppad:
0x0: {  	(pc) =	sbr.rel $0x88, $3  }
0x1: {  	(tag) =	ssettag $0x0;
	lr =	simm.s32 $0x1  }
0x2: {  	[smem:$0x3F9D] =	sst lr;
	_ =	strace $0xD0000000  }
0x3: {  	_ = 	snop  }
0x4: {  	_ = 	snop  }
0x5: {  	_ = 	snop  }
0x6: {  	_ = 	snop  }
0x7: {  	_ = 	snop  }
__scs_overlays_trampoline_lowered:
0x8: {  	[smem:$0x3FAC] =	sst s0  }
0x9: {  	[smem:$0x3FAD] =	sst s1  }
0xa: {  	[smem:$0x3FAE] =	sst s2  }
0xb: {  	[smem:$0x3FAF] =	sst s3  }
0xc: {  	[smem:$0x3FB0] =	sst s4  }
0xd: {  	[smem:$0x3FB1] =	sst s5  }
0xe: {  	[smem:$0x3FB2] =	sst s6  }
0xf: {  	[smem:$0x3FB3] =	sst s7  }
0x10: {  	[smem:$0x3FB4] =	sst s8  }
0x11: {  	[smem:$0x3FB5] =	sst s9;
	s0 =	simm.s32 @!p0 $0x0  }
0x12: {  	s1 =	sld [smem:$0x3F9B];
	s0 =	simm.s32 @p0 $0x1  }
0x13: {  	[smem:$0x3FB6] =	sst s0;
	s0 =	simm.s32 @!p1 $0x0  }
0x14: {  	s2 =	sld [smem:$0x3F9A];
	s0 =	simm.s32 @p1 $0x1  }
0x15: {  	[smem:$0x3FB7] =	sst s0;
	s0 =	simm.s32 @!p2 $0x0  }
0x16: {  	s3 =	sld [smem:$0x3FDB];
	s0 =	simm.s32 @p2 $0x1  }
0x17: {  	s4 =	simm.s32 $0x1BF5;
	[smem:$0x3FB9] =	sst s0  }
0x18: {  	s0 =	sld [smem:$0x3F9C];
	_ =	swait.ge [sflag:s4], $0x0  }
0x19: {  	s7 =	sld [smem:$0x3F9D]  }
0x1a: {  	s8 =	sadd.s32 $0xFFFFE003, lr  }
0x1b: {  	s9 =	sadd.s32 $0xFFFFFEF7, lr;
	s5 =	simm.s32 $0xFFFFFFFF;
	p2 =	slt.u32 s8, $0xFFFFF086  }
0x1c: {  	p1 =	slt.u32 s9, $0xF7A;
	s5 =	simm.s32 @!p2 $0x0  }
0x1d: {  	s5 =	simm.s32 @p1 $0x1;
	p0 =	seq.s32 s7, s2  }
0x1e: {  	s7 =	smul.u32 @!p0 $0xF7A, s2;
	p2 =	seq.s32 @!p0 s5, $0x0  }
0x1f: {  	s9 =	smul.u32 $0xF7A, s1;
	s8 =	simm.s32 @!p0 $0x1BF5;
	p2 =	por !p2, p0  }
0x20: {  	[sflag:s8] =	ssyncset.s32 @!p0 $0xFFFFF086;
	s6 =	sadd.s32 @!p0 s3, s7;
	s7 =	simm.s32 @!p0 $0x108  }
0x21: {  	s3 =	sadd.s32 s3, s9;
	s6 =	sadd.s32 @!p0 $0x88, s6;
	s7 =	simm.s32 @p2 $0x1082  }
0x22: {  	[simem:s7], [sflag:s8] =	dma.local @!p0 [hbm:s6], $0xF7A  }
0x23: {  	s9 =	sor.u32 $0xD0000000, s2;
	s6 =	simm.s32 $0x108;
	_ =	swait.ge @!p0 [sflag:s8], $0x0  }
0x24: {  	s3 =	sadd.s32 $0x88, s3;
	s6 =	simm.s32 @!p1 $0x1082;
	[sflag:s4] =	ssyncset.s32 $0xFFFFF086  }
0x25: {  	[simem:s6], [sflag:s4] =	dma.local [hbm:s3], $0xF7A  }
0x26: {  	[smem:$0x3F9D] =	sst s1;
	(tag) =	ssettag s2;
	_ =	strace s9  }
0x27: {  	s1 =	sld [smem:$0x3FAD]  }
0x28: {  	s2 =	sld [smem:$0x3FAE]  }
0x29: {  	s4 =	sld [smem:$0x3FB0]  }
0x2a: {  	p0 =	seq.s32 s5, $0x0;
	s5 =	sld [smem:$0x3FB1]  }
0x2b: {  	s6 =	sld [smem:$0x3FB2]  }
0x2c: {  	s7 =	sld [smem:$0x3FB3]  }
0x2d: {  	s3 =	simm.s32 $0x108;
	s8 =	sld [smem:$0x3FB4]  }
0x2e: {  	s3 =	simm.s32 @!p0 $0x1082;
	s9 =	sld [smem:$0x3FB5]  }
0x2f: {  	lr =	sadd.s32 s0, s3;
	s0 =	sld [smem:$0x3FAC]  }
0x30: {  	s3 =	sld [smem:$0x3FAF]  }
0x31: {  	[smem:$0x3FB8] =	sst s10  }
0x32: {  	s10 =	sld [smem:$0x3FB6];
	_ =	sdelay $0x3  }
0x33: {  	p0 =	seq.s32 s10, $0x1;
	s10 =	sld [smem:$0x3FB8];
	_ =	sdelay $0x3  }
0x34: {  	[smem:$0x3FB8] =	sst s10  }
0x35: {  	s10 =	sld [smem:$0x3FB7];
	_ =	sdelay $0x3  }
0x36: {  	p1 =	seq.s32 s10, $0x1;
	s10 =	sld [smem:$0x3FB8];
	_ =	sdelay $0x3  }
0x37: {  	[smem:$0x3FB8] =	sst s10  }
0x38: {  	s10 =	sld [smem:$0x3FB9]  }
0x39: {  	_ = 	snop;
	(pc) =	sbr.ind lr, $3  }
0x3a: {  	_ = 	snop  }
0x3b: {  	_ = 	snop  }
0x3c: {  	p2 =	seq.s32 s10, $0x1;
	s10 =	sld [smem:$0x3FB8]  }
0x3d: {  	_ =	shalt  }
0x3e: {  	_ =	shalt  }
0x3f: {  	_ =	shalt  }
0x40: {  	_ =	shalt  }
0x41: {  	_ =	shalt  }
0x42: {  	_ =	shalt  }
0x43: {  	_ =	shalt  }
0x44: {  	_ =	shalt  }
0x45: {  	_ =	shalt  }
0x46: {  	_ =	shalt  }
0x47: {  	_ =	shalt  }
0x48: {  	_ =	shalt  }
0x49: {  	_ =	shalt  }
0x4a: {  	_ =	shalt  }
0x4b: {  	_ =	shalt  }
0x4c: {  	_ =	shalt  }
0x4d: {  	_ =	shalt  }
0x4e: {  	_ =	shalt  }
0x4f: {  	_ =	shalt  }
0x50: {  	_ =	shalt  }
0x51: {  	_ =	shalt  }
0x52: {  	_ =	shalt  }
0x53: {  	_ =	shalt  }
0x54: {  	_ =	shalt  }
0x55: {  	_ =	shalt  }
0x56: {  	_ =	shalt  }
0x57: {  	_ =	shalt  }
0x58: {  	_ =	shalt  }
0x59: {  	_ =	shalt  }
0x5a: {  	_ =	shalt  }
0x5b: {  	_ =	shalt  }
0x5c: {  	_ =	shalt  }
0x5d: {  	_ =	shalt  }
0x5e: {  	_ =	shalt  }
0x5f: {  	_ =	shalt  }
0x60: {  	_ =	shalt  }
0x61: {  	_ =	shalt  }
0x62: {  	_ =	shalt  }
0x63: {  	_ =	shalt  }
0x64: {  	_ =	shalt  }
0x65: {  	_ =	shalt  }
0x66: {  	_ =	shalt  }
0x67: {  	_ =	shalt  }
0x68: {  	_ =	shalt  }
0x69: {  	_ =	shalt  }
0x6a: {  	_ =	shalt  }
0x6b: {  	_ =	shalt  }
0x6c: {  	_ =	shalt  }
0x6d: {  	_ =	shalt  }
0x6e: {  	_ =	shalt  }
0x6f: {  	_ =	shalt  }
0x70: {  	_ =	shalt  }
0x71: {  	_ =	shalt  }
0x72: {  	_ =	shalt  }
0x73: {  	_ =	shalt  }
0x74: {  	_ =	shalt  }
0x75: {  	_ =	shalt  }
0x76: {  	_ =	shalt  }
0x77: {  	_ =	shalt  }
0x78: {  	_ =	shalt  }
0x79: {  	_ =	shalt  }
0x7a: {  	_ =	shalt  }
0x7b: {  	_ =	shalt  }
0x7c: {  	_ =	shalt  }
0x7d: {  	_ =	shalt  }
0x7e: {  	_ =	shalt  }
0x7f: {  	_ =	shalt  }
0x80: {  	_ =	shalt  }
0x81: {  	_ =	shalt  }
0x82: {  	_ =	shalt  }
0x83: {  	_ =	shalt  }
0x84: {  	_ =	shalt  }
0x85: {  	_ =	shalt  }
0x86: {  	_ =	shalt  }
0x87: {  	_ =	shalt  }
.Lfunc_end0:
.L_simem_size_0:
called_computation.7_lowered:
.L_overlay_start_0:
0x88: {  	s2 =	sld [smem:$0x3FD9]  }
0x89: {  	s3 =	sld [smem:$0x3FFE];
	_ =	sdelay $0x1  }
0x8a: {  	s1 =	srdreg.scid  }
0x8b: {  	s0 =	sand.u32 $0x1, s1  }
0x8c: {  	s17 =	sshll.u32 s0, $0xA;
	s2 =	sadd.s32 s3, s2  }
0x8d: {  	s2 =	sadd.s32 s2, s17  }
0x8e: {  	[smem:$0x3FC4] =	sst s2  }
0x8f: {  	_ = 	snop  }
0x90: {  	(tm) =	ssettm $0x1  }
0x91: {  	s18 =	sld [smem:$0x3FFB];
	_ =	sdelay $0x3  }
0x92: {  	_ =	strace s18  }
0x93: {  	s2 =	sld [smem:$0x3FFC];
	_ =	sdelay $0x3  }
0x94: {  	_ =	strace s2  }
0x95: {  	s2 =	sld [smem:$0x3FFD];
	_ =	sdelay $0x3  }
0x96: {  	_ =	strace s2  }
0x97: {  	_ =	strace $0x8FFFFFFF  }
0x98: {  	s19 =	sld [smem:$0x3FDB];
	_ =	sdelay $0x1  }
0x99: {  	s20 =	simm.s32 $_scs_section_size  }
0x9a: {  	s4 =	simm.s32 $_size__tile_overlayer_lowered;
	s5 =	simm.s32 $_tile_overlayer_lowered  }
0x9b: {  	s6 =	simm.s32 $0x1BFF;
	s21 =	sshll.u32 s5, $0x1;
	s3 =	sadd.s32 s20, s19  }
0x9c: {  	s22 =	simm.s32 $0x0;
	s4 =	sshll.u32 s4, $0x1;
	s5 =	sadd.s32 s21, s3  }
0x9d: {  	[timem:s22], [sflag:s6] =	dma.local [hbm:s5], s4  }
0x9e: {  	_ =	swait.ge [sflag:s6], s4  }
0x9f: {  	s4 =	ssub.s32 $0x0, s4;
	[sflag:s6] =	ssyncset.done $0x0  }
0xa0: {  	[sflag:s6] =	ssyncadd.s32 s4;
	_ =	sdelay $0x1  }
0xa1: {  	s23 =	simm.s32 $0x1B8B  }
0xa2: {  	_ =	swait.ge [sflag:s23], $0x1  }
0xa3: {  	[sflag:s23] =	ssyncset.done $0x0  }
0xa4: {  	[sflag:s23] =	ssyncadd.s32 $0xFFFFFFFF  }
0xa5: {  	s4 =	sld [smem:$0x0]  }
0xa6: {  	s5 =	sand.u32 $0xFFFFFFFE, s1  }
0xa7: {  	p0 =	sne.s32 s1, s5  }
0xa8: {  	s5 =	sshll.u32 @p0 s5, $0xE  }
0xa9: {  	s5 =	sadd.s32 @p0 $0x11B8D, s5;
	s6 =	sshll.u32 @p0 s4, $0x11  }
0xaa: {  	s5 =	sor.u32 @p0 s6, s5  }
0xab: {  	[sflag:s5] =	ssyncadd.remote.s32 @p0 $0x1;
	_ =	sdelay $0x1  }
0xac: {  	s5 =	simm.s32 @p0 $0x1B8D  }
0xad: {  	_ =	swait.eq @p0 [sflag:s5], $0x1  }
0xae: {  	[sflag:s5] =	ssyncadd.s32 @p0 $0xFFFFFFFF  }
0xaf: {  	s6 =	sshll.u32 @!p0 s1, $0xE  }
0xb0: {  	s6 =	sor.u32 @!p0 $0x4000, s6;
	s5 =	simm.s32 @!p0 $0x1B8D  }
0xb1: {  	s4 =	sshll.u32 @!p0 s4, $0x11;
	s6 =	sadd.s32 @!p0 $0x11B8D, s6;
	_ =	swait.eq @!p0 [sflag:s5], $0x1  }
0xb2: {  	s4 =	sor.u32 @!p0 s4, s6;
	[sflag:s5] =	ssyncadd.s32 @!p0 $0xFFFFFFFF  }
0xb3: {  	s25 =	simm.s32 $0x1B8E;
	s24 =	sld [smem:$0x3FFE];
	[sflag:s4] =	ssyncadd.remote.s32 @!p0 $0x1  }
0xb4: {  	s26 =	simm.s32 $execute0_lowered;
	[smem:$0x3FD2] =	sst s25  }
0xb5: {  	s5 =	sshll.u32 s26, $0x1;
	_ =	strace $0x8000005B;
	[dreg:$0x1] =	wrdreg $0xFFFFFFFF  }
0xb6: {  	s28 =	simm.s32 $_size_execute0_lowered;
	s3 =	sadd.s32 s3, s5;
	[dreg:$0x0] =	wrdreg $0x0  }
0xb7: {  	s5 =	sshll.u32 s28, $0x1;
	[dreg:$0x2] =	wrdreg s3  }
0xb8: {  	[dreg:$0x3] =	wrdreg s5  }
0xb9: {  	[dreg:$0x4] =	wrdreg $0xC0  }
0xba: {  	_ =	task [dreg:s22], $0x5FFFF  }
0xbb: {  	[dreg:$0x1] =	wrdreg $0xFFFFFFFF  }
0xbc: {  	[dreg:$0x0] =	wrdreg $0x60  }
0xbd: {  	[dreg:$0x2] =	wrdreg s24  }
0xbe: {  	[dreg:$0x3] =	wrdreg $0x10  }
0xbf: {  	_ =	task.clear_ibuf [dreg:s22], $0x4FFFF;
	_ =	strace $0x9000005B  }
0xc0: {  	s29 =	simm.s32 $0x10;
	_ =	strace $0x8000005D  }
0xc1: {  	_ =	swait.ge [sflag:s29], $0x1  }
0xc2: {  	[sflag:s29] =	ssyncadd.s32 $0xFFFFFFFF  }
0xc3: {  	_ =	strace $0x9000005D  }
0xc4: {  	_ =	sfence  }
0xc5: {  	s30 =	sld [smem:$0x0];
	_ =	sdelay $0x2  }
0xc6: {  	s31 =	sshll.u32 s1, $0xD;
	s1 =	sshrl.u32 s1, $0x2  }
0xc7: {  	s4 =	sand.u32 $0x4000, s31;
	s1 =	sadd.s32 s1, s30  }
0xc8: {  	s0 =	sor.u32 s4, s0;
	s1 =	sshll.u32 s1, $0x11  }
0xc9: {  	s0 =	sor.u32 s1, s0  }
0xca: {  	s0 =	sadd.s32 $0x8F2B, s0  }
0xcb: {  	[sflag:s0] =	ssyncadd.remote.s32 $0x1  }
0xcc: {  	_ =	sfence.sel $0xFFFF  }
0xcd: {  	[dreg:$0x0] =	wrdreg $0xFFFFFFFF;
	(pc) =	sbr.abs _section_cstart, $3  }
0xce: {  	[dreg:$0x1] =	wrdreg $0xFFFFFFFF  }
0xcf: {  	_ =	task.clear_ibuf [dreg:s22], $0x2FFFF;
	_ =	strace $0x9FFFFFFF  }
0xd0: {  	(tm) =	ssettm $0x7FFFFFFF  }
0xd1: {  	_ =	shalt  }
tec
execute0_lowered:
.L_overlay_start_1:
0x0: {  	(tag) =	ssettag $0x1  }
0x1: {  	s1 =	srdreg.scid;
	s0 =	stileid.u32  }
0x2: {  	s25 =	sand.u32 $0x1, s1;
	s31 =	sshll.u32 s0, $0x1  }
0x3: {  	s6 =	sor.u32 s25, s31  }
0x4: {  	s9 =	rddreg [dreg:$0x0];
	s3 =	smul.u32 $0x64, s6  }
0x5: {  	s2 =	simm.s32 $0x0;
	s1 =	rddreg [dreg:$0x1]  }
0x6: {  	[smem:$0x7FF] =	sst s2;
	s3 =	sadd.s32 s3, s9  }
0x7: {  	_ =	strace $0x8000005C;
	s4 =	sadd.s32 $0xF4BE00, s3;
	s3 =	simm.s32 $0x2  }
0x8: {  	[tilespmem:s2], [sflag:$0x2] =	stream.linear.gather [hbm4b:s4+s2], $0x320, $0x38;
	[tilespmem:$0x2B80] =	vst v63  }
0x9: {  	s7 =	simm.s32 $0x380;
	_ =	swait.ge [sflag:s3], $0x320  }
0xa: {  	s8 =	simm.s32 $0x1;
	s5 =	sadd.s32 $0x4600, s9;
	[sflag:s3] =	ssyncset.done $0x0  }
0xb: {  	s10 =	smul.u32 $0x3200, s6;
	s6 =	simm.s32 $0x50;
	[sflag:s3] =	ssyncadd.s32 $0xFFFFFCE0  }
0xc: {  	[tilespmem:s7], [sflag:$0x1] =	stream.indirect.gather [hbm4b:s5+s6], $0x80, s2, s6, $0xb8;
	[tilespmem:$0x2B80] =	vst v63  }
0xd: {  	_ =	swait.ge [sflag:s8], $0x2800  }
0xe: {  	s26 =	sadd.s32 s10, s9;
	[sflag:s8] =	ssyncset.done $0x0  }
0xf: {  	s9 =	sadd.s32 $0x11A4C00, s26;
	[sflag:s8] =	ssyncadd.s32 $0xFFFFD800  }
0x10: {  	[hbm4b:s9+s2] =	stream.linear.scatter [tilespmem:s7], [sflag:$0x2], $0x2800, $0x38;
	[tilespmem:$0x2B80] =	vst v63  }
0x11: {  	_ =	swait.ge [sflag:s3], $0x2800  }
0x12: {  	[sflag:s3] =	ssyncset.done $0x0  }
0x13: {  	[sflag:s3] =	ssyncadd.s32 $0xFFFFD800  }
0x14: {  	[tilespmem:s7], [sflag:$0x1] =	stream.indirect.gather [hbm4b:s5+s6], $0x80, s6, s6, $0xb8;
	[tilespmem:$0x2B80] =	vst v63  }
0x15: {  	_ =	swait.ge [sflag:s8], $0x2800  }
0x16: {  	[sflag:s8] =	ssyncset.done $0x0  }
0x17: {  	s10 =	sadd.s32 $0x11A5100, s26;
	[sflag:s8] =	ssyncadd.s32 $0xFFFFD800  }
0x18: {  	[hbm4b:s10+s2] =	stream.linear.scatter [tilespmem:s7], [sflag:$0x2], $0x2800, $0x38;
	[tilespmem:$0x2B80] =	vst v63  }
0x19: {  	_ =	swait.ge [sflag:s3], $0x2800  }
0x1a: {  	[sflag:s3] =	ssyncset.done $0x0  }
0x1b: {  	s11 =	simm.s32 $0xA0;
	[sflag:s3] =	ssyncadd.s32 $0xFFFFD800  }
0x1c: {  	[tilespmem:s7], [sflag:$0x1] =	stream.indirect.gather [hbm4b:s5+s6], $0x80, s11, s6, $0xb8;
	[tilespmem:$0x2B80] =	vst v63  }
0x1d: {  	_ =	swait.ge [sflag:s8], $0x2800  }
0x1e: {  	[sflag:s8] =	ssyncset.done $0x0  }
0x1f: {  	s12 =	sadd.s32 $0x11A5600, s26;
	[sflag:s8] =	ssyncadd.s32 $0xFFFFD800  }
0x20: {  	[hbm4b:s12+s2] =	stream.linear.scatter [tilespmem:s7], [sflag:$0x2], $0x2800, $0x38;
	[tilespmem:$0x2B80] =	vst v63  }
0x21: {  	_ =	swait.ge [sflag:s3], $0x2800  }
0x22: {  	[sflag:s3] =	ssyncset.done $0x0  }
0x23: {  	s13 =	simm.s32 $0xF0;
	[sflag:s3] =	ssyncadd.s32 $0xFFFFD800  }
0x24: {  	[tilespmem:s7], [sflag:$0x1] =	stream.indirect.gather [hbm4b:s5+s6], $0x80, s13, s6, $0xb8;
	[tilespmem:$0x2B80] =	vst v63  }
0x25: {  	_ =	swait.ge [sflag:s8], $0x2800  }
0x26: {  	[sflag:s8] =	ssyncset.done $0x0  }
0x27: {  	s14 =	sadd.s32 $0x11A5B00, s26;
	[sflag:s8] =	ssyncadd.s32 $0xFFFFD800  }
0x28: {  	[hbm4b:s14+s2] =	stream.linear.scatter [tilespmem:s7], [sflag:$0x2], $0x2800, $0x38;
	[tilespmem:$0x2B80] =	vst v63  }
0x29: {  	_ =	swait.ge [sflag:s3], $0x2800  }
0x2a: {  	[sflag:s3] =	ssyncset.done $0x0  }
0x2b: {  	s15 =	simm.s32 $0x140;
	[sflag:s3] =	ssyncadd.s32 $0xFFFFD800  }
0x2c: {  	[tilespmem:s7], [sflag:$0x1] =	stream.indirect.gather [hbm4b:s5+s6], $0x80, s15, s6, $0xb8;
	[tilespmem:$0x2B80] =	vst v63  }
0x2d: {  	_ =	swait.ge [sflag:s8], $0x2800  }
0x2e: {  	[sflag:s8] =	ssyncset.done $0x0  }
0x2f: {  	s16 =	sadd.s32 $0x11A6000, s26;
	[sflag:s8] =	ssyncadd.s32 $0xFFFFD800  }
0x30: {  	[hbm4b:s16+s2] =	stream.linear.scatter [tilespmem:s7], [sflag:$0x2], $0x2800, $0x38;
	[tilespmem:$0x2B80] =	vst v63  }
0x31: {  	_ =	swait.ge [sflag:s3], $0x2800  }
0x32: {  	[sflag:s3] =	ssyncset.done $0x0  }
0x33: {  	s17 =	simm.s32 $0x190;
	[sflag:s3] =	ssyncadd.s32 $0xFFFFD800  }
0x34: {  	[tilespmem:s7], [sflag:$0x1] =	stream.indirect.gather [hbm4b:s5+s6], $0x80, s17, s6, $0xb8;
	[tilespmem:$0x2B80] =	vst v63  }
0x35: {  	_ =	swait.ge [sflag:s8], $0x2800  }
0x36: {  	[sflag:s8] =	ssyncset.done $0x0  }
0x37: {  	s18 =	sadd.s32 $0x11A6500, s26;
	[sflag:s8] =	ssyncadd.s32 $0xFFFFD800  }
0x38: {  	[hbm4b:s18+s2] =	stream.linear.scatter [tilespmem:s7], [sflag:$0x2], $0x2800, $0x38;
	[tilespmem:$0x2B80] =	vst v63  }
0x39: {  	_ =	swait.ge [sflag:s3], $0x2800  }
0x3a: {  	[sflag:s3] =	ssyncset.done $0x0  }
0x3b: {  	s19 =	simm.s32 $0x1E0;
	[sflag:s3] =	ssyncadd.s32 $0xFFFFD800  }
0x3c: {  	[tilespmem:s7], [sflag:$0x1] =	stream.indirect.gather [hbm4b:s5+s6], $0x80, s19, s6, $0xb8;
	[tilespmem:$0x2B80] =	vst v63  }
0x3d: {  	_ =	swait.ge [sflag:s8], $0x2800  }
0x3e: {  	[sflag:s8] =	ssyncset.done $0x0  }
0x3f: {  	s20 =	sadd.s32 $0x11A6A00, s26;
	[sflag:s8] =	ssyncadd.s32 $0xFFFFD800  }
0x40: {  	[hbm4b:s20+s2] =	stream.linear.scatter [tilespmem:s7], [sflag:$0x2], $0x2800, $0x38;
	[tilespmem:$0x2B80] =	vst v63  }
0x41: {  	_ =	swait.ge [sflag:s3], $0x2800  }
0x42: {  	[sflag:s3] =	ssyncset.done $0x0  }
0x43: {  	s21 =	simm.s32 $0x230;
	[sflag:s3] =	ssyncadd.s32 $0xFFFFD800  }
0x44: {  	[tilespmem:s7], [sflag:$0x1] =	stream.indirect.gather [hbm4b:s5+s6], $0x80, s21, s6, $0xb8;
	[tilespmem:$0x2B80] =	vst v63  }
0x45: {  	_ =	swait.ge [sflag:s8], $0x2800  }
0x46: {  	[sflag:s8] =	ssyncset.done $0x0  }
0x47: {  	s22 =	sadd.s32 $0x11A6F00, s26;
	[sflag:s8] =	ssyncadd.s32 $0xFFFFD800  }
0x48: {  	[hbm4b:s22+s2] =	stream.linear.scatter [tilespmem:s7], [sflag:$0x2], $0x2800, $0x38;
	[tilespmem:$0x2B80] =	vst v63  }
0x49: {  	_ =	swait.ge [sflag:s3], $0x2800  }
0x4a: {  	[sflag:s3] =	ssyncset.done $0x0  }
0x4b: {  	s23 =	simm.s32 $0x280;
	[sflag:s3] =	ssyncadd.s32 $0xFFFFD800  }
0x4c: {  	[tilespmem:s7], [sflag:$0x1] =	stream.indirect.gather [hbm4b:s5+s6], $0x80, s23, s6, $0xb8;
	[tilespmem:$0x2B80] =	vst v63  }
0x4d: {  	_ =	swait.ge [sflag:s8], $0x2800  }
0x4e: {  	[sflag:s8] =	ssyncset.done $0x0  }
0x4f: {  	s28 =	ssub.s32 $0x2, s25;
	s24 =	sadd.s32 $0x11A7400, s26;
	[sflag:s8] =	ssyncadd.s32 $0xFFFFD800  }
0x50: {  	[hbm4b:s24+s2] =	stream.linear.scatter [tilespmem:s7], [sflag:$0x2], $0x2800, $0x38;
	[tilespmem:$0x2B80] =	vst v63  }
0x51: {  	s29 =	sshrl.u32 s28, $0x1;
	_ =	swait.ge [sflag:s3], $0x2800  }
0x52: {  	s28 =	ssub.s32 s28, s29;
	[sflag:s3] =	ssyncset.done $0x0  }
0x53: {  	s25 =	simm.s32 $0x2D0;
	s28 =	smax.u32 s28, $0x1;
	[sflag:s3] =	ssyncadd.s32 $0xFFFFD800  }
0x54: {  	[tilespmem:s7], [sflag:$0x1] =	stream.indirect.gather [hbm4b:s5+s6], $0x80, s25, s6, $0xb8;
	[tilespmem:$0x2B80] =	vst v63  }
0x55: {  	p0 =	sne.s32 s28, $0x1;
	_ =	swait.ge [sflag:s8], $0x2800  }
.Ltmp0:
0x56: {  	[sflag:s8] =	ssyncset.done $0x0;
	(pc) =	sbr.rel @!p0 .LBB2_2-.Ltmp0, $4  }
0x57: {  	s26 =	sadd.s32 $0x11A7900, s26;
	[sflag:s8] =	ssyncadd.s32 $0xFFFFD800  }
0x58: {  	[hbm4b:s26+s2] =	stream.linear.scatter [tilespmem:s7], [sflag:$0x2], $0x2800, $0x38;
	[tilespmem:$0x2B80] =	vst v63  }
0x59: {  	_ =	swait.ge [sflag:s3], $0x2800  }
0x5a: {  	s28 =	sadd.s32 $0xFFFFFFFF, s28;
	[sflag:s3] =	ssyncset.done $0x0  }
.LBB2_1:
0x5b: {  	p0 =	sne.s32 s28, $0x1;
	s28 =	sadd.s32 $0xFFFFFFFF, s28;
	[sflag:s3] =	ssyncadd.s32 $0xFFFFD800  }
0x5c: {  	[tilespmem:s2], [sflag:$0x2] =	stream.linear.gather [hbm4b:s4+s2], $0x320, $0x38;
	[tilespmem:$0x2B80] =	vst v63  }
0x5d: {  	_ =	swait.ge [sflag:s3], $0x320  }
0x5e: {  	[sflag:s3] =	ssyncset.done $0x0  }
0x5f: {  	[sflag:s3] =	ssyncadd.s32 $0xFFFFFCE0  }
0x60: {  	[tilespmem:s7], [sflag:$0x1] =	stream.indirect.gather [hbm4b:s5+s6], $0x80, s2, s6, $0xb8;
	[tilespmem:$0x2B80] =	vst v63  }
0x61: {  	_ =	swait.ge [sflag:s8], $0x2800  }
0x62: {  	[sflag:s8] =	ssyncset.done $0x0  }
0x63: {  	[sflag:s8] =	ssyncadd.s32 $0xFFFFD800  }
0x64: {  	[hbm4b:s9+s2] =	stream.linear.scatter [tilespmem:s7], [sflag:$0x2], $0x2800, $0x38;
	[tilespmem:$0x2B80] =	vst v63  }
0x65: {  	_ =	swait.ge [sflag:s3], $0x2800  }
0x66: {  	[sflag:s3] =	ssyncset.done $0x0  }
0x67: {  	[sflag:s3] =	ssyncadd.s32 $0xFFFFD800  }
0x68: {  	[tilespmem:s7], [sflag:$0x1] =	stream.indirect.gather [hbm4b:s5+s6], $0x80, s6, s6, $0xb8;
	[tilespmem:$0x2B80] =	vst v63  }
0x69: {  	_ =	swait.ge [sflag:s8], $0x2800  }
0x6a: {  	[sflag:s8] =	ssyncset.done $0x0  }
0x6b: {  	[sflag:s8] =	ssyncadd.s32 $0xFFFFD800  }
0x6c: {  	[hbm4b:s10+s2] =	stream.linear.scatter [tilespmem:s7], [sflag:$0x2], $0x2800, $0x38;
	[tilespmem:$0x2B80] =	vst v63  }
0x6d: {  	_ =	swait.ge [sflag:s3], $0x2800  }
0x6e: {  	[sflag:s3] =	ssyncset.done $0x0  }
0x6f: {  	[sflag:s3] =	ssyncadd.s32 $0xFFFFD800  }
0x70: {  	[tilespmem:s7], [sflag:$0x1] =	stream.indirect.gather [hbm4b:s5+s6], $0x80, s11, s6, $0xb8;
	[tilespmem:$0x2B80] =	vst v63  }
0x71: {  	_ =	swait.ge [sflag:s8], $0x2800  }
0x72: {  	[sflag:s8] =	ssyncset.done $0x0  }
0x73: {  	[sflag:s8] =	ssyncadd.s32 $0xFFFFD800  }
0x74: {  	[hbm4b:s12+s2] =	stream.linear.scatter [tilespmem:s7], [sflag:$0x2], $0x2800, $0x38;
	[tilespmem:$0x2B80] =	vst v63  }
0x75: {  	_ =	swait.ge [sflag:s3], $0x2800  }
0x76: {  	[sflag:s3] =	ssyncset.done $0x0  }
0x77: {  	[sflag:s3] =	ssyncadd.s32 $0xFFFFD800  }
0x78: {  	[tilespmem:s7], [sflag:$0x1] =	stream.indirect.gather [hbm4b:s5+s6], $0x80, s13, s6, $0xb8;
	[tilespmem:$0x2B80] =	vst v63  }
0x79: {  	_ =	swait.ge [sflag:s8], $0x2800  }
0x7a: {  	[sflag:s8] =	ssyncset.done $0x0  }
0x7b: {  	[sflag:s8] =	ssyncadd.s32 $0xFFFFD800  }
0x7c: {  	[hbm4b:s14+s2] =	stream.linear.scatter [tilespmem:s7], [sflag:$0x2], $0x2800, $0x38;
	[tilespmem:$0x2B80] =	vst v63  }
0x7d: {  	_ =	swait.ge [sflag:s3], $0x2800  }
0x7e: {  	[sflag:s3] =	ssyncset.done $0x0  }
0x7f: {  	[sflag:s3] =	ssyncadd.s32 $0xFFFFD800  }
0x80: {  	[tilespmem:s7], [sflag:$0x1] =	stream.indirect.gather [hbm4b:s5+s6], $0x80, s15, s6, $0xb8;
	[tilespmem:$0x2B80] =	vst v63  }
0x81: {  	_ =	swait.ge [sflag:s8], $0x2800  }
0x82: {  	[sflag:s8] =	ssyncset.done $0x0  }
0x83: {  	[sflag:s8] =	ssyncadd.s32 $0xFFFFD800  }
0x84: {  	[hbm4b:s16+s2] =	stream.linear.scatter [tilespmem:s7], [sflag:$0x2], $0x2800, $0x38;
	[tilespmem:$0x2B80] =	vst v63  }
0x85: {  	_ =	swait.ge [sflag:s3], $0x2800  }
0x86: {  	[sflag:s3] =	ssyncset.done $0x0  }
0x87: {  	[sflag:s3] =	ssyncadd.s32 $0xFFFFD800  }
0x88: {  	[tilespmem:s7], [sflag:$0x1] =	stream.indirect.gather [hbm4b:s5+s6], $0x80, s17, s6, $0xb8;
	[tilespmem:$0x2B80] =	vst v63  }
0x89: {  	_ =	swait.ge [sflag:s8], $0x2800  }
0x8a: {  	[sflag:s8] =	ssyncset.done $0x0  }
0x8b: {  	[sflag:s8] =	ssyncadd.s32 $0xFFFFD800  }
0x8c: {  	[hbm4b:s18+s2] =	stream.linear.scatter [tilespmem:s7], [sflag:$0x2], $0x2800, $0x38;
	[tilespmem:$0x2B80] =	vst v63  }
0x8d: {  	_ =	swait.ge [sflag:s3], $0x2800  }
0x8e: {  	[sflag:s3] =	ssyncset.done $0x0  }
0x8f: {  	[sflag:s3] =	ssyncadd.s32 $0xFFFFD800  }
0x90: {  	[tilespmem:s7], [sflag:$0x1] =	stream.indirect.gather [hbm4b:s5+s6], $0x80, s19, s6, $0xb8;
	[tilespmem:$0x2B80] =	vst v63  }
0x91: {  	_ =	swait.ge [sflag:s8], $0x2800  }
0x92: {  	[sflag:s8] =	ssyncset.done $0x0  }
0x93: {  	[sflag:s8] =	ssyncadd.s32 $0xFFFFD800  }
0x94: {  	[hbm4b:s20+s2] =	stream.linear.scatter [tilespmem:s7], [sflag:$0x2], $0x2800, $0x38;
	[tilespmem:$0x2B80] =	vst v63  }
0x95: {  	_ =	swait.ge [sflag:s3], $0x2800  }
0x96: {  	[sflag:s3] =	ssyncset.done $0x0  }
0x97: {  	[sflag:s3] =	ssyncadd.s32 $0xFFFFD800  }
0x98: {  	[tilespmem:s7], [sflag:$0x1] =	stream.indirect.gather [hbm4b:s5+s6], $0x80, s21, s6, $0xb8;
	[tilespmem:$0x2B80] =	vst v63  }
0x99: {  	_ =	swait.ge [sflag:s8], $0x2800  }
0x9a: {  	[sflag:s8] =	ssyncset.done $0x0  }
0x9b: {  	[sflag:s8] =	ssyncadd.s32 $0xFFFFD800  }
0x9c: {  	[hbm4b:s22+s2] =	stream.linear.scatter [tilespmem:s7], [sflag:$0x2], $0x2800, $0x38;
	[tilespmem:$0x2B80] =	vst v63  }
0x9d: {  	_ =	swait.ge [sflag:s3], $0x2800  }
0x9e: {  	[sflag:s3] =	ssyncset.done $0x0  }
0x9f: {  	[sflag:s3] =	ssyncadd.s32 $0xFFFFD800  }
0xa0: {  	[tilespmem:s7], [sflag:$0x1] =	stream.indirect.gather [hbm4b:s5+s6], $0x80, s23, s6, $0xb8;
	[tilespmem:$0x2B80] =	vst v63  }
0xa1: {  	_ =	swait.ge [sflag:s8], $0x2800  }
0xa2: {  	[sflag:s8] =	ssyncset.done $0x0  }
0xa3: {  	[sflag:s8] =	ssyncadd.s32 $0xFFFFD800  }
0xa4: {  	[hbm4b:s24+s2] =	stream.linear.scatter [tilespmem:s7], [sflag:$0x2], $0x2800, $0x38;
	[tilespmem:$0x2B80] =	vst v63  }
0xa5: {  	_ =	swait.ge [sflag:s3], $0x2800  }
0xa6: {  	[sflag:s3] =	ssyncset.done $0x0  }
0xa7: {  	[sflag:s3] =	ssyncadd.s32 $0xFFFFD800  }
0xa8: {  	[tilespmem:s7], [sflag:$0x1] =	stream.indirect.gather [hbm4b:s5+s6], $0x80, s25, s6, $0xb8;
	[tilespmem:$0x2B80] =	vst v63  }
0xa9: {  	_ =	swait.ge [sflag:s8], $0x2800  }
.Ltmp1:
0xaa: {  	[sflag:s8] =	ssyncset.done $0x0;
	(pc) =	sbr.rel @p0 .LBB2_1-.Ltmp1, $4  }
0xab: {  	[sflag:s8] =	ssyncadd.s32 $0xFFFFD800  }
0xac: {  	[hbm4b:s26+s2] =	stream.linear.scatter [tilespmem:s7], [sflag:$0x2], $0x2800, $0x38;
	[tilespmem:$0x2B80] =	vst v63  }
0xad: {  	_ =	swait.ge [sflag:s3], $0x2800  }
0xae: {  	[sflag:s3] =	ssyncset.done $0x0  }
.LBB2_2:
0xaf: {  	[sflag:s3] =	ssyncadd.s32 $0xFFFFD800  }
0xb0: {  	_ =	sfence.sel $0x180000  }
0xb1: {  	[bflag:$0x0] =	sbarrier.arrive $0xFFFF  }
0xb2: {  	p0 =	sne.s32 s0, $0x0;
	_ =	strace $0x9000005C  }
0xb3: {  	s0 =	sadd.s32 @!p0 $0x100000, s1;
	[bflag:$0x2] =	sbarrier.arrive $0xFFFF  }
0xb4: {  	[sflag:s0] =	ssyncadd.tile.s32 @!p0 $0x1;
	_ =	shalt  }
.Lfunc_end2:
_tile_overlayer_lowered:
.L_overlay_start_2:
0xb5: {  	(tag) =	ssettag $0x2  }
0xb6: {  	s0 =	rddreg [dreg:$0x0];
	s2 =	stileid.u32  }
0xb7: {  	s1 =	rddreg [dreg:$0x1];
	p0 =	sne.s32 s2, $0x0  }
0xb8: {  	s3 =	rddreg [dreg:$0x2];
	[bflag:$0x3] =	sbarrier.arrive $0xFFFF;
	s2 =	simm.s32 @!p0 $0x1C02  }
0xb9: {  	[timem:s3], [sflag:s2] =	dma.local @!p0 [hbm:s0], s1  }
0xba: {  	s0 =	simm.s32 @!p0 $0x2  }
0xbb: {  	_ =	swait.ge @!p0 [sflag:s0], s1  }
0xbc: {  	s1 =	ssub.s32 @!p0 $0x0, s1;
	[sflag:s0] =	ssyncset.done @!p0 $0x0  }
0xbd: {  	[sflag:s0] =	ssyncadd.s32 @!p0 s1  }
0xbe: {  	[bflag:$0x3] =	sbarrier.arrive $0xFFFF  }
0xbf: {  	_ =	shalt  }

</sc_bundles>
